<compile_context>
chip_gen: v7x
topology: tpu7x:2x2x1
jax: 0.10.2.dev20260603
libtpu: 0.0.44.dev20260713+nightly
codegen_flags: <defaults>
</compile_context>

<pallas_src>
import functools

import jax
import jax.numpy as jnp
from jax import lax
from jax.experimental import pallas as pl
from jax.experimental.pallas import tpu as pltpu
from jax.experimental.pallas import tpu_sc as plsc

B = 16
Q = 900
C = 80
TOK = 256
K = 300
HALF = Q * C // 2
NV = HALF // 16
NB = 4096
NBV = NB // 16
CAND = 384
M = CAND
R = 384
G = 8

_HI = lax.Precision.HIGHEST


def _prob_body(logits_ref, pmt_ref, keys_ref):
    sig = jax.nn.sigmoid(logits_ref[0])
    prob = jnp.dot(sig, pmt_ref[...],
                   preferred_element_type=jnp.float32)
    keys_ref[0] = lax.bitcast_convert_type(prob, jnp.int32)


def _compute_keys(pred_logits, pmt):
    return pl.pallas_call(
        _prob_body,
        grid=(B,),
        in_specs=[
            pl.BlockSpec((1, Q, TOK), lambda b: (b, 0, 0)),
            pl.BlockSpec((TOK, C), lambda b: (0, 0)),
        ],
        out_specs=pl.BlockSpec((1, Q, C), lambda b: (b, 0, 0)),
        out_shape=jax.ShapeDtypeStruct((B, Q, C), jnp.int32),
    )(pred_logits, pmt)


def _sc_scan_hist(hist_v, oth_v, run0):
    iota16 = lax.iota(jnp.int32, 16)

    def body(j, carry):
        run, found, bb, cgt = carry
        blk = NBV - 1 - j
        hv = hist_v[pl.ds(blk * 16, 16)] + oth_v[pl.ds(blk * 16, 16)]
        ssum = jnp.sum(hv)
        crossing = jnp.logical_and(found == 0, run + ssum >= K)

        def hit():
            rev = lax.rev(hv, (0,))
            incl = plsc.cumsum(rev)
            excl = incl - rev
            ge = (run + incl) >= K
            p = plsc.all_reduce_ffs(ge)
            p = jnp.max(p) if getattr(p, "ndim", 0) else p
            cg = run + jnp.sum(jnp.where(iota16 == p, excl, 0))
            return blk * 16 + 15 - p, cg

        bb2, cg2 = lax.cond(crossing, hit, lambda: (bb, cgt))
        found2 = jnp.where(crossing, 1, found)
        return (run + ssum, found2, bb2, cg2)

    _, _, bb, cgt = lax.fori_loop(0, NBV, body, (run0, 0, 0, 0))
    return bb, cgt


def _sc_zero(ref, n):
    z = jnp.zeros((16,), jnp.int32)

    @plsc.parallel_loop(0, n // 16, 1, unroll=8)
    def _(i):
        ref[pl.ds(i * 16, 16)] = z


@functools.cache
def _make_sc_select():
    mesh = plsc.VectorSubcoreMesh(core_axis_name="c", subcore_axis_name="s",
                                  num_cores=2, num_subcores=16)
    return functools.partial(
        pl.kernel,
        out_type=[
            jax.ShapeDtypeStruct((B, CAND), jnp.int32),
            jax.ShapeDtypeStruct((B, CAND), jnp.int32),
        ],
        mesh=mesh,
        compiler_params=pltpu.CompilerParams(needs_layout_passes=False),
        scratch_types=[
            pltpu.VMEM((HALF,), jnp.int32),
            pltpu.VMEM((NB,), jnp.int32),
            pltpu.VMEM((NB,), jnp.int32),
            pltpu.VMEM((CAND,), jnp.int32),
            pltpu.VMEM((CAND,), jnp.int32),
            pltpu.VMEM((CAND,), jnp.int32),
            pltpu.VMEM((CAND,), jnp.int32),
            pltpu.VMEM_SHARED((16, NB), jnp.int32),
            pltpu.VMEM_SHARED((16, CAND), jnp.int32),
            pltpu.VMEM_SHARED((16, CAND), jnp.int32),
        ],
    )(_sc_select_body)


def _sc_select_body(keys_hbm, ck_hbm, ci_hbm, keys_v, hist_v, oth_v, ck_v,
                    ci_v, ck2_v, ci2_v, sh_hist, sh_ck, sh_ci):
    c = lax.axis_index("c")
    s = lax.axis_index("s")
    b = c * 8 + s // 2
    h = s % 2
    r = c * 16 + s
    ones = jnp.ones((16,), jnp.int32)
    iota16 = lax.iota(jnp.int32, 16)

    pltpu.sync_copy(keys_hbm.at[r], keys_v)

    _sc_zero(hist_v, NB)

    @plsc.parallel_loop(0, NV, 1, unroll=8)
    def _(i):
        v = keys_v[pl.ds(i * 16, 16)]
        plsc.addupdate_scatter(hist_v, [lax.shift_right_logical(v, 20)], ones)

    pltpu.sync_copy(hist_v, sh_hist.at[s])
    plsc.subcore_barrier()
    pltpu.sync_copy(sh_hist.at[s ^ 1], oth_v)
    b0, cgt0 = _sc_scan_hist(hist_v, oth_v, 0)

    _sc_zero(hist_v, NB)

    @plsc.parallel_loop(0, NV, 1, unroll=8)
    def _(i):
        v = keys_v[pl.ds(i * 16, 16)]
        m = lax.shift_right_logical(v, 20) == b0
        b2 = lax.shift_right_logical(v, 8) & 0xFFF
        plsc.addupdate_scatter(hist_v, [b2], ones, mask=m)

    plsc.subcore_barrier()
    pltpu.sync_copy(hist_v, sh_hist.at[s])
    plsc.subcore_barrier()
    pltpu.sync_copy(sh_hist.at[s ^ 1], oth_v)
    b1, _ = _sc_scan_hist(hist_v, oth_v, cgt0)

    thresh = lax.shift_left(b0 * NB + b1, 8)

    _sc_zero(ck_v, CAND)
    _sc_zero(ci_v, CAND)
    idx_base = h * HALF

    def p3(i, cnt):
        v = keys_v[pl.ds(i * 16, 16)]
        m = v >= thresh
        mi = m.astype(jnp.int32)
        pos = cnt + plsc.cumsum(mi) - mi
        mm = jnp.logical_and(m, pos < CAND)
        plsc.store_scatter(ck_v, [pos], v, mask=mm)
        plsc.store_scatter(ci_v, [pos], idx_base + i * 16 + iota16, mask=mm)
        return cnt + jnp.sum(mi)

    cnt = plsc.parallel_loop(0, NV, 1, unroll=4, carry=jnp.int32(0))(p3)

    pltpu.sync_copy(ck_v, sh_ck.at[s])
    pltpu.sync_copy(ci_v, sh_ci.at[s])
    plsc.subcore_barrier()

    @pl.when(h == 0)
    def _():
        pltpu.sync_copy(sh_ck.at[s + 1], ck2_v)
        pltpu.sync_copy(sh_ci.at[s + 1], ci2_v)

        def mrg(j, c2):
            k2 = ck2_v[pl.ds(j * 16, 16)]
            i2 = ci2_v[pl.ds(j * 16, 16)]
            m = k2 != 0
            mi = m.astype(jnp.int32)
            pos = cnt + c2 + plsc.cumsum(mi) - mi
            mm = jnp.logical_and(m, pos < CAND)
            plsc.store_scatter(ck_v, [pos], k2, mask=mm)
            plsc.store_scatter(ci_v, [pos], i2, mask=mm)
            return c2 + jnp.sum(mi)

        plsc.parallel_loop(0, CAND // 16, 1, unroll=4, carry=jnp.int32(0))(mrg)
        pltpu.sync_copy(ck_v, ck_hbm.at[b])
        pltpu.sync_copy(ci_v, ci_hbm.at[b])


def _order_body(ck_row_ref, ci_row_ref, ck_col_ref, ci_col_ref, boxes_ref,
                sf_ref, sc_ref, lb_ref, bx_ref):
    k_row = ck_row_ref[...]
    i_row = ci_row_ref[...]
    k_col = ck_col_ref[...]
    i_col = ci_col_ref[...]

    beaten = jnp.logical_or(
        k_row > k_col,
        jnp.logical_and(k_row == k_col, i_row < i_col))
    rank = jnp.sum(beaten.astype(jnp.int32), axis=2,
                   keepdims=True)

    liota_r = lax.broadcasted_iota(jnp.int32, (G, M, R), 2)
    pt = (rank == liota_r).astype(jnp.float32)

    qcol = i_col // C
    liota_q = lax.broadcasted_iota(jnp.int32, (G, M, Q), 2)
    oh3 = (qcol == liota_q).astype(jnp.float32)
    cand_boxes = lax.dot_general(
        oh3, boxes_ref[...], (((2,), (1,)), ((0,), (0,))), precision=_HI,
        preferred_element_type=jnp.float32)

    def dt(a, b):
        return lax.dot_general(a, b, (((1,), (1,)), ((0,), (0,))),
                               precision=_HI,
                               preferred_element_type=jnp.float32)

    prob_col = lax.bitcast_convert_type(k_col, jnp.float32)
    idxf_col = i_col.astype(jnp.float32)
    score_s = dt(pt, prob_col)
    idx_s = dt(pt, idxf_col).astype(jnp.int32)
    labels = idx_s % C
    bs = dt(pt, cand_boxes)

    cx, cy, w, h = (bs[:, :, 0:1], bs[:, :, 1:2], bs[:, :, 2:3],
                    bs[:, :, 3:4])
    xyxy = jnp.concatenate(
        [cx - 0.5 * w, cy - 0.5 * h, cx + 0.5 * w, cy + 0.5 * h], axis=2)
    xyxy = xyxy * sf_ref[...]

    sc_ref[...] = score_s[:, :K]
    lb_ref[...] = labels[:, :K]
    bx_ref[...] = xyxy[:, :K]


def _order(ck, ci, boxes, sf):
    return pl.pallas_call(
        _order_body,
        grid=(B // G,),
        in_specs=[
            pl.BlockSpec((G, 1, M), lambda g: (g, 0, 0)),
            pl.BlockSpec((G, 1, M), lambda g: (g, 0, 0)),
            pl.BlockSpec((G, M, 1), lambda g: (g, 0, 0)),
            pl.BlockSpec((G, M, 1), lambda g: (g, 0, 0)),
            pl.BlockSpec((G, Q, 4), lambda g: (g, 0, 0)),
            pl.BlockSpec((G, 1, 4), lambda g: (g, 0, 0)),
        ],
        out_specs=[
            pl.BlockSpec((G, K, 1), lambda g: (g, 0, 0)),
            pl.BlockSpec((G, K, 1), lambda g: (g, 0, 0)),
            pl.BlockSpec((G, K, 4), lambda g: (g, 0, 0)),
        ],
        out_shape=[
            jax.ShapeDtypeStruct((B, K, 1), jnp.float32),
            jax.ShapeDtypeStruct((B, K, 1), jnp.int32),
            jax.ShapeDtypeStruct((B, K, 4), jnp.float32),
        ],
    )(ck.reshape(B, 1, M), ci.reshape(B, 1, M), ck.reshape(B, M, 1),
      ci.reshape(B, M, 1), boxes, sf.reshape(B, 1, 4))


def kernel(pred_logits, pred_boxes, target_sizes, positive_map):
    keys = _compute_keys(pred_logits, positive_map.T)
    ck, ci = _make_sc_select()(keys.reshape(2 * B, HALF))
    ts = target_sizes.astype(jnp.float32)
    sf = jnp.stack([ts[:, 1], ts[:, 0], ts[:, 1], ts[:, 0]], axis=1)
    sc, lb, boxes = _order(ck, ci, pred_boxes, sf)
    return sc.reshape(B, K), lb.reshape(B, K), boxes

# --- scband reference (transcript-rebuilt; emitter-appended) ---
"""Pipeline reference for scband-post-process-coco-grounding-43946105373410 (READ-ONLY COPY).

The authoritative reference and input builder live on the scoring server;
editing this copy changes nothing except your own understanding.
"""

import jax, jax.numpy as jnp
import numpy as np

NUM_SELECT = 300
NUM_CLASSES = 80
TOKEN_DIM = 256

def setup_inputs(seed: int = 0) -> dict:
    key = jax.random.key(seed)
    k1, k2, k3, k4 = jax.random.split(key, 4)
    pred_logits = jax.random.normal(k1, (16, 900, TOKEN_DIM), dtype=jnp.float32)
    pred_boxes = jax.random.uniform(k2, (16, 900, 4), dtype=jnp.float32)
    target_sizes = jax.random.randint(k3, (16, 2), 480, 1333).astype(jnp.int32)
    # positive_map: [num_classes, 256] binary token-span map, row-normalized (as built in __init__)
    pm = (jax.random.uniform(k4, (NUM_CLASSES, TOKEN_DIM)) < 0.03).astype(jnp.float32)
    pm = pm / jnp.clip(pm.sum(axis=-1, keepdims=True), 1.0, None)
    return {"pred_logits": pred_logits, "pred_boxes": pred_boxes, "target_sizes": target_sizes, "positive_map": pm}

def box_cxcywh_to_xyxy(b):
    cx, cy, w, h = jnp.split(b, 4, axis=-1)
    return jnp.concatenate([cx - 0.5 * w, cy - 0.5 * h, cx + 0.5 * w, cy + 0.5 * h], axis=-1)

def reference(pred_logits, pred_boxes, target_sizes, positive_map):
    prob_to_token = jax.nn.sigmoid(pred_logits)
    prob = prob_to_token @ positive_map.T  # [B, Q, C]
    B, Q, C = prob.shape
    topk_values, topk_indexes = jax.lax.top_k(prob.reshape(B, Q * C), NUM_SELECT)
    scores = topk_values
    topk_boxes = topk_indexes // C
    labels = topk_indexes % C
    boxes = box_cxcywh_to_xyxy(pred_boxes)  # [B, Q, 4]
    gather_idx = jnp.repeat(topk_boxes[:, :, None], 4, axis=2)
    boxes = jnp.take_along_axis(boxes, gather_idx, axis=1)  # [B, num_select, 4]
    ts = target_sizes.astype(jnp.float32)
    img_h = ts[:, 0]
    img_w = ts[:, 1]
    scale_fct = jnp.stack([img_w, img_h, img_w, img_h], axis=1)
    boxes = boxes * scale_fct[:, None, :]
    return scores, labels, boxes

if __name__ == "__main__":
    import jax
    _d = setup_inputs()
    print(jax.jit(kernel)(*tuple(_d.values())))

</pallas_src>

<mosaic_0001>
#map = affine_map<(d0, d1) -> (0, 0)>
module attributes {stable_mosaic.version = 14 : i64} {
  func.func @_sc_select_body(%arg0: i32, %arg1: i32, %arg2: memref<32x36000xi32, #tpu.memory_space<hbm>>, %arg3: memref<16x384xi32, #tpu.memory_space<hbm>>, %arg4: memref<16x384xi32, #tpu.memory_space<hbm>>, %arg5: memref<36000xi32, #tpu.memory_space<vmem>>, %arg6: memref<4096xi32, #tpu.memory_space<vmem>>, %arg7: memref<4096xi32, #tpu.memory_space<vmem>>, %arg8: memref<384xi32, #tpu.memory_space<vmem>>, %arg9: memref<384xi32, #tpu.memory_space<vmem>>, %arg10: memref<384xi32, #tpu.memory_space<vmem>>, %arg11: memref<384xi32, #tpu.memory_space<vmem>>, %arg12: memref<16x4096xi32, #tpu.memory_space<vmem_shared>>, %arg13: memref<16x384xi32, #tpu.memory_space<vmem_shared>>, %arg14: memref<16x384xi32, #tpu.memory_space<vmem_shared>>) attributes {dimension_semantics = [#tpu.dimension_semantics<core_parallel>, #tpu.dimension_semantics<subcore_parallel>], iteration_bounds = array<i64: 2, 16>, scalar_prefetch = 0 : i64, scratch_operands = 10 : i64, tpu.core_type = #tpu.core_type<sc_vector_subcore>, window_params = [{transform_indices = #map}, {transform_indices = #map}, {transform_indices = #map}]} {
    %mul3A = arith.constant 8 : i32
    %mul3A_0 = arith.muli %arg0, %mul3A : i32
    %jit3A = arith.constant 2 : i32
    %div3A = arith.divsi %arg1, %jit3A : i32
    %sign3A = arith.constant 0 : i32
    %sign3A_1 = arith.cmpi sgt, %arg1, %sign3A : i32
    %sign3A_2 = arith.extui %sign3A_1 : i1 to i32
    %sign3A_3 = arith.constant 0 : i32
    %sign3A_4 = arith.cmpi slt, %arg1, %sign3A_3 : i32
    %sign3A_5 = arith.extui %sign3A_4 : i1 to i32
    %sign3A_6 = arith.subi %sign3A_2, %sign3A_5 : i32
    %sign3A_7 = arith.constant 0 : i32
    %sign3A_8 = arith.cmpi sgt, %jit3A, %sign3A_7 : i32
    %sign3A_9 = arith.extui %sign3A_8 : i1 to i32
    %sign3A_10 = arith.constant 0 : i32
    %sign3A_11 = arith.cmpi slt, %jit3A, %sign3A_10 : i32
    %sign3A_12 = arith.extui %sign3A_11 : i1 to i32
    %sign3A_13 = arith.subi %sign3A_9, %sign3A_12 : i32
    %ne3A = arith.cmpi ne, %sign3A_6, %sign3A_13 : i32
    %rem3A = arith.remsi %arg1, %jit3A : i32
    %ne3A_14 = arith.constant 0 : i32
    %ne3A_15 = arith.cmpi ne, %rem3A, %ne3A_14 : i32
    %and3A = arith.andi %ne3A, %ne3A_15 : i1
    %sub3A = arith.constant 1 : i32
    %sub3A_16 = arith.subi %div3A, %sub3A : i32
    %select_n3A = arith.select %and3A, %sub3A_16, %div3A : i32
    %add3A = arith.addi %mul3A_0, %select_n3A : i32
    %jit3A_17 = arith.constant 2 : i32
    %eq3A = arith.constant 0 : i32
    %eq3A_18 = arith.cmpi eq, %jit3A_17, %eq3A : i32
    %jit3A_19 = arith.constant 1 : i32
    %select_n3A_20 = arith.select %eq3A_18, %jit3A_19, %jit3A_17 : i32
    %rem3A_21 = arith.remsi %arg1, %select_n3A_20 : i32
    %ne3A_22 = arith.constant 0 : i32
    %ne3A_23 = arith.cmpi ne, %rem3A_21, %ne3A_22 : i32
    %lt3A = arith.constant 0 : i32
    %lt3A_24 = arith.cmpi slt, %rem3A_21, %lt3A : i32
    %lt3A_25 = arith.constant 0 : i32
    %lt3A_26 = arith.cmpi slt, %select_n3A_20, %lt3A_25 : i32
    %ne3A_27 = arith.xori %lt3A_24, %lt3A_26 : i1
    %and3A_28 = arith.andi %ne3A_27, %ne3A_23 : i1
    %add3A_29 = arith.addi %rem3A_21, %select_n3A_20 : i32
    %select_n3A_30 = arith.select %and3A_28, %add3A_29, %rem3A_21 : i32
    %mul3A_31 = arith.constant 16 : i32
    %mul3A_32 = arith.muli %arg0, %mul3A_31 : i32
    %add3A_33 = arith.addi %mul3A_32, %arg1 : i32
    %broadcast_in_dim3A = arith.constant 1 : i32
    %broadcast_in_dim3A_34 = vector.broadcast %broadcast_in_dim3A : i32 to vector<16xi32>
    %iota3A = tpu.iota {dimensions = array<i32: 0>} : vector<16xi32>
    "tpu.region"() ({
      %run_scoped3A = tpu.sem_alloc : memref<!tpu.dma_semaphore, #tpu.memory_space<semaphore_mem>>
      %dma_start3A = arith.constant 0 : i32
      %dma_start3A_100 = tpu.memref_slice %arg2[%add3A_33, %dma_start3A] : memref<32x36000xi32, #tpu.memory_space<hbm>> -> memref<1x36000xi32, #tpu.memory_space<hbm>>
      %dma_start3A_101 = tpu.memref_squeeze %dma_start3A_100 : memref<1x36000xi32, #tpu.memory_space<hbm>> -> memref<36000xi32, #tpu.memory_space<hbm>>
      %dma_start3A_102 = arith.constant 0 : i32
      %dma_start3A_103 = tpu.memref_slice %arg2[%add3A_33, %dma_start3A_102] : memref<32x36000xi32, #tpu.memory_space<hbm>> -> memref<1x36000xi32, #tpu.memory_space<hbm>>
      %dma_start3A_104 = tpu.memref_squeeze %dma_start3A_103 : memref<1x36000xi32, #tpu.memory_space<hbm>> -> memref<36000xi32, #tpu.memory_space<hbm>>
      tpu.enqueue_dma source(%dma_start3A_104 : memref<36000xi32, #tpu.memory_space<hbm>>) target(%arg5 : memref<36000xi32, #tpu.memory_space<vmem>>) target_semaphore(%run_scoped3A : memref<!tpu.dma_semaphore, #tpu.memory_space<semaphore_mem>>)
      %dma_wait3A = arith.constant 0 : i32
      %dma_wait3A_105 = tpu.memref_slice %arg2[%add3A_33, %dma_wait3A] : memref<32x36000xi32, #tpu.memory_space<hbm>> -> memref<1x36000xi32, #tpu.memory_space<hbm>>
      %dma_wait3A_106 = tpu.memref_squeeze %dma_wait3A_105 : memref<1x36000xi32, #tpu.memory_space<hbm>> -> memref<36000xi32, #tpu.memory_space<hbm>>
      %dma_wait3A_107 = arith.constant 0 : i32
      %dma_wait3A_108 = tpu.memref_slice %arg2[%add3A_33, %dma_wait3A_107] : memref<32x36000xi32, #tpu.memory_space<hbm>> -> memref<1x36000xi32, #tpu.memory_space<hbm>>
      %dma_wait3A_109 = tpu.memref_squeeze %dma_wait3A_108 : memref<1x36000xi32, #tpu.memory_space<hbm>> -> memref<36000xi32, #tpu.memory_space<hbm>>
      tpu.wait_dma2 semaphore(%run_scoped3A : memref<!tpu.dma_semaphore, #tpu.memory_space<semaphore_mem>>) src(%dma_wait3A_109 : memref<36000xi32, #tpu.memory_space<hbm>>) dst(%arg5 : memref<36000xi32, #tpu.memory_space<vmem>>)
      tpu.yield
    }) : () -> ()
    %broadcast_in_dim3A_35 = arith.constant 0 : i32
    %broadcast_in_dim3A_36 = vector.broadcast %broadcast_in_dim3A_35 : i32 to vector<16xi32>
    %parallel_loop3A = arith.constant 0 : i32
    %parallel_loop3A_37 = arith.constant 256 : i32
    %parallel_loop3A_38 = arith.constant 1 : i32
    scf.for %parallel_loop3A_100 = %parallel_loop3A to %parallel_loop3A_37 step %parallel_loop3A_38  : i32 {
      %parallel_loop3A_101 = arith.constant 16 : i32
      %parallel_loop3A_102 = arith.muli %parallel_loop3A_100, %parallel_loop3A_101 : i32
      %parallel_loop3A_103 = arith.index_cast %parallel_loop3A_102 : i32 to index
      %parallel_loop3A_104 = tpu.vector_load %arg6[%parallel_loop3A_103] {strides = array<i32>} : memref<4096xi32, #tpu.memory_space<vmem>>, vector<16xi32>,
      tpu.vector_store %arg6[%parallel_loop3A_103], %broadcast_in_dim3A_36 {strides = array<i32>} : memref<4096xi32, #tpu.memory_space<vmem>>, vector<16xi32>,
    } {sc.loop_unroll_factor = 8 : i64, sc.parallel_access}
    %parallel_loop3A_39 = arith.constant 0 : i32
    %parallel_loop3A_40 = arith.constant 2250 : i32
    %parallel_loop3A_41 = arith.constant 1 : i32
    scf.for %parallel_loop3A_100 = %parallel_loop3A_39 to %parallel_loop3A_40 step %parallel_loop3A_41  : i32 {
      %parallel_loop3A_101 = arith.constant 16 : i32
      %parallel_loop3A_102 = arith.muli %parallel_loop3A_100, %parallel_loop3A_101 : i32
      %parallel_loop3A_103 = arith.index_cast %parallel_loop3A_102 : i32 to index
      %parallel_loop3A_104 = tpu.vector_load %arg5[%parallel_loop3A_103] {strides = array<i32>} : memref<36000xi32, #tpu.memory_space<vmem>>, vector<16xi32>,
      %parallel_loop3A_105 = arith.constant 20 : i32
      %parallel_loop3A_106 = vector.broadcast %parallel_loop3A_105 : i32 to vector<16xi32>
      %parallel_loop3A_107 = arith.shrui %parallel_loop3A_104, %parallel_loop3A_106 : vector<16xi32>
      tpu.vector_store_idx %arg6[%parallel_loop3A_107], %broadcast_in_dim3A_34 {add = true} : memref<4096xi32, #tpu.memory_space<vmem>>[vector<16xi32>], vector<16xi32>,
    } {sc.loop_unroll_factor = 8 : i64, sc.parallel_access}
    "tpu.region"() ({
      %run_scoped3A = tpu.sem_alloc : memref<!tpu.dma_semaphore, #tpu.memory_space<semaphore_mem>>
      %dma_start3A = arith.constant 0 : i32
      %dma_start3A_100 = tpu.memref_slice %arg12[%arg1, %dma_start3A] : memref<16x4096xi32, #tpu.memory_space<vmem_shared>> -> memref<1x4096xi32, #tpu.memory_space<vmem_shared>>
      %dma_start3A_101 = tpu.memref_squeeze %dma_start3A_100 : memref<1x4096xi32, #tpu.memory_space<vmem_shared>> -> memref<4096xi32, #tpu.memory_space<vmem_shared>>
      %dma_start3A_102 = arith.constant 0 : i32
      %dma_start3A_103 = tpu.memref_slice %arg12[%arg1, %dma_start3A_102] : memref<16x4096xi32, #tpu.memory_space<vmem_shared>> -> memref<1x4096xi32, #tpu.memory_space<vmem_shared>>
      %dma_start3A_104 = tpu.memref_squeeze %dma_start3A_103 : memref<1x4096xi32, #tpu.memory_space<vmem_shared>> -> memref<4096xi32, #tpu.memory_space<vmem_shared>>
      tpu.enqueue_dma source(%arg6 : memref<4096xi32, #tpu.memory_space<vmem>>) target(%dma_start3A_104 : memref<4096xi32, #tpu.memory_space<vmem_shared>>) target_semaphore(%run_scoped3A : memref<!tpu.dma_semaphore, #tpu.memory_space<semaphore_mem>>)
      %dma_wait3A = arith.constant 0 : i32
      %dma_wait3A_105 = tpu.memref_slice %arg12[%arg1, %dma_wait3A] : memref<16x4096xi32, #tpu.memory_space<vmem_shared>> -> memref<1x4096xi32, #tpu.memory_space<vmem_shared>>
      %dma_wait3A_106 = tpu.memref_squeeze %dma_wait3A_105 : memref<1x4096xi32, #tpu.memory_space<vmem_shared>> -> memref<4096xi32, #tpu.memory_space<vmem_shared>>
      %dma_wait3A_107 = arith.constant 0 : i32
      %dma_wait3A_108 = tpu.memref_slice %arg12[%arg1, %dma_wait3A_107] : memref<16x4096xi32, #tpu.memory_space<vmem_shared>> -> memref<1x4096xi32, #tpu.memory_space<vmem_shared>>
      %dma_wait3A_109 = tpu.memref_squeeze %dma_wait3A_108 : memref<1x4096xi32, #tpu.memory_space<vmem_shared>> -> memref<4096xi32, #tpu.memory_space<vmem_shared>>
      tpu.wait_dma2 semaphore(%run_scoped3A : memref<!tpu.dma_semaphore, #tpu.memory_space<semaphore_mem>>) src(%arg6 : memref<4096xi32, #tpu.memory_space<vmem>>) dst(%dma_wait3A_109 : memref<4096xi32, #tpu.memory_space<vmem_shared>>)
      tpu.yield
    }) : () -> ()
    %barrier3A = arith.constant 0 : index
    tpu.barrier barrier_id(%barrier3A)
    %xor3A = arith.constant 1 : i32
    %xor3A_42 = arith.xori %arg1, %xor3A : i32
    "tpu.region"() ({
      %run_scoped3A = tpu.sem_alloc : memref<!tpu.dma_semaphore, #tpu.memory_space<semaphore_mem>>
      %dma_start3A = arith.constant 0 : i32
      %dma_start3A_100 = tpu.memref_slice %arg12[%xor3A_42, %dma_start3A] : memref<16x4096xi32, #tpu.memory_space<vmem_shared>> -> memref<1x4096xi32, #tpu.memory_space<vmem_shared>>
      %dma_start3A_101 = tpu.memref_squeeze %dma_start3A_100 : memref<1x4096xi32, #tpu.memory_space<vmem_shared>> -> memref<4096xi32, #tpu.memory_space<vmem_shared>>
      %dma_start3A_102 = arith.constant 0 : i32
      %dma_start3A_103 = tpu.memref_slice %arg12[%xor3A_42, %dma_start3A_102] : memref<16x4096xi32, #tpu.memory_space<vmem_shared>> -> memref<1x4096xi32, #tpu.memory_space<vmem_shared>>
      %dma_start3A_104 = tpu.memref_squeeze %dma_start3A_103 : memref<1x4096xi32, #tpu.memory_space<vmem_shared>> -> memref<4096xi32, #tpu.memory_space<vmem_shared>>
      tpu.enqueue_dma source(%dma_start3A_104 : memref<4096xi32, #tpu.memory_space<vmem_shared>>) target(%arg7 : memref<4096xi32, #tpu.memory_space<vmem>>) target_semaphore(%run_scoped3A : memref<!tpu.dma_semaphore, #tpu.memory_space<semaphore_mem>>)
      %dma_wait3A = arith.constant 0 : i32
      %dma_wait3A_105 = tpu.memref_slice %arg12[%xor3A_42, %dma_wait3A] : memref<16x4096xi32, #tpu.memory_space<vmem_shared>> -> memref<1x4096xi32, #tpu.memory_space<vmem_shared>>
      %dma_wait3A_106 = tpu.memref_squeeze %dma_wait3A_105 : memref<1x4096xi32, #tpu.memory_space<vmem_shared>> -> memref<4096xi32, #tpu.memory_space<vmem_shared>>
      %dma_wait3A_107 = arith.constant 0 : i32
      %dma_wait3A_108 = tpu.memref_slice %arg12[%xor3A_42, %dma_wait3A_107] : memref<16x4096xi32, #tpu.memory_space<vmem_shared>> -> memref<1x4096xi32, #tpu.memory_space<vmem_shared>>
      %dma_wait3A_109 = tpu.memref_squeeze %dma_wait3A_108 : memref<1x4096xi32, #tpu.memory_space<vmem_shared>> -> memref<4096xi32, #tpu.memory_space<vmem_shared>>
      tpu.wait_dma2 semaphore(%run_scoped3A : memref<!tpu.dma_semaphore, #tpu.memory_space<semaphore_mem>>) src(%dma_wait3A_109 : memref<4096xi32, #tpu.memory_space<vmem_shared>>) dst(%arg7 : memref<4096xi32, #tpu.memory_space<vmem>>)
      tpu.yield
    }) : () -> ()
    %iota3A_43 = tpu.iota {dimensions = array<i32: 0>} : vector<16xi32>
    %scan3A = arith.constant 0 : i32
    %scan3A_44 = arith.constant 0 : i32
    %scan3A_45 = arith.constant 0 : i32
    %scan3A_46 = arith.constant 0 : i32
    %scan3A_47 = arith.constant 0 : i32
    %scan3A_48 = arith.constant 256 : i32
    %scan3A_49 = arith.addi %scan3A_47, %scan3A_48 : i32
    %scan3A_50 = arith.constant 1 : i32
    %scan3A_51:4 = scf.for %scan3A_100 = %scan3A_47 to %scan3A_49 step %scan3A_50 iter_args(%scan3A_101 = %scan3A, %scan3A_102 = %scan3A_44, %scan3A_103 = %scan3A_45, %scan3A_104 = %scan3A_46) -> (i32, i32, i32, i32)  : i32 {
      %sub3A_105 = arith.constant 255 : i32
      %sub3A_106 = arith.subi %sub3A_105, %scan3A_100 : i32
      %mul3A_107 = arith.constant 16 : i32
      %mul3A_108 = arith.muli %sub3A_106, %mul3A_107 : i32
      %get3A = arith.index_cast %mul3A_108 : i32 to index
      %get3A_109 = tpu.vector_load %arg6[%get3A] {strides = array<i32>} : memref<4096xi32, #tpu.memory_space<vmem>>, vector<16xi32>,
      %mul3A_110 = arith.constant 16 : i32
      %mul3A_111 = arith.muli %sub3A_106, %mul3A_110 : i32
      %get3A_112 = arith.index_cast %mul3A_111 : i32 to index
      %get3A_113 = tpu.vector_load %arg7[%get3A_112] {strides = array<i32>} : memref<4096xi32, #tpu.memory_space<vmem>>, vector<16xi32>,
      %add3A_114 = arith.addi %get3A_109, %get3A_113 : vector<16xi32>
      %reduce_sum3A = arith.constant true
      %reduce_sum3A_115 = vector.broadcast %reduce_sum3A : i1 to vector<16xi1>
      %reduce_sum3A_116 = tpu.scan <sum>, %add3A_114 masked %reduce_sum3A_115 : vector<16xi32>, vector<16xi1> -> vector<16xi32>
      %reduce_sum3A_117 = vector.extract %reduce_sum3A_116[15] : i32 from vector<16xi32>
      %eq3A_118 = arith.constant 0 : i32
      %eq3A_119 = arith.cmpi eq, %scan3A_102, %eq3A_118 : i32
      %add3A_120 = arith.addi %scan3A_101, %reduce_sum3A_117 : i32
      %ge3A = arith.constant 300 : i32
      %ge3A_121 = arith.cmpi sge, %add3A_120, %ge3A : i32
      %and3A_122 = arith.andi %eq3A_119, %ge3A_121 : i1
      %convert_element_type3A_123 = arith.extui %and3A_122 : i1 to i32
      %cond3A_124 = arith.constant 0 : i32
      %cond3A_125 = arith.cmpi ne, %convert_element_type3A_123, %cond3A_124 : i32
      %cond3A_126:2 = scf.if %cond3A_125 -> (i32, i32) {
        %rev3A = arith.constant 15 : i32
        %rev3A_130 = vector.broadcast %rev3A : i32 to vector<16xi32>
        %rev3A_131 = tpu.iota {dimensions = array<i32: 0>} : vector<16xi32>
        %rev3A_132 = arith.subi %rev3A_130, %rev3A_131 : vector<16xi32>
        %rev3A_133 = tpu.dynamic_gather %add3A_114[%rev3A_132] in [0] : vector<16xi32>, vector<16xi32> -> vector<16xi32>
        %broadcast_in_dim3A_134 = arith.constant true
        %broadcast_in_dim3A_135 = vector.broadcast %broadcast_in_dim3A_134 : i1 to vector<16xi1>
        %masked_cumsum3A = tpu.scan <sum>, %rev3A_133 masked %broadcast_in_dim3A_135 : vector<16xi32>, vector<16xi1> -> vector<16xi32>
        %sub3A_136 = arith.subi %masked_cumsum3A, %rev3A_133 : vector<16xi32>
        %add3A_137 = vector.broadcast %scan3A_101 : i32 to vector<16xi32>
        %add3A_138 = arith.addi %add3A_137, %masked_cumsum3A : vector<16xi32>
        %ge3A_139 = arith.constant 300 : i32
        %ge3A_140 = vector.broadcast %ge3A_139 : i32 to vector<16xi32>
        %ge3A_141 = arith.cmpi sge, %add3A_138, %ge3A_140 : vector<16xi32>
        %all_reduce_ffs3A = tpu.all_reduce %ge3A_141 {dim = 0 : i64, kind = #tpu.reduction_kind<find_first_set>} : vector<16xi1> -> vector<16xi32>
        %reduce_max3A = arith.constant true
        %reduce_max3A_142 = vector.broadcast %reduce_max3A : i1 to vector<16xi1>
        %reduce_max3A_143 = arith.constant -2147483648 : i32
        %reduce_max3A_144 = vector.broadcast %reduce_max3A_143 : i32 to vector<16xi32>
        %reduce_max3A_145 = arith.xori %all_reduce_ffs3A, %reduce_max3A_144 : vector<16xi32>
        %reduce_max3A_146 = tpu.scan <max>, %reduce_max3A_145 masked %reduce_max3A_142 : vector<16xi32>, vector<16xi1> -> vector<16xi32>
        %reduce_max3A_147 = arith.xori %reduce_max3A_146, %reduce_max3A_144 : vector<16xi32>
        %reduce_max3A_148 = vector.extract %reduce_max3A_147[15] : i32 from vector<16xi32>
        %eq3A_149 = vector.broadcast %reduce_max3A_148 : i32 to vector<16xi32>
        %eq3A_150 = arith.cmpi eq, %iota3A_43, %eq3A_149 : vector<16xi32>
        %jit3A_151 = arith.constant 0 : i32
        %broadcast_in_dim3A_152 = vector.broadcast %jit3A_151 : i32 to vector<16xi32>
        %select_n3A_153 = arith.select %eq3A_150, %sub3A_136, %broadcast_in_dim3A_152 : vector<16xi1>, vector<16xi32>
        %reduce_sum3A_154 = arith.constant true
        %reduce_sum3A_155 = vector.broadcast %reduce_sum3A_154 : i1 to vector<16xi1>
        %reduce_sum3A_156 = tpu.scan <sum>, %select_n3A_153 masked %reduce_sum3A_155 : vector<16xi32>, vector<16xi1> -> vector<16xi32>
        %reduce_sum3A_157 = vector.extract %reduce_sum3A_156[15] : i32 from vector<16xi32>
        %add3A_158 = arith.addi %scan3A_101, %reduce_sum3A_157 : i32
        %mul3A_159 = arith.constant 16 : i32
        %mul3A_160 = arith.muli %sub3A_106, %mul3A_159 : i32
        %add3A_161 = arith.constant 15 : i32
        %add3A_162 = arith.addi %mul3A_160, %add3A_161 : i32
        %sub3A_163 = arith.subi %add3A_162, %reduce_max3A_148 : i32
        scf.yield %sub3A_163, %add3A_158 : i32, i32
      } else {
        scf.yield %scan3A_103, %scan3A_104 : i32, i32
      }
      %jit3A_127 = arith.constant 1 : i32
      %select_n3A_128 = arith.select %and3A_122, %jit3A_127, %scan3A_102 : i32
      %add3A_129 = arith.addi %scan3A_101, %reduce_sum3A_117 : i32
      scf.yield %add3A_129, %select_n3A_128, %cond3A_126#0, %cond3A_126#1 : i32, i32, i32, i32
    }
    %scan3A_52 = arith.constant 256 : i32
    %broadcast_in_dim3A_53 = arith.constant 0 : i32
    %broadcast_in_dim3A_54 = vector.broadcast %broadcast_in_dim3A_53 : i32 to vector<16xi32>
    %parallel_loop3A_55 = arith.constant 0 : i32
    %parallel_loop3A_56 = arith.constant 256 : i32
    %parallel_loop3A_57 = arith.constant 1 : i32
    scf.for %parallel_loop3A_100 = %parallel_loop3A_55 to %parallel_loop3A_56 step %parallel_loop3A_57  : i32 {
      %parallel_loop3A_101 = arith.constant 16 : i32
      %parallel_loop3A_102 = arith.muli %parallel_loop3A_100, %parallel_loop3A_101 : i32
      %parallel_loop3A_103 = arith.index_cast %parallel_loop3A_102 : i32 to index
      %parallel_loop3A_104 = tpu.vector_load %arg6[%parallel_loop3A_103] {strides = array<i32>} : memref<4096xi32, #tpu.memory_space<vmem>>, vector<16xi32>,
      tpu.vector_store %arg6[%parallel_loop3A_103], %broadcast_in_dim3A_54 {strides = array<i32>} : memref<4096xi32, #tpu.memory_space<vmem>>, vector<16xi32>,
    } {sc.loop_unroll_factor = 8 : i64, sc.parallel_access}
    %parallel_loop3A_58 = arith.constant 0 : i32
    %parallel_loop3A_59 = arith.constant 2250 : i32
    %parallel_loop3A_60 = arith.constant 1 : i32
    scf.for %parallel_loop3A_100 = %parallel_loop3A_58 to %parallel_loop3A_59 step %parallel_loop3A_60  : i32 {
      %parallel_loop3A_101 = arith.constant 16 : i32
      %parallel_loop3A_102 = arith.muli %parallel_loop3A_100, %parallel_loop3A_101 : i32
      %parallel_loop3A_103 = arith.index_cast %parallel_loop3A_102 : i32 to index
      %parallel_loop3A_104 = tpu.vector_load %arg5[%parallel_loop3A_103] {strides = array<i32>} : memref<36000xi32, #tpu.memory_space<vmem>>, vector<16xi32>,
      %parallel_loop3A_105 = arith.constant 20 : i32
      %parallel_loop3A_106 = vector.broadcast %parallel_loop3A_105 : i32 to vector<16xi32>
      %parallel_loop3A_107 = arith.shrui %parallel_loop3A_104, %parallel_loop3A_106 : vector<16xi32>
      %parallel_loop3A_108 = vector.broadcast %scan3A_51#2 : i32 to vector<16xi32>
      %parallel_loop3A_109 = arith.cmpi eq, %parallel_loop3A_107, %parallel_loop3A_108 : vector<16xi32>
      %parallel_loop3A_110 = arith.constant 8 : i32
      %parallel_loop3A_111 = vector.broadcast %parallel_loop3A_110 : i32 to vector<16xi32>
      %parallel_loop3A_112 = arith.shrui %parallel_loop3A_104, %parallel_loop3A_111 : vector<16xi32>
      %parallel_loop3A_113 = arith.constant 4095 : i32
      %parallel_loop3A_114 = vector.broadcast %parallel_loop3A_113 : i32 to vector<16xi32>
      %parallel_loop3A_115 = arith.andi %parallel_loop3A_112, %parallel_loop3A_114 : vector<16xi32>
      tpu.vector_store_idx %arg6[%parallel_loop3A_115], %broadcast_in_dim3A_34 masked %parallel_loop3A_109 {add = true} : memref<4096xi32, #tpu.memory_space<vmem>>[vector<16xi32>], vector<16xi32>, vector<16xi1>
    } {sc.loop_unroll_factor = 8 : i64, sc.parallel_access}
    %barrier3A_61 = arith.constant 0 : index
    tpu.barrier barrier_id(%barrier3A_61)
    "tpu.region"() ({
      %run_scoped3A = tpu.sem_alloc : memref<!tpu.dma_semaphore, #tpu.memory_space<semaphore_mem>>
      %dma_start3A = arith.constant 0 : i32
      %dma_start3A_100 = tpu.memref_slice %arg12[%arg1, %dma_start3A] : memref<16x4096xi32, #tpu.memory_space<vmem_shared>> -> memref<1x4096xi32, #tpu.memory_space<vmem_shared>>
      %dma_start3A_101 = tpu.memref_squeeze %dma_start3A_100 : memref<1x4096xi32, #tpu.memory_space<vmem_shared>> -> memref<4096xi32, #tpu.memory_space<vmem_shared>>
      %dma_start3A_102 = arith.constant 0 : i32
      %dma_start3A_103 = tpu.memref_slice %arg12[%arg1, %dma_start3A_102] : memref<16x4096xi32, #tpu.memory_space<vmem_shared>> -> memref<1x4096xi32, #tpu.memory_space<vmem_shared>>
      %dma_start3A_104 = tpu.memref_squeeze %dma_start3A_103 : memref<1x4096xi32, #tpu.memory_space<vmem_shared>> -> memref<4096xi32, #tpu.memory_space<vmem_shared>>
      tpu.enqueue_dma source(%arg6 : memref<4096xi32, #tpu.memory_space<vmem>>) target(%dma_start3A_104 : memref<4096xi32, #tpu.memory_space<vmem_shared>>) target_semaphore(%run_scoped3A : memref<!tpu.dma_semaphore, #tpu.memory_space<semaphore_mem>>)
      %dma_wait3A = arith.constant 0 : i32
      %dma_wait3A_105 = tpu.memref_slice %arg12[%arg1, %dma_wait3A] : memref<16x4096xi32, #tpu.memory_space<vmem_shared>> -> memref<1x4096xi32, #tpu.memory_space<vmem_shared>>
      %dma_wait3A_106 = tpu.memref_squeeze %dma_wait3A_105 : memref<1x4096xi32, #tpu.memory_space<vmem_shared>> -> memref<4096xi32, #tpu.memory_space<vmem_shared>>
      %dma_wait3A_107 = arith.constant 0 : i32
      %dma_wait3A_108 = tpu.memref_slice %arg12[%arg1, %dma_wait3A_107] : memref<16x4096xi32, #tpu.memory_space<vmem_shared>> -> memref<1x4096xi32, #tpu.memory_space<vmem_shared>>
      %dma_wait3A_109 = tpu.memref_squeeze %dma_wait3A_108 : memref<1x4096xi32, #tpu.memory_space<vmem_shared>> -> memref<4096xi32, #tpu.memory_space<vmem_shared>>
      tpu.wait_dma2 semaphore(%run_scoped3A : memref<!tpu.dma_semaphore, #tpu.memory_space<semaphore_mem>>) src(%arg6 : memref<4096xi32, #tpu.memory_space<vmem>>) dst(%dma_wait3A_109 : memref<4096xi32, #tpu.memory_space<vmem_shared>>)
      tpu.yield
    }) : () -> ()
    %barrier3A_62 = arith.constant 0 : index
    tpu.barrier barrier_id(%barrier3A_62)
    %xor3A_63 = arith.constant 1 : i32
    %xor3A_64 = arith.xori %arg1, %xor3A_63 : i32
    "tpu.region"() ({
      %run_scoped3A = tpu.sem_alloc : memref<!tpu.dma_semaphore, #tpu.memory_space<semaphore_mem>>
      %dma_start3A = arith.constant 0 : i32
      %dma_start3A_100 = tpu.memref_slice %arg12[%xor3A_64, %dma_start3A] : memref<16x4096xi32, #tpu.memory_space<vmem_shared>> -> memref<1x4096xi32, #tpu.memory_space<vmem_shared>>
      %dma_start3A_101 = tpu.memref_squeeze %dma_start3A_100 : memref<1x4096xi32, #tpu.memory_space<vmem_shared>> -> memref<4096xi32, #tpu.memory_space<vmem_shared>>
      %dma_start3A_102 = arith.constant 0 : i32
      %dma_start3A_103 = tpu.memref_slice %arg12[%xor3A_64, %dma_start3A_102] : memref<16x4096xi32, #tpu.memory_space<vmem_shared>> -> memref<1x4096xi32, #tpu.memory_space<vmem_shared>>
      %dma_start3A_104 = tpu.memref_squeeze %dma_start3A_103 : memref<1x4096xi32, #tpu.memory_space<vmem_shared>> -> memref<4096xi32, #tpu.memory_space<vmem_shared>>
      tpu.enqueue_dma source(%dma_start3A_104 : memref<4096xi32, #tpu.memory_space<vmem_shared>>) target(%arg7 : memref<4096xi32, #tpu.memory_space<vmem>>) target_semaphore(%run_scoped3A : memref<!tpu.dma_semaphore, #tpu.memory_space<semaphore_mem>>)
      %dma_wait3A = arith.constant 0 : i32
      %dma_wait3A_105 = tpu.memref_slice %arg12[%xor3A_64, %dma_wait3A] : memref<16x4096xi32, #tpu.memory_space<vmem_shared>> -> memref<1x4096xi32, #tpu.memory_space<vmem_shared>>
      %dma_wait3A_106 = tpu.memref_squeeze %dma_wait3A_105 : memref<1x4096xi32, #tpu.memory_space<vmem_shared>> -> memref<4096xi32, #tpu.memory_space<vmem_shared>>
      %dma_wait3A_107 = arith.constant 0 : i32
      %dma_wait3A_108 = tpu.memref_slice %arg12[%xor3A_64, %dma_wait3A_107] : memref<16x4096xi32, #tpu.memory_space<vmem_shared>> -> memref<1x4096xi32, #tpu.memory_space<vmem_shared>>
      %dma_wait3A_109 = tpu.memref_squeeze %dma_wait3A_108 : memref<1x4096xi32, #tpu.memory_space<vmem_shared>> -> memref<4096xi32, #tpu.memory_space<vmem_shared>>
      tpu.wait_dma2 semaphore(%run_scoped3A : memref<!tpu.dma_semaphore, #tpu.memory_space<semaphore_mem>>) src(%dma_wait3A_109 : memref<4096xi32, #tpu.memory_space<vmem_shared>>) dst(%arg7 : memref<4096xi32, #tpu.memory_space<vmem>>)
      tpu.yield
    }) : () -> ()
    %iota3A_65 = tpu.iota {dimensions = array<i32: 0>} : vector<16xi32>
    %scan3A_66 = arith.constant 0 : i32
    %scan3A_67 = arith.constant 0 : i32
    %scan3A_68 = arith.constant 0 : i32
    %scan3A_69 = arith.constant 0 : i32
    %scan3A_70 = arith.constant 256 : i32
    %scan3A_71 = arith.addi %scan3A_69, %scan3A_70 : i32
    %scan3A_72 = arith.constant 1 : i32
    %scan3A_73:4 = scf.for %scan3A_100 = %scan3A_69 to %scan3A_71 step %scan3A_72 iter_args(%scan3A_101 = %scan3A_51#3, %scan3A_102 = %scan3A_66, %scan3A_103 = %scan3A_67, %scan3A_104 = %scan3A_68) -> (i32, i32, i32, i32)  : i32 {
      %sub3A_105 = arith.constant 255 : i32
      %sub3A_106 = arith.subi %sub3A_105, %scan3A_100 : i32
      %mul3A_107 = arith.constant 16 : i32
      %mul3A_108 = arith.muli %sub3A_106, %mul3A_107 : i32
      %get3A = arith.index_cast %mul3A_108 : i32 to index
      %get3A_109 = tpu.vector_load %arg6[%get3A] {strides = array<i32>} : memref<4096xi32, #tpu.memory_space<vmem>>, vector<16xi32>,
      %mul3A_110 = arith.constant 16 : i32
      %mul3A_111 = arith.muli %sub3A_106, %mul3A_110 : i32
      %get3A_112 = arith.index_cast %mul3A_111 : i32 to index
      %get3A_113 = tpu.vector_load %arg7[%get3A_112] {strides = array<i32>} : memref<4096xi32, #tpu.memory_space<vmem>>, vector<16xi32>,
      %add3A_114 = arith.addi %get3A_109, %get3A_113 : vector<16xi32>
      %reduce_sum3A = arith.constant true
      %reduce_sum3A_115 = vector.broadcast %reduce_sum3A : i1 to vector<16xi1>
      %reduce_sum3A_116 = tpu.scan <sum>, %add3A_114 masked %reduce_sum3A_115 : vector<16xi32>, vector<16xi1> -> vector<16xi32>
      %reduce_sum3A_117 = vector.extract %reduce_sum3A_116[15] : i32 from vector<16xi32>
      %eq3A_118 = arith.constant 0 : i32
      %eq3A_119 = arith.cmpi eq, %scan3A_102, %eq3A_118 : i32
      %add3A_120 = arith.addi %scan3A_101, %reduce_sum3A_117 : i32
      %ge3A = arith.constant 300 : i32
      %ge3A_121 = arith.cmpi sge, %add3A_120, %ge3A : i32
      %and3A_122 = arith.andi %eq3A_119, %ge3A_121 : i1
      %convert_element_type3A_123 = arith.extui %and3A_122 : i1 to i32
      %cond3A_124 = arith.constant 0 : i32
      %cond3A_125 = arith.cmpi ne, %convert_element_type3A_123, %cond3A_124 : i32
      %cond3A_126:2 = scf.if %cond3A_125 -> (i32, i32) {
        %rev3A = arith.constant 15 : i32
        %rev3A_130 = vector.broadcast %rev3A : i32 to vector<16xi32>
        %rev3A_131 = tpu.iota {dimensions = array<i32: 0>} : vector<16xi32>
        %rev3A_132 = arith.subi %rev3A_130, %rev3A_131 : vector<16xi32>
        %rev3A_133 = tpu.dynamic_gather %add3A_114[%rev3A_132] in [0] : vector<16xi32>, vector<16xi32> -> vector<16xi32>
        %broadcast_in_dim3A_134 = arith.constant true
        %broadcast_in_dim3A_135 = vector.broadcast %broadcast_in_dim3A_134 : i1 to vector<16xi1>
        %masked_cumsum3A = tpu.scan <sum>, %rev3A_133 masked %broadcast_in_dim3A_135 : vector<16xi32>, vector<16xi1> -> vector<16xi32>
        %sub3A_136 = arith.subi %masked_cumsum3A, %rev3A_133 : vector<16xi32>
        %add3A_137 = vector.broadcast %scan3A_101 : i32 to vector<16xi32>
        %add3A_138 = arith.addi %add3A_137, %masked_cumsum3A : vector<16xi32>
        %ge3A_139 = arith.constant 300 : i32
        %ge3A_140 = vector.broadcast %ge3A_139 : i32 to vector<16xi32>
        %ge3A_141 = arith.cmpi sge, %add3A_138, %ge3A_140 : vector<16xi32>
        %all_reduce_ffs3A = tpu.all_reduce %ge3A_141 {dim = 0 : i64, kind = #tpu.reduction_kind<find_first_set>} : vector<16xi1> -> vector<16xi32>
        %reduce_max3A = arith.constant true
        %reduce_max3A_142 = vector.broadcast %reduce_max3A : i1 to vector<16xi1>
        %reduce_max3A_143 = arith.constant -2147483648 : i32
        %reduce_max3A_144 = vector.broadcast %reduce_max3A_143 : i32 to vector<16xi32>
        %reduce_max3A_145 = arith.xori %all_reduce_ffs3A, %reduce_max3A_144 : vector<16xi32>
        %reduce_max3A_146 = tpu.scan <max>, %reduce_max3A_145 masked %reduce_max3A_142 : vector<16xi32>, vector<16xi1> -> vector<16xi32>
        %reduce_max3A_147 = arith.xori %reduce_max3A_146, %reduce_max3A_144 : vector<16xi32>
        %reduce_max3A_148 = vector.extract %reduce_max3A_147[15] : i32 from vector<16xi32>
        %eq3A_149 = vector.broadcast %reduce_max3A_148 : i32 to vector<16xi32>
        %eq3A_150 = arith.cmpi eq, %iota3A_65, %eq3A_149 : vector<16xi32>
        %jit3A_151 = arith.constant 0 : i32
        %broadcast_in_dim3A_152 = vector.broadcast %jit3A_151 : i32 to vector<16xi32>
        %select_n3A_153 = arith.select %eq3A_150, %sub3A_136, %broadcast_in_dim3A_152 : vector<16xi1>, vector<16xi32>
        %reduce_sum3A_154 = arith.constant true
        %reduce_sum3A_155 = vector.broadcast %reduce_sum3A_154 : i1 to vector<16xi1>
        %reduce_sum3A_156 = tpu.scan <sum>, %select_n3A_153 masked %reduce_sum3A_155 : vector<16xi32>, vector<16xi1> -> vector<16xi32>
        %reduce_sum3A_157 = vector.extract %reduce_sum3A_156[15] : i32 from vector<16xi32>
        %add3A_158 = arith.addi %scan3A_101, %reduce_sum3A_157 : i32
        %mul3A_159 = arith.constant 16 : i32
        %mul3A_160 = arith.muli %sub3A_106, %mul3A_159 : i32
        %add3A_161 = arith.constant 15 : i32
        %add3A_162 = arith.addi %mul3A_160, %add3A_161 : i32
        %sub3A_163 = arith.subi %add3A_162, %reduce_max3A_148 : i32
        scf.yield %sub3A_163, %add3A_158 : i32, i32
      } else {
        scf.yield %scan3A_103, %scan3A_104 : i32, i32
      }
      %jit3A_127 = arith.constant 1 : i32
      %select_n3A_128 = arith.select %and3A_122, %jit3A_127, %scan3A_102 : i32
      %add3A_129 = arith.addi %scan3A_101, %reduce_sum3A_117 : i32
      scf.yield %add3A_129, %select_n3A_128, %cond3A_126#0, %cond3A_126#1 : i32, i32, i32, i32
    }
    %scan3A_74 = arith.constant 256 : i32
    %mul3A_75 = arith.constant 4096 : i32
    %mul3A_76 = arith.muli %scan3A_51#2, %mul3A_75 : i32
    %add3A_77 = arith.addi %mul3A_76, %scan3A_73#2 : i32
    %shift_left3A = arith.constant 8 : i32
    %shift_left3A_78 = arith.shli %add3A_77, %shift_left3A : i32
    %broadcast_in_dim3A_79 = arith.constant 0 : i32
    %broadcast_in_dim3A_80 = vector.broadcast %broadcast_in_dim3A_79 : i32 to vector<16xi32>
    %parallel_loop3A_81 = arith.constant 0 : i32
    %parallel_loop3A_82 = arith.constant 24 : i32
    %parallel_loop3A_83 = arith.constant 1 : i32
    scf.for %parallel_loop3A_100 = %parallel_loop3A_81 to %parallel_loop3A_82 step %parallel_loop3A_83  : i32 {
      %parallel_loop3A_101 = arith.constant 16 : i32
      %parallel_loop3A_102 = arith.muli %parallel_loop3A_100, %parallel_loop3A_101 : i32
      %parallel_loop3A_103 = arith.index_cast %parallel_loop3A_102 : i32 to index
      %parallel_loop3A_104 = tpu.vector_load %arg8[%parallel_loop3A_103] {strides = array<i32>} : memref<384xi32, #tpu.memory_space<vmem>>, vector<16xi32>,
      tpu.vector_store %arg8[%parallel_loop3A_103], %broadcast_in_dim3A_80 {strides = array<i32>} : memref<384xi32, #tpu.memory_space<vmem>>, vector<16xi32>,
    } {sc.loop_unroll_factor = 8 : i64, sc.parallel_access}
    %broadcast_in_dim3A_84 = arith.constant 0 : i32
    %broadcast_in_dim3A_85 = vector.broadcast %broadcast_in_dim3A_84 : i32 to vector<16xi32>
    %parallel_loop3A_86 = arith.constant 0 : i32
    %parallel_loop3A_87 = arith.constant 24 : i32
    %parallel_loop3A_88 = arith.constant 1 : i32
    scf.for %parallel_loop3A_100 = %parallel_loop3A_86 to %parallel_loop3A_87 step %parallel_loop3A_88  : i32 {
      %parallel_loop3A_101 = arith.constant 16 : i32
      %parallel_loop3A_102 = arith.muli %parallel_loop3A_100, %parallel_loop3A_101 : i32
      %parallel_loop3A_103 = arith.index_cast %parallel_loop3A_102 : i32 to index
      %parallel_loop3A_104 = tpu.vector_load %arg9[%parallel_loop3A_103] {strides = array<i32>} : memref<384xi32, #tpu.memory_space<vmem>>, vector<16xi32>,
      tpu.vector_store %arg9[%parallel_loop3A_103], %broadcast_in_dim3A_85 {strides = array<i32>} : memref<384xi32, #tpu.memory_space<vmem>>, vector<16xi32>,
    } {sc.loop_unroll_factor = 8 : i64, sc.parallel_access}
    %mul3A_89 = arith.constant 36000 : i32
    %mul3A_90 = arith.muli %select_n3A_30, %mul3A_89 : i32
    %parallel_loop3A_91 = arith.constant 0 : i32
    %parallel_loop3A_92 = arith.constant 2250 : i32
    %parallel_loop3A_93 = arith.constant 1 : i32
    %parallel_loop3A_94 = arith.constant 0 : i32
    %parallel_loop3A_95 = scf.for %parallel_loop3A_100 = %parallel_loop3A_91 to %parallel_loop3A_92 step %parallel_loop3A_93 iter_args(%parallel_loop3A_101 = %parallel_loop3A_94) -> (i32)  : i32 {
      %parallel_loop3A_102 = arith.constant 16 : i32
      %parallel_loop3A_103 = arith.muli %parallel_loop3A_100, %parallel_loop3A_102 : i32
      %parallel_loop3A_104 = arith.index_cast %parallel_loop3A_103 : i32 to index
      %parallel_loop3A_105 = tpu.vector_load %arg5[%parallel_loop3A_104] {strides = array<i32>} : memref<36000xi32, #tpu.memory_space<vmem>>, vector<16xi32>,
      %parallel_loop3A_106 = vector.broadcast %shift_left3A_78 : i32 to vector<16xi32>
      %parallel_loop3A_107 = arith.cmpi sge, %parallel_loop3A_105, %parallel_loop3A_106 : vector<16xi32>
      %parallel_loop3A_108 = arith.extui %parallel_loop3A_107 : vector<16xi1> to vector<16xi32>
      %parallel_loop3A_109 = arith.constant true
      %parallel_loop3A_110 = vector.broadcast %parallel_loop3A_109 : i1 to vector<16xi1>
      %parallel_loop3A_111 = tpu.scan <sum>, %parallel_loop3A_108 masked %parallel_loop3A_110 : vector<16xi32>, vector<16xi1> -> vector<16xi32>
      %parallel_loop3A_112 = vector.broadcast %parallel_loop3A_101 : i32 to vector<16xi32>
      %parallel_loop3A_113 = arith.addi %parallel_loop3A_112, %parallel_loop3A_111 : vector<16xi32>
      %parallel_loop3A_114 = arith.subi %parallel_loop3A_113, %parallel_loop3A_108 : vector<16xi32>
      %parallel_loop3A_115 = arith.constant 384 : i32
      %parallel_loop3A_116 = vector.broadcast %parallel_loop3A_115 : i32 to vector<16xi32>
      %parallel_loop3A_117 = arith.cmpi slt, %parallel_loop3A_114, %parallel_loop3A_116 : vector<16xi32>
      %parallel_loop3A_118 = arith.andi %parallel_loop3A_107, %parallel_loop3A_117 : vector<16xi1>
      tpu.vector_store_idx %arg8[%parallel_loop3A_114], %parallel_loop3A_105 masked %parallel_loop3A_118 : memref<384xi32, #tpu.memory_space<vmem>>[vector<16xi32>], vector<16xi32>, vector<16xi1>
      %parallel_loop3A_119 = arith.constant 16 : i32
      %parallel_loop3A_120 = arith.muli %parallel_loop3A_100, %parallel_loop3A_119 : i32
      %parallel_loop3A_121 = arith.addi %mul3A_90, %parallel_loop3A_120 : i32
      %parallel_loop3A_122 = vector.broadcast %parallel_loop3A_121 : i32 to vector<16xi32>
      %parallel_loop3A_123 = arith.addi %parallel_loop3A_122, %iota3A : vector<16xi32>
      tpu.vector_store_idx %arg9[%parallel_loop3A_114], %parallel_loop3A_123 masked %parallel_loop3A_118 : memref<384xi32, #tpu.memory_space<vmem>>[vector<16xi32>], vector<16xi32>, vector<16xi1>
      %parallel_loop3A_124 = arith.constant true
      %parallel_loop3A_125 = vector.broadcast %parallel_loop3A_124 : i1 to vector<16xi1>
      %parallel_loop3A_126 = tpu.scan <sum>, %parallel_loop3A_108 masked %parallel_loop3A_125 : vector<16xi32>, vector<16xi1> -> vector<16xi32>
      %parallel_loop3A_127 = vector.extract %parallel_loop3A_126[15] : i32 from vector<16xi32>
      %parallel_loop3A_128 = arith.addi %parallel_loop3A_101, %parallel_loop3A_127 : i32
      scf.yield %parallel_loop3A_128 : i32
    } {sc.loop_unroll_factor = 4 : i64, sc.parallel_access}
    "tpu.region"() ({
      %run_scoped3A = tpu.sem_alloc : memref<!tpu.dma_semaphore, #tpu.memory_space<semaphore_mem>>
      %dma_start3A = arith.constant 0 : i32
      %dma_start3A_100 = tpu.memref_slice %arg13[%arg1, %dma_start3A] : memref<16x384xi32, #tpu.memory_space<vmem_shared>> -> memref<1x384xi32, #tpu.memory_space<vmem_shared>>
      %dma_start3A_101 = tpu.memref_squeeze %dma_start3A_100 : memref<1x384xi32, #tpu.memory_space<vmem_shared>> -> memref<384xi32, #tpu.memory_space<vmem_shared>>
      %dma_start3A_102 = arith.constant 0 : i32
      %dma_start3A_103 = tpu.memref_slice %arg13[%arg1, %dma_start3A_102] : memref<16x384xi32, #tpu.memory_space<vmem_shared>> -> memref<1x384xi32, #tpu.memory_space<vmem_shared>>
      %dma_start3A_104 = tpu.memref_squeeze %dma_start3A_103 : memref<1x384xi32, #tpu.memory_space<vmem_shared>> -> memref<384xi32, #tpu.memory_space<vmem_shared>>
      tpu.enqueue_dma source(%arg8 : memref<384xi32, #tpu.memory_space<vmem>>) target(%dma_start3A_104 : memref<384xi32, #tpu.memory_space<vmem_shared>>) target_semaphore(%run_scoped3A : memref<!tpu.dma_semaphore, #tpu.memory_space<semaphore_mem>>)
      %dma_wait3A = arith.constant 0 : i32
      %dma_wait3A_105 = tpu.memref_slice %arg13[%arg1, %dma_wait3A] : memref<16x384xi32, #tpu.memory_space<vmem_shared>> -> memref<1x384xi32, #tpu.memory_space<vmem_shared>>
      %dma_wait3A_106 = tpu.memref_squeeze %dma_wait3A_105 : memref<1x384xi32, #tpu.memory_space<vmem_shared>> -> memref<384xi32, #tpu.memory_space<vmem_shared>>
      %dma_wait3A_107 = arith.constant 0 : i32
      %dma_wait3A_108 = tpu.memref_slice %arg13[%arg1, %dma_wait3A_107] : memref<16x384xi32, #tpu.memory_space<vmem_shared>> -> memref<1x384xi32, #tpu.memory_space<vmem_shared>>
      %dma_wait3A_109 = tpu.memref_squeeze %dma_wait3A_108 : memref<1x384xi32, #tpu.memory_space<vmem_shared>> -> memref<384xi32, #tpu.memory_space<vmem_shared>>
      tpu.wait_dma2 semaphore(%run_scoped3A : memref<!tpu.dma_semaphore, #tpu.memory_space<semaphore_mem>>) src(%arg8 : memref<384xi32, #tpu.memory_space<vmem>>) dst(%dma_wait3A_109 : memref<384xi32, #tpu.memory_space<vmem_shared>>)
      tpu.yield
    }) : () -> ()
    "tpu.region"() ({
      %run_scoped3A = tpu.sem_alloc : memref<!tpu.dma_semaphore, #tpu.memory_space<semaphore_mem>>
      %dma_start3A = arith.constant 0 : i32
      %dma_start3A_100 = tpu.memref_slice %arg14[%arg1, %dma_start3A] : memref<16x384xi32, #tpu.memory_space<vmem_shared>> -> memref<1x384xi32, #tpu.memory_space<vmem_shared>>
      %dma_start3A_101 = tpu.memref_squeeze %dma_start3A_100 : memref<1x384xi32, #tpu.memory_space<vmem_shared>> -> memref<384xi32, #tpu.memory_space<vmem_shared>>
      %dma_start3A_102 = arith.constant 0 : i32
      %dma_start3A_103 = tpu.memref_slice %arg14[%arg1, %dma_start3A_102] : memref<16x384xi32, #tpu.memory_space<vmem_shared>> -> memref<1x384xi32, #tpu.memory_space<vmem_shared>>
      %dma_start3A_104 = tpu.memref_squeeze %dma_start3A_103 : memref<1x384xi32, #tpu.memory_space<vmem_shared>> -> memref<384xi32, #tpu.memory_space<vmem_shared>>
      tpu.enqueue_dma source(%arg9 : memref<384xi32, #tpu.memory_space<vmem>>) target(%dma_start3A_104 : memref<384xi32, #tpu.memory_space<vmem_shared>>) target_semaphore(%run_scoped3A : memref<!tpu.dma_semaphore, #tpu.memory_space<semaphore_mem>>)
      %dma_wait3A = arith.constant 0 : i32
      %dma_wait3A_105 = tpu.memref_slice %arg14[%arg1, %dma_wait3A] : memref<16x384xi32, #tpu.memory_space<vmem_shared>> -> memref<1x384xi32, #tpu.memory_space<vmem_shared>>
      %dma_wait3A_106 = tpu.memref_squeeze %dma_wait3A_105 : memref<1x384xi32, #tpu.memory_space<vmem_shared>> -> memref<384xi32, #tpu.memory_space<vmem_shared>>
      %dma_wait3A_107 = arith.constant 0 : i32
      %dma_wait3A_108 = tpu.memref_slice %arg14[%arg1, %dma_wait3A_107] : memref<16x384xi32, #tpu.memory_space<vmem_shared>> -> memref<1x384xi32, #tpu.memory_space<vmem_shared>>
      %dma_wait3A_109 = tpu.memref_squeeze %dma_wait3A_108 : memref<1x384xi32, #tpu.memory_space<vmem_shared>> -> memref<384xi32, #tpu.memory_space<vmem_shared>>
      tpu.wait_dma2 semaphore(%run_scoped3A : memref<!tpu.dma_semaphore, #tpu.memory_space<semaphore_mem>>) src(%arg9 : memref<384xi32, #tpu.memory_space<vmem>>) dst(%dma_wait3A_109 : memref<384xi32, #tpu.memory_space<vmem_shared>>)
      tpu.yield
    }) : () -> ()
    %barrier3A_96 = arith.constant 0 : index
    tpu.barrier barrier_id(%barrier3A_96)
    %eq3A_97 = arith.constant 0 : i32
    %eq3A_98 = arith.cmpi eq, %select_n3A_30, %eq3A_97 : i32
    %convert_element_type3A = arith.extui %eq3A_98 : i1 to i32
    %cond3A = arith.constant 0 : i32
    %cond3A_99 = arith.cmpi ne, %convert_element_type3A, %cond3A : i32
    scf.if %cond3A_99 {
      %add3A_100 = arith.constant 1 : i32
      %add3A_101 = arith.addi %arg1, %add3A_100 : i32
      "tpu.region"() ({
        %run_scoped3A = tpu.sem_alloc : memref<!tpu.dma_semaphore, #tpu.memory_space<semaphore_mem>>
        %dma_start3A = arith.constant 0 : i32
        %dma_start3A_109 = tpu.memref_slice %arg13[%add3A_101, %dma_start3A] : memref<16x384xi32, #tpu.memory_space<vmem_shared>> -> memref<1x384xi32, #tpu.memory_space<vmem_shared>>
        %dma_start3A_110 = tpu.memref_squeeze %dma_start3A_109 : memref<1x384xi32, #tpu.memory_space<vmem_shared>> -> memref<384xi32, #tpu.memory_space<vmem_shared>>
        %dma_start3A_111 = arith.constant 0 : i32
        %dma_start3A_112 = tpu.memref_slice %arg13[%add3A_101, %dma_start3A_111] : memref<16x384xi32, #tpu.memory_space<vmem_shared>> -> memref<1x384xi32, #tpu.memory_space<vmem_shared>>
        %dma_start3A_113 = tpu.memref_squeeze %dma_start3A_112 : memref<1x384xi32, #tpu.memory_space<vmem_shared>> -> memref<384xi32, #tpu.memory_space<vmem_shared>>
        tpu.enqueue_dma source(%dma_start3A_113 : memref<384xi32, #tpu.memory_space<vmem_shared>>) target(%arg10 : memref<384xi32, #tpu.memory_space<vmem>>) target_semaphore(%run_scoped3A : memref<!tpu.dma_semaphore, #tpu.memory_space<semaphore_mem>>)
        %dma_wait3A = arith.constant 0 : i32
        %dma_wait3A_114 = tpu.memref_slice %arg13[%add3A_101, %dma_wait3A] : memref<16x384xi32, #tpu.memory_space<vmem_shared>> -> memref<1x384xi32, #tpu.memory_space<vmem_shared>>
        %dma_wait3A_115 = tpu.memref_squeeze %dma_wait3A_114 : memref<1x384xi32, #tpu.memory_space<vmem_shared>> -> memref<384xi32, #tpu.memory_space<vmem_shared>>
        %dma_wait3A_116 = arith.constant 0 : i32
        %dma_wait3A_117 = tpu.memref_slice %arg13[%add3A_101, %dma_wait3A_116] : memref<16x384xi32, #tpu.memory_space<vmem_shared>> -> memref<1x384xi32, #tpu.memory_space<vmem_shared>>
        %dma_wait3A_118 = tpu.memref_squeeze %dma_wait3A_117 : memref<1x384xi32, #tpu.memory_space<vmem_shared>> -> memref<384xi32, #tpu.memory_space<vmem_shared>>
        tpu.wait_dma2 semaphore(%run_scoped3A : memref<!tpu.dma_semaphore, #tpu.memory_space<semaphore_mem>>) src(%dma_wait3A_118 : memref<384xi32, #tpu.memory_space<vmem_shared>>) dst(%arg10 : memref<384xi32, #tpu.memory_space<vmem>>)
        tpu.yield
      }) : () -> ()
      %add3A_102 = arith.constant 1 : i32
      %add3A_103 = arith.addi %arg1, %add3A_102 : i32
      "tpu.region"() ({
        %run_scoped3A = tpu.sem_alloc : memref<!tpu.dma_semaphore, #tpu.memory_space<semaphore_mem>>
        %dma_start3A = arith.constant 0 : i32
        %dma_start3A_109 = tpu.memref_slice %arg14[%add3A_103, %dma_start3A] : memref<16x384xi32, #tpu.memory_space<vmem_shared>> -> memref<1x384xi32, #tpu.memory_space<vmem_shared>>
        %dma_start3A_110 = tpu.memref_squeeze %dma_start3A_109 : memref<1x384xi32, #tpu.memory_space<vmem_shared>> -> memref<384xi32, #tpu.memory_space<vmem_shared>>
        %dma_start3A_111 = arith.constant 0 : i32
        %dma_start3A_112 = tpu.memref_slice %arg14[%add3A_103, %dma_start3A_111] : memref<16x384xi32, #tpu.memory_space<vmem_shared>> -> memref<1x384xi32, #tpu.memory_space<vmem_shared>>
        %dma_start3A_113 = tpu.memref_squeeze %dma_start3A_112 : memref<1x384xi32, #tpu.memory_space<vmem_shared>> -> memref<384xi32, #tpu.memory_space<vmem_shared>>
        tpu.enqueue_dma source(%dma_start3A_113 : memref<384xi32, #tpu.memory_space<vmem_shared>>) target(%arg11 : memref<384xi32, #tpu.memory_space<vmem>>) target_semaphore(%run_scoped3A : memref<!tpu.dma_semaphore, #tpu.memory_space<semaphore_mem>>)
        %dma_wait3A = arith.constant 0 : i32
        %dma_wait3A_114 = tpu.memref_slice %arg14[%add3A_103, %dma_wait3A] : memref<16x384xi32, #tpu.memory_space<vmem_shared>> -> memref<1x384xi32, #tpu.memory_space<vmem_shared>>
        %dma_wait3A_115 = tpu.memref_squeeze %dma_wait3A_114 : memref<1x384xi32, #tpu.memory_space<vmem_shared>> -> memref<384xi32, #tpu.memory_space<vmem_shared>>
        %dma_wait3A_116 = arith.constant 0 : i32
        %dma_wait3A_117 = tpu.memref_slice %arg14[%add3A_103, %dma_wait3A_116] : memref<16x384xi32, #tpu.memory_space<vmem_shared>> -> memref<1x384xi32, #tpu.memory_space<vmem_shared>>
        %dma_wait3A_118 = tpu.memref_squeeze %dma_wait3A_117 : memref<1x384xi32, #tpu.memory_space<vmem_shared>> -> memref<384xi32, #tpu.memory_space<vmem_shared>>
        tpu.wait_dma2 semaphore(%run_scoped3A : memref<!tpu.dma_semaphore, #tpu.memory_space<semaphore_mem>>) src(%dma_wait3A_118 : memref<384xi32, #tpu.memory_space<vmem_shared>>) dst(%arg11 : memref<384xi32, #tpu.memory_space<vmem>>)
        tpu.yield
      }) : () -> ()
      %parallel_loop3A_104 = arith.constant 0 : i32
      %parallel_loop3A_105 = arith.constant 24 : i32
      %parallel_loop3A_106 = arith.constant 1 : i32
      %parallel_loop3A_107 = arith.constant 0 : i32
      %parallel_loop3A_108 = scf.for %parallel_loop3A_109 = %parallel_loop3A_104 to %parallel_loop3A_105 step %parallel_loop3A_106 iter_args(%parallel_loop3A_110 = %parallel_loop3A_107) -> (i32)  : i32 {
        %parallel_loop3A_111 = arith.constant 16 : i32
        %parallel_loop3A_112 = arith.muli %parallel_loop3A_109, %parallel_loop3A_111 : i32
        %parallel_loop3A_113 = arith.index_cast %parallel_loop3A_112 : i32 to index
        %parallel_loop3A_114 = tpu.vector_load %arg10[%parallel_loop3A_113] {strides = array<i32>} : memref<384xi32, #tpu.memory_space<vmem>>, vector<16xi32>,
        %parallel_loop3A_115 = arith.constant 16 : i32
        %parallel_loop3A_116 = arith.muli %parallel_loop3A_109, %parallel_loop3A_115 : i32
        %parallel_loop3A_117 = arith.index_cast %parallel_loop3A_116 : i32 to index
        %parallel_loop3A_118 = tpu.vector_load %arg11[%parallel_loop3A_117] {strides = array<i32>} : memref<384xi32, #tpu.memory_space<vmem>>, vector<16xi32>,
        %parallel_loop3A_119 = arith.constant 0 : i32
        %parallel_loop3A_120 = vector.broadcast %parallel_loop3A_119 : i32 to vector<16xi32>
        %parallel_loop3A_121 = arith.cmpi ne, %parallel_loop3A_114, %parallel_loop3A_120 : vector<16xi32>
        %parallel_loop3A_122 = arith.extui %parallel_loop3A_121 : vector<16xi1> to vector<16xi32>
        %parallel_loop3A_123 = arith.addi %parallel_loop3A_95, %parallel_loop3A_110 : i32
        %parallel_loop3A_124 = arith.constant true
        %parallel_loop3A_125 = vector.broadcast %parallel_loop3A_124 : i1 to vector<16xi1>
        %parallel_loop3A_126 = tpu.scan <sum>, %parallel_loop3A_122 masked %parallel_loop3A_125 : vector<16xi32>, vector<16xi1> -> vector<16xi32>
        %parallel_loop3A_127 = vector.broadcast %parallel_loop3A_123 : i32 to vector<16xi32>
        %parallel_loop3A_128 = arith.addi %parallel_loop3A_127, %parallel_loop3A_126 : vector<16xi32>
        %parallel_loop3A_129 = arith.subi %parallel_loop3A_128, %parallel_loop3A_122 : vector<16xi32>
        %parallel_loop3A_130 = arith.constant 384 : i32
        %parallel_loop3A_131 = vector.broadcast %parallel_loop3A_130 : i32 to vector<16xi32>
        %parallel_loop3A_132 = arith.cmpi slt, %parallel_loop3A_129, %parallel_loop3A_131 : vector<16xi32>
        %parallel_loop3A_133 = arith.andi %parallel_loop3A_121, %parallel_loop3A_132 : vector<16xi1>
        tpu.vector_store_idx %arg8[%parallel_loop3A_129], %parallel_loop3A_114 masked %parallel_loop3A_133 : memref<384xi32, #tpu.memory_space<vmem>>[vector<16xi32>], vector<16xi32>, vector<16xi1>
        tpu.vector_store_idx %arg9[%parallel_loop3A_129], %parallel_loop3A_118 masked %parallel_loop3A_133 : memref<384xi32, #tpu.memory_space<vmem>>[vector<16xi32>], vector<16xi32>, vector<16xi1>
        %parallel_loop3A_134 = arith.constant true
        %parallel_loop3A_135 = vector.broadcast %parallel_loop3A_134 : i1 to vector<16xi1>
        %parallel_loop3A_136 = tpu.scan <sum>, %parallel_loop3A_122 masked %parallel_loop3A_135 : vector<16xi32>, vector<16xi1> -> vector<16xi32>
        %parallel_loop3A_137 = vector.extract %parallel_loop3A_136[15] : i32 from vector<16xi32>
        %parallel_loop3A_138 = arith.addi %parallel_loop3A_110, %parallel_loop3A_137 : i32
        scf.yield %parallel_loop3A_138 : i32
      } {sc.loop_unroll_factor = 4 : i64, sc.parallel_access}
      "tpu.region"() ({
        %run_scoped3A = tpu.sem_alloc : memref<!tpu.dma_semaphore, #tpu.memory_space<semaphore_mem>>
        %dma_start3A = arith.constant 0 : i32
        %dma_start3A_109 = tpu.memref_slice %arg3[%add3A, %dma_start3A] : memref<16x384xi32, #tpu.memory_space<hbm>> -> memref<1x384xi32, #tpu.memory_space<hbm>>
        %dma_start3A_110 = tpu.memref_squeeze %dma_start3A_109 : memref<1x384xi32, #tpu.memory_space<hbm>> -> memref<384xi32, #tpu.memory_space<hbm>>
        %dma_start3A_111 = arith.constant 0 : i32
        %dma_start3A_112 = tpu.memref_slice %arg3[%add3A, %dma_start3A_111] : memref<16x384xi32, #tpu.memory_space<hbm>> -> memref<1x384xi32, #tpu.memory_space<hbm>>
        %dma_start3A_113 = tpu.memref_squeeze %dma_start3A_112 : memref<1x384xi32, #tpu.memory_space<hbm>> -> memref<384xi32, #tpu.memory_space<hbm>>
        tpu.enqueue_dma source(%arg8 : memref<384xi32, #tpu.memory_space<vmem>>) target(%dma_start3A_113 : memref<384xi32, #tpu.memory_space<hbm>>) target_semaphore(%run_scoped3A : memref<!tpu.dma_semaphore, #tpu.memory_space<semaphore_mem>>)
        %dma_wait3A = arith.constant 0 : i32
        %dma_wait3A_114 = tpu.memref_slice %arg3[%add3A, %dma_wait3A] : memref<16x384xi32, #tpu.memory_space<hbm>> -> memref<1x384xi32, #tpu.memory_space<hbm>>
        %dma_wait3A_115 = tpu.memref_squeeze %dma_wait3A_114 : memref<1x384xi32, #tpu.memory_space<hbm>> -> memref<384xi32, #tpu.memory_space<hbm>>
        %dma_wait3A_116 = arith.constant 0 : i32
        %dma_wait3A_117 = tpu.memref_slice %arg3[%add3A, %dma_wait3A_116] : memref<16x384xi32, #tpu.memory_space<hbm>> -> memref<1x384xi32, #tpu.memory_space<hbm>>
        %dma_wait3A_118 = tpu.memref_squeeze %dma_wait3A_117 : memref<1x384xi32, #tpu.memory_space<hbm>> -> memref<384xi32, #tpu.memory_space<hbm>>
        tpu.wait_dma2 semaphore(%run_scoped3A : memref<!tpu.dma_semaphore, #tpu.memory_space<semaphore_mem>>) src(%arg8 : memref<384xi32, #tpu.memory_space<vmem>>) dst(%dma_wait3A_118 : memref<384xi32, #tpu.memory_space<hbm>>)
        tpu.yield
      }) : () -> ()
      "tpu.region"() ({
        %run_scoped3A = tpu.sem_alloc : memref<!tpu.dma_semaphore, #tpu.memory_space<semaphore_mem>>
        %dma_start3A = arith.constant 0 : i32
        %dma_start3A_109 = tpu.memref_slice %arg4[%add3A, %dma_start3A] : memref<16x384xi32, #tpu.memory_space<hbm>> -> memref<1x384xi32, #tpu.memory_space<hbm>>
        %dma_start3A_110 = tpu.memref_squeeze %dma_start3A_109 : memref<1x384xi32, #tpu.memory_space<hbm>> -> memref<384xi32, #tpu.memory_space<hbm>>
        %dma_start3A_111 = arith.constant 0 : i32
        %dma_start3A_112 = tpu.memref_slice %arg4[%add3A, %dma_start3A_111] : memref<16x384xi32, #tpu.memory_space<hbm>> -> memref<1x384xi32, #tpu.memory_space<hbm>>
        %dma_start3A_113 = tpu.memref_squeeze %dma_start3A_112 : memref<1x384xi32, #tpu.memory_space<hbm>> -> memref<384xi32, #tpu.memory_space<hbm>>
        tpu.enqueue_dma source(%arg9 : memref<384xi32, #tpu.memory_space<vmem>>) target(%dma_start3A_113 : memref<384xi32, #tpu.memory_space<hbm>>) target_semaphore(%run_scoped3A : memref<!tpu.dma_semaphore, #tpu.memory_space<semaphore_mem>>)
        %dma_wait3A = arith.constant 0 : i32
        %dma_wait3A_114 = tpu.memref_slice %arg4[%add3A, %dma_wait3A] : memref<16x384xi32, #tpu.memory_space<hbm>> -> memref<1x384xi32, #tpu.memory_space<hbm>>
        %dma_wait3A_115 = tpu.memref_squeeze %dma_wait3A_114 : memref<1x384xi32, #tpu.memory_space<hbm>> -> memref<384xi32, #tpu.memory_space<hbm>>
        %dma_wait3A_116 = arith.constant 0 : i32
        %dma_wait3A_117 = tpu.memref_slice %arg4[%add3A, %dma_wait3A_116] : memref<16x384xi32, #tpu.memory_space<hbm>> -> memref<1x384xi32, #tpu.memory_space<hbm>>
        %dma_wait3A_118 = tpu.memref_squeeze %dma_wait3A_117 : memref<1x384xi32, #tpu.memory_space<hbm>> -> memref<384xi32, #tpu.memory_space<hbm>>
        tpu.wait_dma2 semaphore(%run_scoped3A : memref<!tpu.dma_semaphore, #tpu.memory_space<semaphore_mem>>) src(%arg9 : memref<384xi32, #tpu.memory_space<vmem>>) dst(%dma_wait3A_118 : memref<384xi32, #tpu.memory_space<hbm>>)
        tpu.yield
      }) : () -> ()
    } else {
    }
    return
  }
}

module attributes {stable_mosaic.version = 14 : i64} {
  func.func @_prob_body(%arg0: i32, %arg1: memref<1x900x256xf32, #tpu.memory_space<vmem>>, %arg2: memref<256x80xf32, #tpu.memory_space<vmem>>, %arg3: memref<1x900x80xi32, #tpu.memory_space<vmem>>) attributes {dimension_semantics = [#tpu.dimension_semantics<arbitrary>], iteration_bounds = array<i64: 16>, scalar_prefetch = 0 : i64, scratch_operands = 0 : i64, tpu.core_type = #tpu.core_type<tc>, window_params = [{transform_indices = @transform_0, window_bounds = array<i64: 1, 900, 256>}, {pipeline_mode = #tpu.pipeline_mode<synchronous>, transform_indices = @transform_1, window_bounds = array<i64: 256, 80>}, {transform_indices = @transform_2, window_bounds = array<i64: 1, 900, 80>}]} {
    %get3A = arith.constant 0 : index
    %get3A_0 = arith.constant 0 : index
    %get3A_1 = arith.constant 0 : index
    %get3A_2 = vector.load %arg1[%get3A, %get3A_0, %get3A_1] : memref<1x900x256xf32, #tpu.memory_space<vmem>>, vector<1x900x256xf32>
    %get3A_3 = vector.shape_cast %get3A_2 : vector<1x900x256xf32> to vector<900x256xf32>
    %logistic3A = arith.negf %get3A_3 : vector<900x256xf32>
    %logistic3A_4 = math.exp %logistic3A : vector<900x256xf32>
    %logistic3A_5 = arith.constant 1.000000e+00 : f32
    %logistic3A_6 = vector.broadcast %logistic3A_5 : f32 to vector<900x256xf32>
    %logistic3A_7 = arith.addf %logistic3A_6, %logistic3A_4 : vector<900x256xf32>
    %logistic3A_8 = arith.divf %logistic3A_6, %logistic3A_7 : vector<900x256xf32>
    %get3A_9 = arith.constant 0 : index
    %get3A_10 = arith.constant 0 : index
    %get3A_11 = vector.load %arg2[%get3A_9, %get3A_10] : memref<256x80xf32, #tpu.memory_space<vmem>>, vector<256x80xf32>
    %dot_general3A = arith.constant dense<0.000000e+00> : vector<900x80xf32>
    %dot_general3A_12 = tpu.matmul %logistic3A_8, %get3A_11, %dot_general3A {dimension_numbers = #tpu.dot_dimension_numbers<[1], [0], [0], [1], [0, 0, 1, 1], [], []>, transpose_lhs_hint = false} : vector<900x256xf32>, vector<256x80xf32>, vector<900x80xf32> -> vector<900x80xf32>
    %bitcast_convert_type3A = tpu.bitcast %dot_general3A_12 : vector<900x80xf32> -> vector<900x80xi32>
    %swap3A = arith.constant 0 : index
    %swap3A_13 = arith.constant 0 : index
    %swap3A_14 = arith.constant 0 : index
    %swap3A_15 = vector.load %arg3[%swap3A, %swap3A_13, %swap3A_14] : memref<1x900x80xi32, #tpu.memory_space<vmem>>, vector<1x900x80xi32>
    %swap3A_16 = vector.shape_cast %swap3A_15 : vector<1x900x80xi32> to vector<900x80xi32>
    %swap3A_17 = vector.shape_cast %bitcast_convert_type3A : vector<900x80xi32> to vector<1x900x80xi32>
    tpu.vector_store %arg3[%swap3A, %swap3A_13, %swap3A_14], %swap3A_17 {strides = array<i32>} : memref<1x900x80xi32, #tpu.memory_space<vmem>>, vector<1x900x80xi32>,
    return
  }
  func.func @transform_0(%arg0: i32) -> (i32, i32, i32) {
    %c0_i32 = arith.constant 0 : i32
    %c0_i32_0 = arith.constant 0 : i32
    %c0_i32_1 = arith.constant 0 : i32
    return %arg0, %c0_i32, %c0_i32_0 : i32, i32, i32
  }
  func.func @transform_1(%arg0: i32) -> (i32, i32) {
    %c0_i32 = arith.constant 0 : i32
    %c0_i32_0 = arith.constant 0 : i32
    %c0_i32_1 = arith.constant 0 : i32
    return %c0_i32, %c0_i32_0 : i32, i32
  }
  func.func @transform_2(%arg0: i32) -> (i32, i32, i32) {
    %c0_i32 = arith.constant 0 : i32
    %c0_i32_0 = arith.constant 0 : i32
    %c0_i32_1 = arith.constant 0 : i32
    return %arg0, %c0_i32, %c0_i32_0 : i32, i32, i32
  }
}

module attributes {stable_mosaic.version = 14 : i64} {
  func.func @_order_body(%arg0: i32, %arg1: memref<8x1x384xi32, #tpu.memory_space<vmem>>, %arg2: memref<8x1x384xi32, #tpu.memory_space<vmem>>, %arg3: memref<8x384x1xi32, #tpu.memory_space<vmem>>, %arg4: memref<8x384x1xi32, #tpu.memory_space<vmem>>, %arg5: memref<8x900x4xf32, #tpu.memory_space<vmem>>, %arg6: memref<8x1x4xf32, #tpu.memory_space<vmem>>, %arg7: memref<8x300x1xf32, #tpu.memory_space<vmem>>, %arg8: memref<8x300x1xi32, #tpu.memory_space<vmem>>, %arg9: memref<8x300x4xf32, #tpu.memory_space<vmem>>) attributes {dimension_semantics = [#tpu.dimension_semantics<arbitrary>], iteration_bounds = array<i64: 2>, scalar_prefetch = 0 : i64, scratch_operands = 0 : i64, tpu.core_type = #tpu.core_type<tc>, window_params = [{transform_indices = @transform_0, window_bounds = array<i64: 8, 1, 384>}, {transform_indices = @transform_1, window_bounds = array<i64: 8, 1, 384>}, {transform_indices = @transform_2, window_bounds = array<i64: 8, 384, 1>}, {transform_indices = @transform_3, window_bounds = array<i64: 8, 384, 1>}, {transform_indices = @transform_4, window_bounds = array<i64: 8, 900, 4>}, {transform_indices = @transform_5, window_bounds = array<i64: 8, 1, 4>}, {transform_indices = @transform_6, window_bounds = array<i64: 8, 300, 1>}, {transform_indices = @transform_7, window_bounds = array<i64: 8, 300, 1>}, {transform_indices = @transform_8, window_bounds = array<i64: 8, 300, 4>}]} {
    %get3A = arith.constant 0 : index
    %get3A_0 = arith.constant 0 : index
    %get3A_1 = arith.constant 0 : index
    %get3A_2 = vector.load %arg1[%get3A, %get3A_0, %get3A_1] : memref<8x1x384xi32, #tpu.memory_space<vmem>>, vector<8x1x384xi32>
    %get3A_3 = arith.constant 0 : index
    %get3A_4 = arith.constant 0 : index
    %get3A_5 = arith.constant 0 : index
    %get3A_6 = vector.load %arg2[%get3A_3, %get3A_4, %get3A_5] : memref<8x1x384xi32, #tpu.memory_space<vmem>>, vector<8x1x384xi32>
    %get3A_7 = arith.constant 0 : index
    %get3A_8 = arith.constant 0 : index
    %get3A_9 = arith.constant 0 : index
    %get3A_10 = vector.load %arg3[%get3A_7, %get3A_8, %get3A_9] : memref<8x384x1xi32, #tpu.memory_space<vmem>>, vector<8x384x1xi32>
    %get3A_11 = arith.constant 0 : index
    %get3A_12 = arith.constant 0 : index
    %get3A_13 = arith.constant 0 : index
    %get3A_14 = vector.load %arg4[%get3A_11, %get3A_12, %get3A_13] : memref<8x384x1xi32, #tpu.memory_space<vmem>>, vector<8x384x1xi32>
    %gt3A = vector.broadcast %get3A_2 : vector<8x1x384xi32> to vector<8x384x384xi32>
    %gt3A_15 = vector.broadcast %get3A_10 : vector<8x384x1xi32> to vector<8x384x384xi32>
    %gt3A_16 = arith.cmpi sgt, %gt3A, %gt3A_15 : vector<8x384x384xi32>
    %eq3A = vector.broadcast %get3A_2 : vector<8x1x384xi32> to vector<8x384x384xi32>
    %eq3A_17 = vector.broadcast %get3A_10 : vector<8x384x1xi32> to vector<8x384x384xi32>
    %eq3A_18 = arith.cmpi eq, %eq3A, %eq3A_17 : vector<8x384x384xi32>
    %lt3A = vector.broadcast %get3A_6 : vector<8x1x384xi32> to vector<8x384x384xi32>
    %lt3A_19 = vector.broadcast %get3A_14 : vector<8x384x1xi32> to vector<8x384x384xi32>
    %lt3A_20 = arith.cmpi slt, %lt3A, %lt3A_19 : vector<8x384x384xi32>
    %and3A = arith.andi %eq3A_18, %lt3A_20 : vector<8x384x384xi1>
    %or3A = arith.ori %gt3A_16, %and3A : vector<8x384x384xi1>
    %convert_element_type3A = arith.extui %or3A : vector<8x384x384xi1> to vector<8x384x384xi32>
    %reduce_sum3A = arith.constant dense<0> : vector<8x384xi32>
    %reduce_sum3A_21 = vector.multi_reduction <add>, %convert_element_type3A, %reduce_sum3A [2] : vector<8x384x384xi32> to vector<8x384xi32>
    %broadcast_in_dim3A = vector.shape_cast %reduce_sum3A_21 : vector<8x384xi32> to vector<8x384x1xi32>
    %iota3A = tpu.iota {dimensions = array<i32: 2>} : vector<8x384x384xi32>
    %eq3A_22 = vector.broadcast %broadcast_in_dim3A : vector<8x384x1xi32> to vector<8x384x384xi32>
    %eq3A_23 = arith.cmpi eq, %eq3A_22, %iota3A : vector<8x384x384xi32>
    %convert_element_type3A_24 = arith.extui %eq3A_23 : vector<8x384x384xi1> to vector<8x384x384xi32>
    %convert_element_type3A_25 = arith.sitofp %convert_element_type3A_24 : vector<8x384x384xi32> to vector<8x384x384xf32>
    %jit3A = arith.constant 80 : i32
    %div3A = vector.broadcast %jit3A : i32 to vector<8x384x1xi32>
    %div3A_26 = arith.divsi %get3A_14, %div3A : vector<8x384x1xi32>
    %sign3A = arith.constant 0 : i32
    %sign3A_27 = vector.broadcast %sign3A : i32 to vector<8x384x1xi32>
    %sign3A_28 = arith.cmpi sgt, %get3A_14, %sign3A_27 : vector<8x384x1xi32>
    %sign3A_29 = arith.extui %sign3A_28 : vector<8x384x1xi1> to vector<8x384x1xi32>
    %sign3A_30 = arith.constant 0 : i32
    %sign3A_31 = vector.broadcast %sign3A_30 : i32 to vector<8x384x1xi32>
    %sign3A_32 = arith.cmpi slt, %get3A_14, %sign3A_31 : vector<8x384x1xi32>
    %sign3A_33 = arith.extui %sign3A_32 : vector<8x384x1xi1> to vector<8x384x1xi32>
    %sign3A_34 = arith.subi %sign3A_29, %sign3A_33 : vector<8x384x1xi32>
    %sign3A_35 = arith.constant 0 : i32
    %sign3A_36 = arith.cmpi sgt, %jit3A, %sign3A_35 : i32
    %sign3A_37 = arith.extui %sign3A_36 : i1 to i32
    %sign3A_38 = arith.constant 0 : i32
    %sign3A_39 = arith.cmpi slt, %jit3A, %sign3A_38 : i32
    %sign3A_40 = arith.extui %sign3A_39 : i1 to i32
    %sign3A_41 = arith.subi %sign3A_37, %sign3A_40 : i32
    %ne3A = vector.broadcast %sign3A_41 : i32 to vector<8x384x1xi32>
    %ne3A_42 = arith.cmpi ne, %sign3A_34, %ne3A : vector<8x384x1xi32>
    %rem3A = vector.broadcast %jit3A : i32 to vector<8x384x1xi32>
    %rem3A_43 = arith.remsi %get3A_14, %rem3A : vector<8x384x1xi32>
    %ne3A_44 = arith.constant 0 : i32
    %ne3A_45 = vector.broadcast %ne3A_44 : i32 to vector<8x384x1xi32>
    %ne3A_46 = arith.cmpi ne, %rem3A_43, %ne3A_45 : vector<8x384x1xi32>
    %and3A_47 = arith.andi %ne3A_42, %ne3A_46 : vector<8x384x1xi1>
    %sub3A = arith.constant 1 : i32
    %sub3A_48 = vector.broadcast %sub3A : i32 to vector<8x384x1xi32>
    %sub3A_49 = arith.subi %div3A_26, %sub3A_48 : vector<8x384x1xi32>
    %select_n3A = arith.select %and3A_47, %sub3A_49, %div3A_26 : vector<8x384x1xi1>, vector<8x384x1xi32>
    %iota3A_50 = tpu.iota {dimensions = array<i32: 2>} : vector<8x384x900xi32>
    %eq3A_51 = vector.broadcast %select_n3A : vector<8x384x1xi32> to vector<8x384x900xi32>
    %eq3A_52 = arith.cmpi eq, %eq3A_51, %iota3A_50 : vector<8x384x900xi32>
    %convert_element_type3A_53 = arith.extui %eq3A_52 : vector<8x384x900xi1> to vector<8x384x900xi32>
    %convert_element_type3A_54 = arith.sitofp %convert_element_type3A_53 : vector<8x384x900xi32> to vector<8x384x900xf32>
    %get3A_55 = arith.constant 0 : index
    %get3A_56 = arith.constant 0 : index
    %get3A_57 = arith.constant 0 : index
    %get3A_58 = vector.load %arg5[%get3A_55, %get3A_56, %get3A_57] : memref<8x900x4xf32, #tpu.memory_space<vmem>>, vector<8x900x4xf32>
    %dot_general3A = arith.constant dense<0.000000e+00> : vector<8x384x4xf32>
    %dot_general3A_59 = tpu.matmul %convert_element_type3A_54, %get3A_58, %dot_general3A {dimension_numbers = #tpu.dot_dimension_numbers<[2], [1], [1], [2], [0, 0, 0, 1, 1, 2], [0], [0]>, precision = #tpu.contract_precision<fp32>, transpose_lhs_hint = false} : vector<8x384x900xf32>, vector<8x900x4xf32>, vector<8x384x4xf32> -> vector<8x384x4xf32>
    %bitcast_convert_type3A = tpu.bitcast %get3A_10 : vector<8x384x1xi32> -> vector<8x384x1xf32>
    %convert_element_type3A_60 = arith.sitofp %get3A_14 : vector<8x384x1xi32> to vector<8x384x1xf32>
    %dot_general3A_61 = arith.constant dense<0.000000e+00> : vector<8x384x1xf32>
    %dot_general3A_62 = tpu.matmul %convert_element_type3A_25, %bitcast_convert_type3A, %dot_general3A_61 {dimension_numbers = #tpu.dot_dimension_numbers<[1], [1], [2], [2], [0, 0, 0, 2, 1, 2], [0], [0]>, precision = #tpu.contract_precision<fp32>, transpose_lhs_hint = false} : vector<8x384x384xf32>, vector<8x384x1xf32>, vector<8x384x1xf32> -> vector<8x384x1xf32>
    %dot_general3A_63 = arith.constant dense<0.000000e+00> : vector<8x384x1xf32>
    %dot_general3A_64 = tpu.matmul %convert_element_type3A_25, %convert_element_type3A_60, %dot_general3A_63 {dimension_numbers = #tpu.dot_dimension_numbers<[1], [1], [2], [2], [0, 0, 0, 2, 1, 2], [0], [0]>, precision = #tpu.contract_precision<fp32>, transpose_lhs_hint = false} : vector<8x384x384xf32>, vector<8x384x1xf32>, vector<8x384x1xf32> -> vector<8x384x1xf32>
    %convert_element_type3A_65 = arith.fptosi %dot_general3A_64 : vector<8x384x1xf32> to vector<8x384x1xi32>
    %jit3A_66 = arith.constant 80 : i32
    %eq3A_67 = arith.constant 0 : i32
    %eq3A_68 = arith.cmpi eq, %jit3A_66, %eq3A_67 : i32
    %jit3A_69 = arith.constant 1 : i32
    %select_n3A_70 = arith.select %eq3A_68, %jit3A_69, %jit3A_66 : i32
    %rem3A_71 = vector.broadcast %select_n3A_70 : i32 to vector<8x384x1xi32>
    %rem3A_72 = arith.remsi %convert_element_type3A_65, %rem3A_71 : vector<8x384x1xi32>
    %ne3A_73 = arith.constant 0 : i32
    %ne3A_74 = vector.broadcast %ne3A_73 : i32 to vector<8x384x1xi32>
    %ne3A_75 = arith.cmpi ne, %rem3A_72, %ne3A_74 : vector<8x384x1xi32>
    %lt3A_76 = arith.constant 0 : i32
    %lt3A_77 = vector.broadcast %lt3A_76 : i32 to vector<8x384x1xi32>
    %lt3A_78 = arith.cmpi slt, %rem3A_72, %lt3A_77 : vector<8x384x1xi32>
    %lt3A_79 = arith.constant 0 : i32
    %lt3A_80 = arith.cmpi slt, %select_n3A_70, %lt3A_79 : i32
    %ne3A_81 = vector.broadcast %lt3A_80 : i1 to vector<8x384x1xi1>
    %ne3A_82 = vector.broadcast %ne3A_81 : vector<8x384x1xi1> to vector<8x384x1xi1>
    %ne3A_83 = arith.xori %lt3A_78, %ne3A_82 : vector<8x384x1xi1>
    %and3A_84 = arith.andi %ne3A_83, %ne3A_75 : vector<8x384x1xi1>
    %add3A = vector.broadcast %select_n3A_70 : i32 to vector<8x384x1xi32>
    %add3A_85 = arith.addi %rem3A_72, %add3A : vector<8x384x1xi32>
    %select_n3A_86 = arith.select %and3A_84, %add3A_85, %rem3A_72 : vector<8x384x1xi1>, vector<8x384x1xi32>
    %dot_general3A_87 = arith.constant dense<0.000000e+00> : vector<8x384x4xf32>
    %dot_general3A_88 = tpu.matmul %convert_element_type3A_25, %dot_general3A_59, %dot_general3A_87 {dimension_numbers = #tpu.dot_dimension_numbers<[1], [1], [2], [2], [0, 0, 0, 2, 1, 2], [0], [0]>, precision = #tpu.contract_precision<fp32>, transpose_lhs_hint = false} : vector<8x384x384xf32>, vector<8x384x4xf32>, vector<8x384x4xf32> -> vector<8x384x4xf32>
    %slice3A = vector.extract_strided_slice %dot_general3A_88 {offsets = [0, 0, 0], sizes = [8, 384, 1], strides = [1, 1, 1]} : vector<8x384x4xf32> to vector<8x384x1xf32>
    %slice3A_89 = vector.extract_strided_slice %dot_general3A_88 {offsets = [0, 0, 1], sizes = [8, 384, 1], strides = [1, 1, 1]} : vector<8x384x4xf32> to vector<8x384x1xf32>
    %slice3A_90 = vector.extract_strided_slice %dot_general3A_88 {offsets = [0, 0, 2], sizes = [8, 384, 1], strides = [1, 1, 1]} : vector<8x384x4xf32> to vector<8x384x1xf32>
    %slice3A_91 = vector.extract_strided_slice %dot_general3A_88 {offsets = [0, 0, 3], sizes = [8, 384, 1], strides = [1, 1, 1]} : vector<8x384x4xf32> to vector<8x384x1xf32>
    %mul3A = arith.constant 5.000000e-01 : f32
    %mul3A_92 = vector.broadcast %mul3A : f32 to vector<8x384x1xf32>
    %mul3A_93 = arith.mulf %mul3A_92, %slice3A_90 : vector<8x384x1xf32>
    %sub3A_94 = arith.subf %slice3A, %mul3A_93 : vector<8x384x1xf32>
    %mul3A_95 = arith.constant 5.000000e-01 : f32
    %mul3A_96 = vector.broadcast %mul3A_95 : f32 to vector<8x384x1xf32>
    %mul3A_97 = arith.mulf %mul3A_96, %slice3A_91 : vector<8x384x1xf32>
    %sub3A_98 = arith.subf %slice3A_89, %mul3A_97 : vector<8x384x1xf32>
    %mul3A_99 = arith.constant 5.000000e-01 : f32
    %mul3A_100 = vector.broadcast %mul3A_99 : f32 to vector<8x384x1xf32>
    %mul3A_101 = arith.mulf %mul3A_100, %slice3A_90 : vector<8x384x1xf32>
    %add3A_102 = arith.addf %slice3A, %mul3A_101 : vector<8x384x1xf32>
    %mul3A_103 = arith.constant 5.000000e-01 : f32
    %mul3A_104 = vector.broadcast %mul3A_103 : f32 to vector<8x384x1xf32>
    %mul3A_105 = arith.mulf %mul3A_104, %slice3A_91 : vector<8x384x1xf32>
    %add3A_106 = arith.addf %slice3A_89, %mul3A_105 : vector<8x384x1xf32>
    %concatenate3A = tpu.concatenate %sub3A_94, %sub3A_98, %add3A_102, %add3A_106 in 2 : vector<8x384x1xf32>, vector<8x384x1xf32>, vector<8x384x1xf32>, vector<8x384x1xf32> -> vector<8x384x4xf32>
    %get3A_107 = arith.constant 0 : index
    %get3A_108 = arith.constant 0 : index
    %get3A_109 = arith.constant 0 : index
    %get3A_110 = vector.load %arg6[%get3A_107, %get3A_108, %get3A_109] : memref<8x1x4xf32, #tpu.memory_space<vmem>>, vector<8x1x4xf32>
    %mul3A_111 = vector.broadcast %get3A_110 : vector<8x1x4xf32> to vector<8x384x4xf32>
    %mul3A_112 = arith.mulf %concatenate3A, %mul3A_111 : vector<8x384x4xf32>
    %slice3A_113 = vector.extract_strided_slice %dot_general3A_62 {offsets = [0, 0, 0], sizes = [8, 300, 1], strides = [1, 1, 1]} : vector<8x384x1xf32> to vector<8x300x1xf32>
    %swap3A = arith.constant 0 : index
    %swap3A_114 = arith.constant 0 : index
    %swap3A_115 = arith.constant 0 : index
    %swap3A_116 = vector.load %arg7[%swap3A, %swap3A_114, %swap3A_115] : memref<8x300x1xf32, #tpu.memory_space<vmem>>, vector<8x300x1xf32>
    tpu.vector_store %arg7[%swap3A, %swap3A_114, %swap3A_115], %slice3A_113 {strides = array<i32>} : memref<8x300x1xf32, #tpu.memory_space<vmem>>, vector<8x300x1xf32>,
    %slice3A_117 = vector.extract_strided_slice %select_n3A_86 {offsets = [0, 0, 0], sizes = [8, 300, 1], strides = [1, 1, 1]} : vector<8x384x1xi32> to vector<8x300x1xi32>
    %swap3A_118 = arith.constant 0 : index
    %swap3A_119 = arith.constant 0 : index
    %swap3A_120 = arith.constant 0 : index
    %swap3A_121 = vector.load %arg8[%swap3A_118, %swap3A_119, %swap3A_120] : memref<8x300x1xi32, #tpu.memory_space<vmem>>, vector<8x300x1xi32>
    tpu.vector_store %arg8[%swap3A_118, %swap3A_119, %swap3A_120], %slice3A_117 {strides = array<i32>} : memref<8x300x1xi32, #tpu.memory_space<vmem>>, vector<8x300x1xi32>,
    %slice3A_122 = vector.extract_strided_slice %mul3A_112 {offsets = [0, 0, 0], sizes = [8, 300, 4], strides = [1, 1, 1]} : vector<8x384x4xf32> to vector<8x300x4xf32>
    %swap3A_123 = arith.constant 0 : index
    %swap3A_124 = arith.constant 0 : index
    %swap3A_125 = arith.constant 0 : index
    %swap3A_126 = vector.load %arg9[%swap3A_123, %swap3A_124, %swap3A_125] : memref<8x300x4xf32, #tpu.memory_space<vmem>>, vector<8x300x4xf32>
    tpu.vector_store %arg9[%swap3A_123, %swap3A_124, %swap3A_125], %slice3A_122 {strides = array<i32>} : memref<8x300x4xf32, #tpu.memory_space<vmem>>, vector<8x300x4xf32>,
    return
  }
  func.func @transform_0(%arg0: i32) -> (i32, i32, i32) {
    %c0_i32 = arith.constant 0 : i32
    %c0_i32_0 = arith.constant 0 : i32
    %c0_i32_1 = arith.constant 0 : i32
    return %arg0, %c0_i32, %c0_i32_0 : i32, i32, i32
  }
  func.func @transform_1(%arg0: i32) -> (i32, i32, i32) {
    %c0_i32 = arith.constant 0 : i32
    %c0_i32_0 = arith.constant 0 : i32
    %c0_i32_1 = arith.constant 0 : i32
    return %arg0, %c0_i32, %c0_i32_0 : i32, i32, i32
  }
  func.func @transform_2(%arg0: i32) -> (i32, i32, i32) {
    %c0_i32 = arith.constant 0 : i32
    %c0_i32_0 = arith.constant 0 : i32
    %c0_i32_1 = arith.constant 0 : i32
    return %arg0, %c0_i32, %c0_i32_0 : i32, i32, i32
  }
  func.func @transform_3(%arg0: i32) -> (i32, i32, i32) {
    %c0_i32 = arith.constant 0 : i32
    %c0_i32_0 = arith.constant 0 : i32
    %c0_i32_1 = arith.constant 0 : i32
    return %arg0, %c0_i32, %c0_i32_0 : i32, i32, i32
  }
  func.func @transform_4(%arg0: i32) -> (i32, i32, i32) {
    %c0_i32 = arith.constant 0 : i32
    %c0_i32_0 = arith.constant 0 : i32
    %c0_i32_1 = arith.constant 0 : i32
    return %arg0, %c0_i32, %c0_i32_0 : i32, i32, i32
  }
  func.func @transform_5(%arg0: i32) -> (i32, i32, i32) {
    %c0_i32 = arith.constant 0 : i32
    %c0_i32_0 = arith.constant 0 : i32
    %c0_i32_1 = arith.constant 0 : i32
    return %arg0, %c0_i32, %c0_i32_0 : i32, i32, i32
  }
  func.func @transform_6(%arg0: i32) -> (i32, i32, i32) {
    %c0_i32 = arith.constant 0 : i32
    %c0_i32_0 = arith.constant 0 : i32
    %c0_i32_1 = arith.constant 0 : i32
    return %arg0, %c0_i32, %c0_i32_0 : i32, i32, i32
  }
  func.func @transform_7(%arg0: i32) -> (i32, i32, i32) {
    %c0_i32 = arith.constant 0 : i32
    %c0_i32_0 = arith.constant 0 : i32
    %c0_i32_1 = arith.constant 0 : i32
    return %arg0, %c0_i32, %c0_i32_0 : i32, i32, i32
  }
  func.func @transform_8(%arg0: i32) -> (i32, i32, i32) {
    %c0_i32 = arith.constant 0 : i32
    %c0_i32_0 = arith.constant 0 : i32
    %c0_i32_1 = arith.constant 0 : i32
    return %arg0, %c0_i32, %c0_i32_0 : i32, i32, i32
  }
}

</mosaic_0001>

<sc_bundles>
// kernel: kernel.5.cloned.1.call-start
scs
__scs_entry_jumppad:
0x0: {  	(pc) =	sbr.rel $0x88, $3  }
0x1: {  	(tag) =	ssettag $0x0;
	lr =	simm.s32 $0x1  }
0x2: {  	[smem:$0x3F9D] =	sst lr;
	_ =	strace $0xD0000000  }
0x3: {  	_ = 	snop  }
0x4: {  	_ = 	snop  }
0x5: {  	_ = 	snop  }
0x6: {  	_ = 	snop  }
0x7: {  	_ = 	snop  }
__scs_overlays_trampoline_lowered:
0x8: {  	[smem:$0x3FAC] =	sst s0  }
0x9: {  	[smem:$0x3FAD] =	sst s1  }
0xa: {  	[smem:$0x3FAE] =	sst s2  }
0xb: {  	[smem:$0x3FAF] =	sst s3  }
0xc: {  	[smem:$0x3FB0] =	sst s4  }
0xd: {  	[smem:$0x3FB1] =	sst s5  }
0xe: {  	[smem:$0x3FB2] =	sst s6  }
0xf: {  	[smem:$0x3FB3] =	sst s7  }
0x10: {  	[smem:$0x3FB4] =	sst s8  }
0x11: {  	[smem:$0x3FB5] =	sst s9;
	s0 =	simm.s32 @!p0 $0x0  }
0x12: {  	s1 =	sld [smem:$0x3F9B];
	s0 =	simm.s32 @p0 $0x1  }
0x13: {  	[smem:$0x3FB6] =	sst s0;
	s0 =	simm.s32 @!p1 $0x0  }
0x14: {  	s2 =	sld [smem:$0x3F9A];
	s0 =	simm.s32 @p1 $0x1  }
0x15: {  	[smem:$0x3FB7] =	sst s0;
	s0 =	simm.s32 @!p2 $0x0  }
0x16: {  	s3 =	sld [smem:$0x3FDB];
	s0 =	simm.s32 @p2 $0x1  }
0x17: {  	s4 =	simm.s32 $0x1BF5;
	[smem:$0x3FB9] =	sst s0  }
0x18: {  	s0 =	sld [smem:$0x3F9C];
	_ =	swait.ge [sflag:s4], $0x0  }
0x19: {  	s7 =	sld [smem:$0x3F9D]  }
0x1a: {  	s8 =	sadd.s32 $0xFFFFE003, lr  }
0x1b: {  	s9 =	sadd.s32 $0xFFFFFEF7, lr;
	s5 =	simm.s32 $0xFFFFFFFF;
	p2 =	slt.u32 s8, $0xFFFFF086  }
0x1c: {  	p1 =	slt.u32 s9, $0xF7A;
	s5 =	simm.s32 @!p2 $0x0  }
0x1d: {  	s5 =	simm.s32 @p1 $0x1;
	p0 =	seq.s32 s7, s2  }
0x1e: {  	s7 =	smul.u32 @!p0 $0xF7A, s2;
	p2 =	seq.s32 @!p0 s5, $0x0  }
0x1f: {  	s9 =	smul.u32 $0xF7A, s1;
	s8 =	simm.s32 @!p0 $0x1BF5;
	p2 =	por !p2, p0  }
0x20: {  	[sflag:s8] =	ssyncset.s32 @!p0 $0xFFFFF086;
	s6 =	sadd.s32 @!p0 s3, s7;
	s7 =	simm.s32 @!p0 $0x108  }
0x21: {  	s3 =	sadd.s32 s3, s9;
	s6 =	sadd.s32 @!p0 $0x88, s6;
	s7 =	simm.s32 @p2 $0x1082  }
0x22: {  	[simem:s7], [sflag:s8] =	dma.local @!p0 [hbm:s6], $0xF7A  }
0x23: {  	s9 =	sor.u32 $0xD0000000, s2;
	s6 =	simm.s32 $0x108;
	_ =	swait.ge @!p0 [sflag:s8], $0x0  }
0x24: {  	s3 =	sadd.s32 $0x88, s3;
	s6 =	simm.s32 @!p1 $0x1082;
	[sflag:s4] =	ssyncset.s32 $0xFFFFF086  }
0x25: {  	[simem:s6], [sflag:s4] =	dma.local [hbm:s3], $0xF7A  }
0x26: {  	[smem:$0x3F9D] =	sst s1;
	(tag) =	ssettag s2;
	_ =	strace s9  }
0x27: {  	s1 =	sld [smem:$0x3FAD]  }
0x28: {  	s2 =	sld [smem:$0x3FAE]  }
0x29: {  	s4 =	sld [smem:$0x3FB0]  }
0x2a: {  	p0 =	seq.s32 s5, $0x0;
	s5 =	sld [smem:$0x3FB1]  }
0x2b: {  	s6 =	sld [smem:$0x3FB2]  }
0x2c: {  	s7 =	sld [smem:$0x3FB3]  }
0x2d: {  	s3 =	simm.s32 $0x108;
	s8 =	sld [smem:$0x3FB4]  }
0x2e: {  	s3 =	simm.s32 @!p0 $0x1082;
	s9 =	sld [smem:$0x3FB5]  }
0x2f: {  	lr =	sadd.s32 s0, s3;
	s0 =	sld [smem:$0x3FAC]  }
0x30: {  	s3 =	sld [smem:$0x3FAF]  }
0x31: {  	[smem:$0x3FB8] =	sst s10  }
0x32: {  	s10 =	sld [smem:$0x3FB6];
	_ =	sdelay $0x3  }
0x33: {  	p0 =	seq.s32 s10, $0x1;
	s10 =	sld [smem:$0x3FB8];
	_ =	sdelay $0x3  }
0x34: {  	[smem:$0x3FB8] =	sst s10  }
0x35: {  	s10 =	sld [smem:$0x3FB7];
	_ =	sdelay $0x3  }
0x36: {  	p1 =	seq.s32 s10, $0x1;
	s10 =	sld [smem:$0x3FB8];
	_ =	sdelay $0x3  }
0x37: {  	[smem:$0x3FB8] =	sst s10  }
0x38: {  	s10 =	sld [smem:$0x3FB9]  }
0x39: {  	_ = 	snop;
	(pc) =	sbr.ind lr, $3  }
0x3a: {  	_ = 	snop  }
0x3b: {  	_ = 	snop  }
0x3c: {  	p2 =	seq.s32 s10, $0x1;
	s10 =	sld [smem:$0x3FB8]  }
0x3d: {  	_ =	shalt  }
0x3e: {  	_ =	shalt  }
0x3f: {  	_ =	shalt  }
0x40: {  	_ =	shalt  }
0x41: {  	_ =	shalt  }
0x42: {  	_ =	shalt  }
0x43: {  	_ =	shalt  }
0x44: {  	_ =	shalt  }
0x45: {  	_ =	shalt  }
0x46: {  	_ =	shalt  }
0x47: {  	_ =	shalt  }
0x48: {  	_ =	shalt  }
0x49: {  	_ =	shalt  }
0x4a: {  	_ =	shalt  }
0x4b: {  	_ =	shalt  }
0x4c: {  	_ =	shalt  }
0x4d: {  	_ =	shalt  }
0x4e: {  	_ =	shalt  }
0x4f: {  	_ =	shalt  }
0x50: {  	_ =	shalt  }
0x51: {  	_ =	shalt  }
0x52: {  	_ =	shalt  }
0x53: {  	_ =	shalt  }
0x54: {  	_ =	shalt  }
0x55: {  	_ =	shalt  }
0x56: {  	_ =	shalt  }
0x57: {  	_ =	shalt  }
0x58: {  	_ =	shalt  }
0x59: {  	_ =	shalt  }
0x5a: {  	_ =	shalt  }
0x5b: {  	_ =	shalt  }
0x5c: {  	_ =	shalt  }
0x5d: {  	_ =	shalt  }
0x5e: {  	_ =	shalt  }
0x5f: {  	_ =	shalt  }
0x60: {  	_ =	shalt  }
0x61: {  	_ =	shalt  }
0x62: {  	_ =	shalt  }
0x63: {  	_ =	shalt  }
0x64: {  	_ =	shalt  }
0x65: {  	_ =	shalt  }
0x66: {  	_ =	shalt  }
0x67: {  	_ =	shalt  }
0x68: {  	_ =	shalt  }
0x69: {  	_ =	shalt  }
0x6a: {  	_ =	shalt  }
0x6b: {  	_ =	shalt  }
0x6c: {  	_ =	shalt  }
0x6d: {  	_ =	shalt  }
0x6e: {  	_ =	shalt  }
0x6f: {  	_ =	shalt  }
0x70: {  	_ =	shalt  }
0x71: {  	_ =	shalt  }
0x72: {  	_ =	shalt  }
0x73: {  	_ =	shalt  }
0x74: {  	_ =	shalt  }
0x75: {  	_ =	shalt  }
0x76: {  	_ =	shalt  }
0x77: {  	_ =	shalt  }
0x78: {  	_ =	shalt  }
0x79: {  	_ =	shalt  }
0x7a: {  	_ =	shalt  }
0x7b: {  	_ =	shalt  }
0x7c: {  	_ =	shalt  }
0x7d: {  	_ =	shalt  }
0x7e: {  	_ =	shalt  }
0x7f: {  	_ =	shalt  }
0x80: {  	_ =	shalt  }
0x81: {  	_ =	shalt  }
0x82: {  	_ =	shalt  }
0x83: {  	_ =	shalt  }
0x84: {  	_ =	shalt  }
0x85: {  	_ =	shalt  }
0x86: {  	_ =	shalt  }
0x87: {  	_ =	shalt  }
.Lfunc_end0:
.L_simem_size_0:
called_computation_lowered:
.L_overlay_start_0:
0x88: {  	s2 =	sld [smem:$0x3FD9]  }
0x89: {  	s3 =	sld [smem:$0x3FFE];
	_ =	sdelay $0x1  }
0x8a: {  	s1 =	srdreg.scid  }
0x8b: {  	s0 =	sand.u32 $0x1, s1  }
0x8c: {  	s14 =	sshll.u32 s0, $0xA;
	s2 =	sadd.s32 s3, s2  }
0x8d: {  	s2 =	sadd.s32 s2, s14  }
0x8e: {  	[smem:$0x3FC4] =	sst s2  }
0x8f: {  	_ = 	snop  }
0x90: {  	s2 =	sld [smem:$0x3FD0];
	_ =	sdelay $0x2  }
0x91: {  	s15 =	simm.s32 $0xA;
	s4 =	simm.s32 $0x10  }
0x92: {  	[smem:s4], [sflag:s15] =	dma.local [hbm:s2], $0x1  }
0x93: {  	_ =	swait.eq [sflag:s15], $0x1  }
0x94: {  	[sflag:s15] =	ssyncset.done $0x0  }
0x95: {  	s16 =	sld [smem:$0x10];
	[sflag:s15] =	ssyncadd.s32 $0xFFFFFFFF  }
0x96: {  	s17 =	sld [smem:$0x11];
	(tm) =	ssettm $0x1  }
0x97: {  	s18 =	sld [smem:$0x3FFB];
	_ =	sdelay $0x3  }
0x98: {  	_ =	strace s18  }
0x99: {  	s4 =	sld [smem:$0x3FFC];
	_ =	sdelay $0x3  }
0x9a: {  	_ =	strace s4  }
0x9b: {  	s4 =	sld [smem:$0x3FFD];
	_ =	sdelay $0x3  }
0x9c: {  	_ =	strace s4  }
0x9d: {  	_ =	strace $0x8FFFFFFF  }
0x9e: {  	s19 =	sld [smem:$0x3FDB];
	_ =	sdelay $0x1  }
0x9f: {  	s5 =	simm.s32 $_scs_section_size  }
0xa0: {  	s6 =	simm.s32 $_size__tile_overlayer_lowered;
	s7 =	simm.s32 $_tile_overlayer_lowered  }
0xa1: {  	s22 =	simm.s32 $0x1BFF;
	s21 =	sshll.u32 s7, $0x1;
	s4 =	sadd.s32 s5, s19  }
0xa2: {  	s8 =	simm.s32 $0x0;
	s20 =	sshll.u32 s6, $0x1;
	s6 =	sadd.s32 s21, s4  }
0xa3: {  	[timem:s8], [sflag:s22] =	dma.local [hbm:s6], s20  }
0xa4: {  	_ =	swait.ge [sflag:s22], s20  }
0xa5: {  	s5 =	ssub.s32 $0x0, s20;
	[sflag:s22] =	ssyncset.done $0x0  }
0xa6: {  	[sflag:s22] =	ssyncadd.s32 s5;
	_ =	sdelay $0x1  }
0xa7: {  	s23 =	simm.s32 $0x1B8B  }
0xa8: {  	_ =	swait.ge [sflag:s23], $0x1  }
0xa9: {  	[sflag:s23] =	ssyncset.done $0x0  }
0xaa: {  	s25 =	simm.s32 $0x1B8E;
	s24 =	sld [smem:$0x3FFE];
	[sflag:s23] =	ssyncadd.s32 $0xFFFFFFFF  }
0xab: {  	s26 =	simm.s32 $execute0_lowered;
	[smem:$0x3FD2] =	sst s25  }
0xac: {  	s6 =	sshll.u32 s26, $0x1;
	_ =	strace $0x80000046;
	[dreg:$0x1] =	wrdreg $0xFFFFFFFF  }
0xad: {  	s28 =	simm.s32 $_size_execute0_lowered;
	s4 =	sadd.s32 s4, s6;
	[dreg:$0x0] =	wrdreg $0x0  }
0xae: {  	s6 =	sshll.u32 s28, $0x1;
	[dreg:$0x2] =	wrdreg s4  }
0xaf: {  	[dreg:$0x3] =	wrdreg s6  }
0xb0: {  	[dreg:$0x4] =	wrdreg $0xC0  }
0xb1: {  	_ =	task [dreg:s8], $0x5FFFF  }
0xb2: {  	[dreg:$0x1] =	wrdreg $0xFFFFFFFF  }
0xb3: {  	[dreg:$0x0] =	wrdreg $0x60  }
0xb4: {  	[dreg:$0x2] =	wrdreg s24  }
0xb5: {  	[dreg:$0x3] =	wrdreg s17  }
0xb6: {  	[dreg:$0x4] =	wrdreg s16  }
0xb7: {  	[dreg:$0x5] =	wrdreg $0xB3000  }
0xb8: {  	[dreg:$0x6] =	wrdreg $0xC3000  }
0xb9: {  	[dreg:$0x7] =	wrdreg $0xC4800  }
0xba: {  	[dreg:$0x8] =	wrdreg $0x9  }
0xbb: {  	_ =	task.clear_ibuf [dreg:s8], $0x9FFFF;
	_ =	strace $0x90000046  }
0xbc: {  	s29 =	simm.s32 $0x9;
	_ =	strace $0x80000048  }
0xbd: {  	_ =	swait.ge [sflag:s29], $0x1  }
0xbe: {  	[sflag:s29] =	ssyncadd.s32 $0xFFFFFFFF  }
0xbf: {  	_ =	strace $0x90000048  }
0xc0: {  	_ =	sfence  }
0xc1: {  	s30 =	sld [smem:$0x0];
	_ =	sdelay $0x2  }
0xc2: {  	s31 =	sshll.u32 s1, $0xD;
	s1 =	sshrl.u32 s1, $0x2  }
0xc3: {  	s3 =	sand.u32 $0x4000, s31;
	s1 =	sadd.s32 s1, s30  }
0xc4: {  	s0 =	sor.u32 s3, s0;
	s1 =	sshll.u32 s1, $0x11  }
0xc5: {  	s0 =	sor.u32 s1, s0  }
0xc6: {  	s0 =	sadd.s32 $0x8F2B, s0  }
0xc7: {  	[sflag:s0] =	ssyncadd.remote.s32 $0x1  }
0xc8: {  	_ =	sfence.sel $0xFFFF  }
0xc9: {  	[dreg:$0x0] =	wrdreg $0xFFFFFFFF;
	(pc) =	sbr.abs _section_cstart, $3  }
0xca: {  	[dreg:$0x1] =	wrdreg $0xFFFFFFFF  }
0xcb: {  	_ =	task.clear_ibuf [dreg:s8], $0x2FFFF;
	_ =	strace $0x9FFFFFFF  }
0xcc: {  	(tm) =	ssettm $0x7FFFFFFF  }
0xcd: {  	_ =	shalt  }
tec
execute0_lowered:
.L_overlay_start_1:
0x0: {  	(tag) =	ssettag $0x1  }
0x1: {  	s0 =	rddreg [dreg:$0x0]  }
0x2: {  	s2 =	rddreg [dreg:$0x1]  }
0x3: {  	s3 =	rddreg [dreg:$0x2]  }
0x4: {  	s5 =	rddreg [dreg:$0x3]  }
0x5: {  	s1 =	srdreg.scid;
	s6 =	rddreg [dreg:$0x4]  }
0x6: {  	s13 =	stileid.u32;
	s7 =	rddreg [dreg:$0x5];
	s10 =	simm.s32 $0x0  }
0x7: {  	s29 =	simm.s32 $0x400;
	s17 =	simm.s32 $0x9D00;
	s1 =	sand.u32 $0x1, s1  }
0x8: {  	s8 =	sshll.u32 s13, $0x7;
	[smem:$0x7FF] =	sst s10;
	s15 =	sshll.u32 s13, $0xC  }
0x9: {  	s16 =	sand.u32 $0x1, s13;
	s25 =	sshll.u32 s13, $0x6;
	s4 =	sshll.u32 s1, $0x4  }
0xa: {  	s9 =	sand.u32 $0x380, s8;
	s12 =	ssub.s32 $0x2, s1;
	_ =	strace $0x80000047  }
0xb: {  	s10 =	sor.u32 s15, s8;
	s19 =	smul.u32 $0x8CA0, s16;
	s21 =	sand.u32 $0x300, s8  }
0xc: {  	s1 =	smul.u32 $0xC00, s1;
	s4 =	sor.u32 s13, s4;
	s11 =	sshrl.u32 s12, $0x1  }
0xd: {  	s10 =	sand.u32 $0x8380, s10;
	s4 =	sshrl.u32 s4, $0x3;
	s14 =	ssub.s32 s12, s11  }
0xe: {  	s12 =	sshrl.u32 s13, $0x3;
	s10 =	sxor.u32 $0x80, s10;
	s1 =	sor.u32 s25, s1  }
0xf: {  	[dreg:$0xa] =	wrdreg s19;
	s31 =	sadd.s32 $0x8C80, s19;
	s4 =	smul.u32 $0x46800, s4  }
0x10: {  	s18 =	sshll.u32 s12, $0xF;
	s12 =	smul.u32 $0xC00, s12;
	s23 =	sadd.s32 s10, s5  }
0x11: {  	s28 =	sshrl.u32 s1, $0x3;
	s30 =	smax.u32 s14, $0x1;
	[dreg:$0x12] =	wrdreg s31  }
0x12: {  	s1 =	sadd.s32 s2, s28;
	[dreg:$0x11] =	wrdreg s30;
	s4 =	sor.u32 s9, s4  }
0x13: {  	[dreg:$0x9] =	wrdreg s23;
	s20 =	sor.u32 s9, s12;
	s4 =	sshrl.u32 s4, $0x3  }
0x14: {  	[dreg:$0xf] =	wrdreg s1;
	s24 =	sadd.s32 s20, s6;
	s0 =	sadd.s32 s4, s0  }
0x15: {  	p0 =	sne.s32 s16, $0x0;
	[dreg:$0xb] =	wrdreg s24;
	s0 =	sadd.s32 $0x800, s0  }
0x16: {  	s24 =	simm.s32 $0x80;
	[dreg:$0x7] =	wrdreg s0;
	s0 =	sadd.s32 s18, s5  }
0x17: {  	s5 =	sor.u32 s12, s21;
	s22 =	sadd.s32 s9, s0;
	s0 =	sadd.s32 s20, s7  }
0x18: {  	s18 =	simm.s32 $0x8D00;
	s26 =	sor.u32 $0x80, s5;
	[dreg:$0xc] =	wrdreg s0  }
.Ltmp0:
0x19: {  	s0 =	sadd.s32 s26, s7;
	[dreg:$0x8] =	wrdreg s22;
	(pc) =	sbr.rel .LBB2_1-.Ltmp0, $4  }
0x1a: {  	s21 =	simm.s32 $0xAE80;
	[dreg:$0xe] =	wrdreg s0;
	s0 =	sadd.s32 s3, s28  }
0x1b: {  	s5 =	sadd.s32 s26, s6;
	[dreg:$0x10] =	wrdreg s0;
	s0 =	simm.s32 @!p0 $0x0  }
0x1c: {  	s20 =	simm.s32 $0xAD00;
	[dreg:$0xd] =	wrdreg s5;
	s0 =	simm.s32 @p0 $0x1  }
0x1d: {  	v0 =	vimm.s32 $0x0;
	v1 =	vimm.s32 $0x1;
	v2 =	vlaneseq.u32;
	s26 =	simm.s32 $0x1;
	s5 =	simm.s32 $0x0;
	[smem:$0x7FD] =	sst s0  }
.LBB2_42:
0x1e: {  	v26 =	vld [tilespmem:s2+$0x0]  }
0x1f: {  	vm11 =	vne.s32 v13, $0x0;
	(v2sf) =	vpush v22, $0xF  }
0x20: {  	vm12 =	vne.s32 v9, $0x0;
	v29 =	vsel vm11, $0x1, v0  }
0x21: {  	v30, _, _ =	vpop (xrf0);
	v31 =	vsel vm12, $0x1, v0;
	(xrf0) =	vadd.scan.msk.s32 $0xffff, v29  }
0x22: {  	v60, _, _ =	vpop (xrf0);
	(xrf0) =	vadd.scan.msk.s32 $0xffff, v31  }
0x23: {  	(v2sf) =	vpush v30, $0xF;
	vm10 =	vne.s32 v26, $0x0  }
0x24: {  	v61 =	vsel vm10, $0x1, v0  }
0x25: {  	s4 =	spop (v2sf);
	(v2sf) =	vpush v60, $0xF;
	(xrf0) =	vadd.scan.msk.s32 $0xffff, v61  }
0x26: {  	s3 =	sadd.s32 s3, s4;
	s25 =	spop (v2sf)  }
0x27: {  	v32 =	vsel vm8, $0xFFFFFFFF, v0;
	v18 =	vadd.s32 v23, v18;
	s4 =	sadd.s32 s3, s25;
	v62, _, _ =	vpop (xrf0)  }
0x28: {  	v63 =	vsel vm3, $0xFFFFFFFF, v0;
	v32 =	vadd.s32 v32, v20;
	s28 =	spop (v2sf);
	s5 =	sadd.s32 s0, s4;
	(v2sf) =	vpush v62, $0xF;
	v33, _, _ =	vpop (xrf0)  }
0x29: {  	vm9 =	vmmov vm9;
	v20 =	vld [tilespmem:s2+$0x10];
	s2 =	sadd.s32 s4, s28;
	s30 =	spop (v2sf);
	v32 =	vadd.s32 s5, v32;
	(v2sf) =	vpush v33, $0xF  }
0x2a: {  	v35 =	vsel vm2, $0xFFFFFFFF, v0;
	v23 =	vadd.s32 v63, v24;
	s3 =	sadd.s32 s0, s3;
	s4 =	sadd.s32 s2, s30;
	s2 =	sadd.s32 s0, s2;
	vm13 =	vlt.s32 v32, $0x180  }
0x2b: {  	v23 =	vadd.s32 s3, v23;
	s31 =	sadd.s32 s0, s4;
	v18 =	vadd.s32 s2, v18;
	vm8 =	vmand vm8, vm13;
	v36, _, _ =	vpop (xrf0)  }
0x2c: {  	[tilespmem:v19+s20+$0x0] =	vst.idx.msk vm7, v12;
	v12 =	vadd.s32 s31, v35;
	vm13 =	vlt.s32 v23, $0x180;
	(v2sf) =	vpush v36, $0xF  }
0x2d: {  	[tilespmem:v17+s20+$0x0] =	vst.idx.msk vm5, v10;
	vm14 =	vlt.s32 v18, $0x180;
	v37 =	vadd.s32 v27, v12;
	vm3 =	vmand vm3, vm13;
	s3 =	spop (v2sf)  }
0x2e: {  	v38 =	vld [tilespmem:s1+$0x0];
	[tilespmem:v17+s21+$0x0] =	vst.idx.msk vm5, v25;
	vm13 =	vmmov vm4;
	vm4 =	vmand vm6, vm14;
	vm5 =	vlt.s32 v37, $0x180;
	s2 =	sadd.s32 s4, s3;
	s5 =	spop (v2sf)  }
0x2f: {  	[tilespmem:v16+s20+$0x0] =	vst.idx.msk vm0, v14;
	v40 =	vsel vm13, $0xFFFFFFFF, v0;
	vm2 =	vmand vm2, vm5;
	vm5 =	vmmov vm1;
	s3 =	sadd.s32 s2, s5  }
0x30: {  	[tilespmem:v19+s21+$0x0] =	vst.idx.msk vm7, v28;
	vm7 =	vne.s32 v20, $0x0;
	v41 =	vadd.s32 v40, v30;
	v43 =	vsel vm5, $0xFFFFFFFF, v0;
	s7 =	sadd.s32 s0, s3  }
0x31: {  	v42 =	vld [tilespmem:s1+$0xFFFFFFF0];
	[tilespmem:v16+s21+$0x0] =	vst.idx.msk vm0, v21;
	v39 =	vsel vm7, $0x1, v0;
	v44 =	vadd.s32 v43, v22;
	s2 =	sadd.s32 s0, s2;
	v14 =	vadd.s32 s7, v41  }
0x32: {  	v45 =	vld [tilespmem:s1+$0x10];
	(xrf0) =	vadd.scan.msk.s32 $0xffff, v39;
	[tilespmem:v32+s20+$0x0] =	vst.idx.msk vm8, v7;
	s6 =	spop (v2sf);
	v7 =	vadd.s32 s2, v44;
	vm15 =	vlt.s32 v14, $0x180  }
0x33: {  	vm0 =	vmmov vm11;
	[tilespmem:v32+s21+$0x0] =	vst.idx.msk vm8, v38;
	s3 =	sadd.s32 s3, s6;
	vm6 =	vmand vm13, vm15;
	vm13 =	vlt.s32 v7, $0x180  }
0x34: {  	vm9 =	vmmov vm9;
	v49 =	vadd.s32 v15, v60;
	[tilespmem:v23+s20+$0x0] =	vst.idx.msk vm3, v5;
	s9 =	spop (v2sf);
	s12 =	sadd.s32 s0, s3;
	vm15 =	vmand vm5, vm13  }
0x35: {  	s10 =	sadd.s32 $0x40, s1;
	v46 =	vsel vm0, $0xFFFFFFFF, v0;
	vm1 =	vmmov vm12;
	[tilespmem:v18+s20+$0x0] =	vst.idx.msk vm4, v4;
	s4 =	sadd.s32 s3, s9;
	v52 =	vadd.s32 s12, v49  }
0x36: {  	v47 =	vld [tilespmem:s10+$0xFFFFFFE0];
	vm12 =	vmmov vm10;
	vm1 =	vmmov vm1;
	[tilespmem:v23+s21+$0x0] =	vst.idx.msk vm3, v42;
	s11 =	sadd.s32 s0, s4;
	vm10 =	vlt.s32 v52, $0x180  }
0x37: {  	v50 =	vld [tilespmem:s10+$0x0];
	vm8 =	vmmov vm12;
	[tilespmem:v18+s21+$0x0] =	vst.idx.msk vm4, v45;
	v48 =	vadd.s32 s11, v46;
	vm4 =	vmand vm9, vm10;
	s13 =	spop (v2sf)  }
0x38: {  	v55 =	vsel vm1, $0xFFFFFFFF, v0;
	v53 =	vsel vm8, $0xFFFFFFFF, v0;
	[tilespmem:v37+s20+$0x0] =	vst.idx.msk vm2, v11;
	v51, _, _ =	vpop (xrf0);
	v5 =	vadd.s32 v62, v48;
	s14 =	sadd.s32 s4, s13;
	s15 =	spop (v2sf)  }
0x39: {  	v54 =	vld [tilespmem:s10+$0xFFFFFFF0];
	vm14 =	vlt.s32 v5, $0x180;
	(v2sf) =	vpush v51, $0xF;
	s3 =	sadd.s32 s14, s15;
	[tilespmem:v14+s20+$0x0] =	vst.idx.msk vm6, v8;
	s2 =	sadd.s32 s0, s14;
	v8 =	vadd.s32 v55, v33  }
0x3a: {  	v56 =	vld [tilespmem:s10+$0x10];
	v11 =	vadd.s32 v53, v36;
	vm0 =	vmand vm0, vm14;
	s16 =	sadd.s32 s0, s3;
	[tilespmem:v7+s20+$0x0] =	vst.idx.msk vm15, v3;
	v3 =	vadd.s32 s2, v8  }
0x3b: {  	s1 =	sadd.s32 $0x40, s10;
	[tilespmem:v37+s21+$0x0] =	vst.idx.msk vm2, v47;
	v11 =	vadd.s32 s16, v11;
	vm12 =	vlt.s32 v3, $0x180;
	s19 =	spop (v2sf)  }
0x3c: {  	v58 =	vld [tilespmem:s1+$0xFFFFFFE0];
	v57 =	vsel vm7, $0xFFFFFFFF, v0;
	[tilespmem:v14+s21+$0x0] =	vst.idx.msk vm6, v50;
	vm11 =	vlt.s32 v11, $0x180;
	vm1 =	vmand vm1, vm12;
	s25 =	sadd.s32 s3, s19  }
0x3d: {  	v59 =	vadd.s32 v57, v51;
	[tilespmem:v52+s20+$0x0] =	vst.idx.msk vm4, v6;
	vm2 =	vmand vm8, vm11;
	s28 =	sadd.s32 s0, s25  }
0x3e: {  	vm13 =	vmmov vm7;
	[tilespmem:v7+s21+$0x0] =	vst.idx.msk vm15, v54;
	v60 =	vadd.s32 s28, v59  }
0x3f: {  	v62 =	vld [tilespmem:s1+$0xFFFFFFF0];
	vm14 =	vmmov vm13;
	[tilespmem:v52+s21+$0x0] =	vst.idx.msk vm4, v56;
	vm15 =	vlt.s32 v60, $0x180  }
0x40: {  	v61 =	vld [tilespmem:s1+$0x0];
	[tilespmem:v5+s20+$0x0] =	vst.idx.msk vm0, v13;
	vm3 =	vmand vm14, vm15  }
0x41: {  	[tilespmem:v5+s21+$0x0] =	vst.idx.msk vm0, v58  }
0x42: {  	v63 =	vld [tilespmem:s1+$0x10];
	[tilespmem:v3+s20+$0x0] =	vst.idx.msk vm1, v9  }
0x43: {  	[tilespmem:v11+s20+$0x0] =	vst.idx.msk vm2, v26  }
0x44: {  	[tilespmem:v3+s21+$0x0] =	vst.idx.msk vm1, v62  }
0x45: {  	[tilespmem:v11+s21+$0x0] =	vst.idx.msk vm2, v61  }
0x46: {  	[tilespmem:v60+s20+$0x0] =	vst.idx.msk vm3, v20  }
0x47: {  	[tilespmem:v60+s21+$0x0] =	vst.idx.msk vm3, v63  }
0x48: {  	s30 =	spop (v2sf);
	s0 =	rddreg [dreg:$0xf]  }
0x49: {  	[hbm4b:s0+s24] =	stream.strided.scatter [tilespmem:s20], [sflag:$0x1], $0x180, s29, s24, $0x38;
	[tilespmem:$0xC600] =	vst v63  }
0x4a: {  	_ =	swait.ge [sflag:s26], $0x180  }
0x4b: {  	[sflag:s26] =	ssyncset.done $0x0  }
0x4c: {  	s31 =	rddreg [dreg:$0x10];
	[sflag:s26] =	ssyncadd.s32 $0xFFFFFE80  }
0x4d: {  	[hbm4b:s31+s24] =	stream.strided.scatter [tilespmem:s21], [sflag:$0x1], $0x180, s29, s24, $0x38;
	[tilespmem:$0xC600] =	vst v63  }
0x4e: {  	_ =	swait.ge [sflag:s26], $0x180  }
0x4f: {  	[sflag:s26] =	ssyncset.done $0x0  }
0x50: {  	s5 =	smov.u32 s8;
	[sflag:s26] =	ssyncadd.s32 $0xFFFFFE80  }
.LBB2_43:
0x51: {  	s5 =	sadd.s32 $0x1, s5;
	s0 =	rddreg [dreg:$0x11]  }
0x52: {  	p0 =	sne.s32 s5, s0  }
.Ltmp1:
0x53: {  	_ = 	snop;
	(pc) =	sbr.rel @!p0 .LBB2_44-.Ltmp1, $1  }
0x54: {  	_ =	sdelay $0x3  }
.LBB2_1:
0x55: {  	s0 =	simm.s32 $0x0;
	s1 =	rddreg [dreg:$0x7]  }
0x56: {  	[tilespmem:s0], [sflag:$0x1] =	stream.strided.gather [hbm4b:s1+s24], $0x8D00, s29, s24, $0x38;
	[tilespmem:$0xC600] =	vst v63  }
0x57: {  	_ =	swait.ge [sflag:s26], $0x8D00  }
0x58: {  	[sflag:s26] =	ssyncset.done $0x0  }
0x59: {  	s0 =	simm.s32 $0x8D40;
	[sflag:s26] =	ssyncadd.s32 $0xFFFF7300  }
0x5a: {  	[tilespmem:s0+$0xFFFFFFC0] =	vst v0  }
0x5b: {  	[tilespmem:s0+$0x30] =	vst v0  }
0x5c: {  	[tilespmem:s0+$0x20] =	vst v0  }
0x5d: {  	[tilespmem:s0+$0x10] =	vst v0  }
0x5e: {  	[tilespmem:s0+$0x0] =	vst v0  }
0x5f: {  	[tilespmem:s0+$0xFFFFFFF0] =	vst v0  }
0x60: {  	s2 =	simm.s32 $0x0;
	[tilespmem:s0+$0xFFFFFFE0] =	vst v0  }
.LBB2_2:
0x61: {  	s2 =	sadd.s32 $0x8, s2;
	[tilespmem:s0+$0xFFFFFFD0] =	vst v0;
	s0 =	sadd.s32 $0x80, s0;
	s1 =	simm.s32 $0x40  }
0x62: {  	[tilespmem:s0+$0xFFFFFFC0] =	vst v0;
	p0 =	slt.u32 s2, $0xF8  }
0x63: {  	[tilespmem:s0+$0x30] =	vst v0  }
.Ltmp2:
0x64: {  	[tilespmem:s0+$0x20] =	vst v0;
	(pc) =	sbr.rel @p0 .LBB2_2-.Ltmp2, $4  }
0x65: {  	[tilespmem:s0+$0x10] =	vst v0  }
0x66: {  	[tilespmem:s0+$0x0] =	vst v0  }
0x67: {  	[tilespmem:s0+$0xFFFFFFF0] =	vst v0  }
0x68: {  	[tilespmem:s0+$0xFFFFFFE0] =	vst v0  }
0x69: {  	[tilespmem:s0+$0xFFFFFFD0] =	vst v0  }
0x6a: {  	v3 =	vld [tilespmem:s1+$0x30]  }
0x6b: {  	v4 =	vld [tilespmem:s1+$0xFFFFFFD0]  }
0x6c: {  	v5 =	vld [tilespmem:s1+$0xFFFFFFE0]  }
0x6d: {  	v6 =	vld [tilespmem:s1+$0xFFFFFFF0]  }
0x6e: {  	v7 =	vld [tilespmem:s1+$0x0]  }
0x6f: {  	v8 =	vld [tilespmem:s1+$0x10];
	v3 =	vshrl.u32 v3, $0x14  }
0x70: {  	v4 =	vshrl.u32 v4, $0x14  }
0x71: {  	v5 =	vshrl.u32 v5, $0x14  }
0x72: {  	v9 =	vld [tilespmem:s1+$0x20];
	v6 =	vshrl.u32 v6, $0x14  }
0x73: {  	v10 =	vld [tilespmem:s1+$0xFFFFFFC0];
	v7 =	vshrl.u32 v7, $0x14  }
0x74: {  	v8 =	vshrl.u32 v8, $0x14;
	[tilespmem:v3+s18+$0x0] =	vst.idx.add.s32.msk $0xffff, v1  }
0x75: {  	[tilespmem:v4+s18+$0x0] =	vst.idx.add.s32.msk $0xffff, v1  }
0x76: {  	[tilespmem:v5+s18+$0x0] =	vst.idx.add.s32.msk $0xffff, v1  }
0x77: {  	[tilespmem:v6+s18+$0x0] =	vst.idx.add.s32.msk $0xffff, v1  }
0x78: {  	[tilespmem:v7+s18+$0x0] =	vst.idx.add.s32.msk $0xffff, v1  }
0x79: {  	s0 =	simm.s32 $0x0;
	s1 =	simm.s32 $0xC0;
	v3 =	vshrl.u32 v9, $0x14;
	v4 =	vshrl.u32 v10, $0x14;
	[tilespmem:v8+s18+$0x0] =	vst.idx.add.s32.msk $0xffff, v1  }
.LBB2_4:
0x7a: {  	v5 =	vld [tilespmem:s1+$0x30];
	s0 =	sadd.s32 $0x8, s0  }
0x7b: {  	v6 =	vld [tilespmem:s1+$0xFFFFFFD0];
	p0 =	slt.u32 s0, $0x8C0  }
0x7c: {  	v7 =	vld [tilespmem:s1+$0xFFFFFFE0]  }
0x7d: {  	v8 =	vld [tilespmem:s1+$0xFFFFFFF0]  }
0x7e: {  	v9 =	vld [tilespmem:s1+$0x0]  }
0x7f: {  	v10 =	vld [tilespmem:s1+$0x10];
	v5 =	vshrl.u32 v5, $0x14  }
0x80: {  	v6 =	vshrl.u32 v6, $0x14;
	v11 =	vld [tilespmem:s1+$0x20]  }
0x81: {  	v12 =	vld [tilespmem:s1+$0xFFFFFFC0];
	v7 =	vshrl.u32 v7, $0x14  }
0x82: {  	v8 =	vshrl.u32 v8, $0x14;
	[tilespmem:v4+s18+$0x0] =	vst.idx.add.s32.msk $0xffff, v1  }
0x83: {  	v9 =	vshrl.u32 v9, $0x14;
	[tilespmem:v3+s18+$0x0] =	vst.idx.add.s32.msk $0xffff, v1  }
0x84: {  	s2 =	simm.s32 $0x0;
	v10 =	vshrl.u32 v10, $0x14;
	[tilespmem:v5+s18+$0x0] =	vst.idx.add.s32.msk $0xffff, v1  }
.Ltmp3:
0x85: {  	[tilespmem:v6+s18+$0x0] =	vst.idx.add.s32.msk $0xffff, v1;
	v3 =	vshrl.u32 v11, $0x14;
	(pc) =	sbr.rel @p0 .LBB2_4-.Ltmp3, $4  }
0x86: {  	v4 =	vshrl.u32 v12, $0x14;
	[tilespmem:v7+s18+$0x0] =	vst.idx.add.s32.msk $0xffff, v1  }
0x87: {  	[tilespmem:v8+s18+$0x0] =	vst.idx.add.s32.msk $0xffff, v1  }
0x88: {  	[tilespmem:v9+s18+$0x0] =	vst.idx.add.s32.msk $0xffff, v1  }
0x89: {  	s1 =	sadd.s32 $0x80, s1;
	[tilespmem:v10+s18+$0x0] =	vst.idx.add.s32.msk $0xffff, v1  }
0x8a: {  	_ =	sdelay $0x3  }
0x8b: {  	[tilespmem:v4+s18+$0x0] =	vst.idx.add.s32.msk $0xffff, v1  }
0x8c: {  	[tilespmem:v3+s18+$0x0] =	vst.idx.add.s32.msk $0xffff, v1  }
.LBB2_6:
0x8d: {  	s0 =	sshra.s32 s2, $0x2  }
0x8e: {  	v3 =	vld [tilespmem:s0+$0x8C80];
	_ =	sdelay $0x4  }
0x8f: {  	p0 =	sne.s32 s2, $0x40;
	v3 =	vshrl.u32 v3, $0x14  }
.Ltmp4:
0x90: {  	_ = 	snop;
	(pc) =	sbr.rel @p0 .LBB2_6-.Ltmp4, $2  }
0x91: {  	_ =	sdelay $0x2  }
0x92: {  	s2 =	sadd.s32 $0x40, s2;
	[tilespmem:v3+s18+$0x0] =	vst.idx.add.s32.msk $0xffff, v1  }
0x93: {  	[spmem:s22] =	stream.strided.scatter [tilespmem:s18], [sflag:$0x1], $0x1000, s29, s24, $0x38;
	[tilespmem:$0xC600] =	vst v63  }
0x94: {  	_ =	swait.ge [sflag:s26], $0x1000  }
0x95: {  	[sflag:s26] =	ssyncset.done $0x0  }
0x96: {  	[sflag:s26] =	ssyncadd.s32 $0xFFFFF000  }
0x97: {  	[bflag:$0x0] =	sbarrier.arrive $0xFFFF  }
0x98: {  	[tilespmem:s17], [sflag:$0x1] =	stream.strided.gather [spmem:s23], $0x1000, s29, s24, $0x38;
	[tilespmem:$0xC600] =	vst v63  }
0x99: {  	_ =	swait.ge [sflag:s26], $0x1000  }
0x9a: {  	[sflag:s26] =	ssyncset.done $0x0  }
0x9b: {  	s0 =	simm.s32 $0x9CF0;
	[sflag:s26] =	ssyncadd.s32 $0xFFFFF000  }
0x9c: {  	s1 =	simm.s32 $0xACF0;
	v3 =	vld [tilespmem:s0+$0x0]  }
0x9d: {  	v4 =	vld [tilespmem:s1+$0x0]  }
0x9e: {  	p0 =	por $0x0, $0x0  }
.Ltmp5:
0x9f: {  	_ = 	snop;
	(pc) =	sbr.rel @p0 .LBB2_8-.Ltmp5, $3  }
0xa0: {  	_ =	sdelay $0x1  }
0xa1: {  	s25 =	simm.s32 $0x0;
	v7 =	vadd.s32 v3, v4  }
0xa2: {  	s9 =	simm.s32 $0x80000FEF;
	p2 =	por $0x0, $0x0;
	[dreg:$0x13] =	wrdreg s5;
	(xrf0) =	vadd.scan.msk.s32 $0xffff, v7  }
0xa3: {  	s0 =	simm.s32 $0x9CE0  }
0xa4: {  	s31 =	simm.s32 $0xACE0;
	v3 =	vld [tilespmem:s0+$0x0]  }
0xa5: {  	v4 =	vld [tilespmem:s31+$0x0]  }
0xa6: {  	p0 =	por $0x0, $0x0  }
.Ltmp6:
0xa7: {  	_ = 	snop;
	(pc) =	sbr.rel @p0 .LBB2_10-.Ltmp6, $4  }
0xa8: {  	p1 =	por $0x1, $0x1  }
0xa9: {  	s0 =	simm.s32 @!p1 $0x0  }
0xaa: {  	s0 =	simm.s32 @p1 $0x1;
	v5, _, _ =	vpop (xrf0);
	v4 =	vadd.s32 v3, v4  }
0xab: {  	[smem:$0x7FB] =	sst s0;
	(v2sf) =	vpush v5, $0xF;
	(xrf0) =	vadd.scan.msk.s32 $0xffff, v4  }
0xac: {  	_ =	sdelay $0xd  }
0xad: {  	s0 =	spop (v2sf)  }
0xae: {  	s1 =	simm.s32 $0x9CD0;
	p0 =	por $0x0, $0x0;
	s11 =	sadd.s32 $0x0, s0  }
0xaf: {  	s31 =	simm.s32 $0xACD0;
	v3 =	vld [tilespmem:s1+$0x0];
	p1 =	slt.s32 @!p0 s11, $0x12C  }
0xb0: {  	v6 =	vld [tilespmem:s31+$0x0];
	s0 =	simm.s32 $0x0;
	p3 =	por p1, p0;
	p1 =	por !p1, p0  }
0xb1: {  	v5 =	vlaneseq.u32 @!p3;
	s0 =	simm.s32 @p1 $0x1  }
0xb2: {  	p2 =	por $0x0, $0x0;
	v8 =	vmul.u32 @!p3 $0xFFFFFFFF, v5;
	s0 =	smov.u32 @p0 s25;
	p0 =	por p0, p0  }
.Ltmp7:
0xb3: {  	s1 =	simm.s32 @!p0 $0x0;
	(pc) =	sbr.rel @p2 .LBB2_12-.Ltmp7, $4  }
0xb4: {  	v8 =	vadd.s32 @!p3 $0xF, v8;
	s1 =	simm.s32 @p0 $0x1;
	p0 =	por $0x1, $0x1  }
0xb5: {  	v9 =	vadd.s32 v3, v6;
	v6 =	vperm.xlane @!p3 v7, v8;
	[smem:$0x7F8] =	sst s1;
	s1 =	simm.s32 @!p0 $0x0  }
0xb6: {  	v3, _, _ =	vpop (xrf0);
	(xrf0) =	vadd.scan.msk.s32 $0xffff, v9;
	p4 =	por p3, p3;
	s1 =	simm.s32 @p0 $0x1  }
0xb7: {  	(v2sf) =	vpush v3, $0xF;
	p5 =	por p1, p1;
	p6 =	por p4, p4;
	(xrf0) =	vadd.scan.msk.s32 @!p4 $0xffff, v6;
	[smem:$0x7FA] =	sst s1  }
0xb8: {  	_ =	sdelay $0xd  }
0xb9: {  	v10, _, _ =	vpop (xrf0);
	s3 =	spop (v2sf)  }
0xba: {  	p0 =	sne.s32 s0, $0x0;
	v7, _, _ =	vpop @!p3 (xrf0);
	s2 =	sadd.s32 s11, s3  }
0xbb: {  	v3 =	vadd.s32 @!p6 s25, v7;
	p1 =	slt.s32 @!p0 s2, $0x12C  }
0xbc: {  	s4 =	smov.u32 s0;
	vm0 =	vgt.s32 @!p6 v3, $0x12B;
	p2 =	por p1, p0;
	p1 =	por !p1, p0  }
0xbd: {  	s1 =	simm.s32 $0x9CC0;
	p4 =	por p6, p6;
	v3 =	vmctz.xlane @!p6 vm0;
	s4 =	simm.s32 @p1 $0x1  }
0xbe: {  	s30 =	simm.s32 $0xACC0;
	v11 =	vld [tilespmem:s1+$0x0];
	s4 =	smov.u32 @p0 s0;
	s0 =	simm.s32 @!p4 $0x0  }
0xbf: {  	s31 =	sld [smem:$0x7F8];
	v12 =	vld [tilespmem:s30+$0x0];
	v8 =	vxor.u32 @!p6 $0x80000000, v3;
	s0 =	simm.s32 @p4 $0x1;
	p4 =	por p5, p5  }
0xc0: {  	(xrf0) =	vmax.scan.msk.u32 @!p6 $0xffff, v8;
	v3 =	vlaneseq.u32 @!p2;
	p5 =	por p3, p3;
	[smem:$0x7F3] =	sst s0;
	s0 =	simm.s32 @!p4 $0x0  }
0xc1: {  	v13 =	vmul.u32 @!p2 $0xFFFFFFFF, v3;
	p3 =	por p0, p0;
	p0 =	por $0x0, $0x0;
	s0 =	simm.s32 @p4 $0x1  }
.Ltmp8:
0xc2: {  	[smem:$0x7F4] =	sst s0;
	s0 =	simm.s32 @!p5 $0x0;
	(pc) =	sbr.rel @p0 .LBB2_14-.Ltmp8, $4  }
0xc3: {  	v8 =	vsub.s32 @!p6 v7, v6;
	p1 =	por p1, p1;
	v6 =	vadd.s32 @!p2 $0xF, v13;
	s0 =	simm.s32 @p5 $0x1  }
0xc4: {  	v7 =	vadd.s32 v11, v12;
	v6 =	vperm.xlane @!p2 v4, v6;
	[smem:$0x7F5] =	sst s0;
	s0 =	simm.s32 @!p1 $0x0  }
0xc5: {  	p6 =	seq.s32 s31, $0x1;
	(xrf0) =	vadd.scan.msk.s32 $0xffff, v7;
	p4 =	por p2, p2;
	s0 =	simm.s32 @p1 $0x1  }
0xc6: {  	s14 =	simm.s32 $0x80000FBF;
	p6 =	por p6, p6;
	(v2sf) =	vpush v10, $0xF;
	v18, _, _ =	vpop @!p5 (xrf0);
	(xrf0) =	vadd.scan.msk.s32 @!p4 $0xffff, v6;
	[smem:$0x7F6] =	sst s0  }
0xc7: {  	_ =	sdelay $0xc  }
0xc8: {  	p1 =	sne.s32 s4, $0x0  }
0xc9: {  	s0 =	smov.u32 s4;
	p6 =	por p6, p6;
	s1 =	spop (v2sf)  }
0xca: {  	p3 =	por p3, p3;
	s19 =	sld [smem:$0x7F3];
	s8 =	sadd.s32 s2, s1  }
0xcb: {  	s28 =	sld [smem:$0x7F6];
	s1 =	simm.s32 @!p6 $0x0;
	p0 =	slt.s32 @!p1 s8, $0x12C  }
0xcc: {  	v10, _, _ =	vpop (xrf0);
	s1 =	simm.s32 @p6 $0x1;
	p5 =	por p0, p1;
	p0 =	por !p0, p1  }
0xcd: {  	v4, _, _ =	vpop @!p2 (xrf0);
	[smem:$0x7EA] =	sst s1;
	s1 =	simm.s32 @!p3 $0x0;
	s0 =	simm.s32 @p0 $0x1  }
0xce: {  	v11 =	vadd.s32 @!p4 s11, v4;
	s1 =	simm.s32 @p3 $0x1;
	s0 =	smov.u32 @p1 s4;
	p1 =	por p1, p1  }
0xcf: {  	vm0 =	vgt.s32 @!p4 v11, $0x12B;
	[smem:$0x7EB] =	sst s1;
	s1 =	simm.s32 @!p1 $0x0  }
0xd0: {  	s31 =	sld [smem:$0x7F4];
	v11 =	vmctz.xlane @!p4 vm0;
	s1 =	simm.s32 @p1 $0x1;
	p1 =	por p4, p4  }
0xd1: {  	[smem:$0x7F8] =	sst s1;
	s1 =	simm.s32 @!p1 $0x0  }
0xd2: {  	v14 =	vxor.u32 @!p4 $0x80000000, v11;
	p6 =	seq.s32 s28, $0x1;
	s1 =	simm.s32 @p1 $0x1;
	p1 =	seq.s32 s19, $0x1  }
0xd3: {  	v4 =	vsub.s32 @!p4 v4, v6;
	(xrf0) =	vmax.scan.msk.u32 @!p4 $0xffff, v14;
	p4 =	por p1, p1;
	(v2sf) =	vpush @!p1 v18, $0xF;
	p1 =	por p6, p6  }
0xd4: {  	[smem:$0x7EC] =	sst s1;
	p6 =	seq.s32 s31, $0x1;
	s1 =	simm.s32 @!p1 $0x0  }
0xd5: {  	s3 =	simm.s32 $0x9CB0;
	p6 =	por p6, p6;
	s1 =	simm.s32 @p1 $0x1  }
0xd6: {  	s17 =	simm.s32 $0xACB0;
	v12 =	vld [tilespmem:s3+$0x0];
	[smem:$0x7ED] =	sst s1;
	s1 =	simm.s32 @!p6 $0x0  }
0xd7: {  	v13 =	vld [tilespmem:s17+$0x0];
	s1 =	simm.s32 @p6 $0x1  }
0xd8: {  	v11 =	vlaneseq.u32 @!p5;
	[smem:$0x7EE] =	sst s1;
	s1 =	simm.s32 @!p2 $0x0  }
0xd9: {  	p0 =	por p0, p0;
	v14 =	vmul.u32 @!p5 $0xFFFFFFFF, v11;
	p1 =	por $0x0, $0x0;
	s1 =	simm.s32 @p2 $0x1  }
.Ltmp9:
0xda: {  	[smem:$0x7EF] =	sst s1;
	s1 =	simm.s32 @!p0 $0x0;
	(pc) =	sbr.rel @p1 .LBB2_16-.Ltmp9, $4  }
0xdb: {  	v6 =	vadd.s32 @!p5 $0xF, v14;
	s1 =	simm.s32 @p0 $0x1  }
0xdc: {  	v23 =	vadd.s32 v12, v13;
	v6 =	vperm.xlane @!p5 v9, v6;
	[smem:$0x7F6] =	sst s1;
	s1 =	simm.s32 @!p4 $0x0  }
0xdd: {  	(xrf0) =	vadd.scan.msk.s32 $0xffff, v23;
	p3 =	por p5, p5;
	s1 =	simm.s32 @p4 $0x1  }
0xde: {  	s30 =	simm.s32 $0x80000FAF;
	v12, _, _ =	vpop @!p2 (xrf0);
	(xrf0) =	vadd.scan.msk.s32 @!p3 $0xffff, v6;
	(v2sf) =	vpush v10, $0xF;
	p6 =	por p3, p3;
	[smem:$0x7F0] =	sst s1  }
0xdf: {  	_ =	sdelay $0x6  }
0xe0: {  	s26 =	sld [smem:$0x7F5]  }
0xe1: {  	s5 =	sld [smem:$0x7EA]  }
0xe2: {  	s6 =	sld [smem:$0x7EE]  }
0xe3: {  	s1 =	simm.s32 $0x80000FDF;
	s7 =	sld [smem:$0x7F8];
	p1 =	seq.s32 s26, $0x1;
	v13, _, _ =	vpop (xrf0)  }
0xe4: {  	s17 =	simm.s32 $0x80000FFF;
	s10 =	sld [smem:$0x7F6];
	s4 =	spop @!p1 (v2sf);
	v14, _, _ =	vpop @!p5 (xrf0)  }
0xe5: {  	s19 =	simm.s32 $0x80000FCF;
	[dreg:$0x18] =	wrdreg s1;
	s1 =	sxor.u32 @!p4 $0x80000000, s4;
	v9 =	vadd.s32 @!p6 s2, v14  }
0xe6: {  	p0 =	sne.s32 s0, $0x0;
	s13 =	smov.u32 s0;
	[dreg:$0x17] =	wrdreg s17;
	v10 =	vmov @!p4 s1;
	vm0 =	vgt.s32 @!p6 v9, $0x12B  }
0xe7: {  	s17 =	simm.s32 $0x0;
	p2 =	seq.s32 s5, $0x1;
	vm1 =	veq.s32 @!p4 v10, v5;
	v9 =	vmctz.xlane @!p6 vm0;
	s3 =	spop (v2sf)  }
0xe8: {  	p2 =	por p2, p2;
	v10 =	vnsel @!p4 vm1, $0x0, v8;
	s31 =	sadd.s32 s8, s3;
	s3 =	simm.s32 $0xACA0  }
0xe9: {  	s1 =	ssub.s32 @!p4 $0x80000FFF, s4;
	(xrf0) =	vadd.scan.msk.s32 @!p4 $0xffff, v10;
	v9 =	vxor.u32 @!p6 $0x80000000, v9;
	p1 =	slt.s32 @!p0 s31, $0x12C;
	v16 =	vld [tilespmem:s3+$0x0];
	s3 =	simm.s32 @!p6 $0x0  }
0xea: {  	(xrf0) =	vmax.scan.msk.u32 @!p6 $0xffff, v9;
	p3 =	por p1, p0;
	s3 =	simm.s32 @p6 $0x1;
	p6 =	seq.s32 s6, $0x1  }
0xeb: {  	p1 =	por !p1, p0;
	s17 =	smov.u32 @p6 s1;
	s1 =	simm.s32 @!p2 $0x0  }
0xec: {  	s1 =	simm.s32 @p2 $0x1;
	s17 =	smov.u32 @p2 s25;
	p2 =	seq.s32 s7, $0x1  }
0xed: {  	s12 =	sld [smem:$0x7EC];
	s13 =	simm.s32 @p1 $0x1;
	p2 =	por p2, p2  }
0xee: {  	s15 =	sld [smem:$0x7EB];
	s13 =	smov.u32 @p0 s0;
	s0 =	simm.s32 @!p2 $0x0  }
0xef: {  	s16 =	sld [smem:$0x7F5];
	p0 =	por p0, p0;
	s0 =	simm.s32 @p2 $0x1  }
0xf0: {  	p2 =	seq.s32 s10, $0x1;
	[smem:$0x7DA] =	sst s0;
	s0 =	simm.s32 @!p0 $0x0  }
0xf1: {  	[dreg:$0x16] =	wrdreg s19;
	s0 =	simm.s32 @p0 $0x1;
	p0 =	por p2, p2  }
0xf2: {  	[smem:$0x7DB] =	sst s0;
	s0 =	simm.s32 @!p0 $0x0  }
0xf3: {  	[smem:$0x7E0] =	sst s3;
	s0 =	simm.s32 @p0 $0x1;
	p0 =	por p1, p1  }
0xf4: {  	v10 =	vlaneseq.u32 @!p3;
	p2 =	seq.s32 s15, $0x1;
	[smem:$0x7DC] =	sst s0;
	s0 =	simm.s32 @!p0 $0x0  }
0xf5: {  	v9 =	vmul.u32 @!p3 $0xFFFFFFFF, v10;
	s19 =	sld [smem:$0x7E0];
	s0 =	simm.s32 @p0 $0x1;
	p0 =	por p2, p2  }
0xf6: {  	p1 =	seq.s32 s12, $0x1;
	[smem:$0x7DD] =	sst s0;
	s0 =	simm.s32 @!p0 $0x0  }
0xf7: {  	v9 =	vadd.s32 @!p3 $0xF, v9;
	(v2sf) =	vpush @!p1 v12, $0xF;
	p1 =	por p1, p1;
	p2 =	seq.s32 s16, $0x1;
	s0 =	simm.s32 @p0 $0x1  }
0xf8: {  	v9 =	vperm.xlane @!p3 v7, v9;
	v7, _, _ =	vpop @!p2 (xrf0);
	p2 =	seq.s32 s19, $0x1;
	[smem:$0x7DE] =	sst s0;
	s0 =	simm.s32 @!p1 $0x0  }
0xf9: {  	s0 =	simm.s32 @p1 $0x1;
	p1 =	por p2, p2  }
0xfa: {  	s28 =	simm.s32 $0x9CA0;
	[smem:$0x7DF] =	sst s0;
	s0 =	simm.s32 @!p1 $0x0  }
0xfb: {  	v15 =	vld [tilespmem:s28+$0x0];
	s28 =	sld [smem:$0x7ED];
	p0 =	por p4, p4;
	s0 =	simm.s32 @p1 $0x1  }
0xfc: {  	(v2sf) =	vpush v13, $0xF;
	[smem:$0x7E1] =	sst s0;
	s0 =	simm.s32 @!p0 $0x0  }
0xfd: {  	(v2sf) =	vpush @!p0 v7, $0xF;
	s0 =	simm.s32 @p0 $0x1;
	p0 =	por p6, p6  }
0xfe: {  	p6 =	seq.s32 s28, $0x1;
	[smem:$0x7E2] =	sst s0;
	s0 =	simm.s32 @!p0 $0x0  }
0xff: {  	p1 =	por p6, p6;
	s0 =	simm.s32 @p0 $0x1  }
0x100: {  	[smem:$0x7E3] =	sst s0;
	s0 =	simm.s32 @!p1 $0x0  }
0x101: {  	[dreg:$0x15] =	wrdreg s2;
	s0 =	simm.s32 @p1 $0x1;
	p1 =	por $0x1, $0x1  }
0x102: {  	[smem:$0x7E4] =	sst s0;
	s0 =	simm.s32 @!p1 $0x0  }
0x103: {  	p4 =	por p3, p3;
	p0 =	por $0x0, $0x0;
	s0 =	simm.s32 @p1 $0x1  }
.Ltmp10:
0x104: {  	[smem:$0x7F9] =	sst s0;
	s0 =	simm.s32 @!p4 $0x0;
	(pc) =	sbr.rel @p0 .LBB2_18-.Ltmp10, $4  }
0x105: {  	[dreg:$0x14] =	wrdreg s31;
	p3 =	por p3, p3;
	s0 =	simm.s32 @p4 $0x1  }
0x106: {  	v22 =	vadd.s32 v15, v16;
	[smem:$0x7E5] =	sst s0;
	s0 =	simm.s32 @!p3 $0x0  }
0x107: {  	[smem:$0x7D9] =	sst s1;
	(xrf0) =	vadd.scan.msk.s32 $0xffff, v22;
	s0 =	simm.s32 @p3 $0x1  }
0x108: {  	s26 =	simm.s32 $0x80000F9F;
	v14 =	vsub.s32 @!p2 v14, v6;
	v15, _, _ =	vpop @!p5 (xrf0);
	(xrf0) =	vadd.scan.msk.s32 @!p3 $0xffff, v9;
	[smem:$0x7E6] =	sst s0  }
0x109: {  	s0 =	sld [smem:$0x7EF]  }
0x10a: {  	s1 =	sld [smem:$0x7D9];
	_ =	sdelay $0x1  }
0x10b: {  	s29 =	sld [smem:$0x7DE]  }
0x10c: {  	p0 =	seq.s32 s0, $0x1;
	p1 =	seq.s32 s1, $0x1  }
0x10d: {  	s3 =	sld [smem:$0x7DA];
	s0 =	spop @!p0 (v2sf);
	p0 =	por p1, p1  }
0x10e: {  	s5 =	sld [smem:$0x7F5];
	p2 =	seq.s32 s29, $0x1;
	s1 =	simm.s32 @!p0 $0x0  }
0x10f: {  	s6 =	sld [smem:$0x7E2];
	v16, _, _ =	vpop (xrf0);
	s1 =	simm.s32 @p0 $0x1;
	p0 =	por p2, p2  }
0x110: {  	v17, _, _ =	vpop @!p4 (xrf0);
	p4 =	seq.s32 s3, $0x1;
	[smem:$0x7D3] =	sst s1;
	s1 =	simm.s32 @!p0 $0x0  }
0x111: {  	s7 =	sld [smem:$0x7E3];
	s1 =	simm.s32 @p0 $0x1;
	p0 =	por p4, p4  }
0x112: {  	[smem:$0x7D6] =	sst s1;
	s1 =	simm.s32 @!p0 $0x0  }
0x113: {  	s3 =	sld [smem:$0x7DF];
	s1 =	simm.s32 @p0 $0x1  }
0x114: {  	s12 =	smov.u32 s17;
	[smem:$0x7E7] =	sst s1;
	s1 =	simm.s32 @!p5 $0x0  }
0x115: {  	s4 =	spop (v2sf);
	p2 =	seq.s32 s5, $0x1;
	s1 =	simm.s32 @p5 $0x1  }
0x116: {  	p6 =	seq.s32 s3, $0x1;
	p5 =	seq.s32 s6, $0x1;
	[smem:$0x7D5] =	sst s1  }
0x117: {  	s1 =	spop @!p2 (v2sf);
	p2 =	por p5, p5;
	p5 =	seq.s32 s7, $0x1  }
0x118: {  	s3 =	sxor.u32 @!p6 $0x80000000, s0;
	s1 =	sadd.s32 @!p2 $0x0, s1;
	p2 =	por p5, p5  }
0x119: {  	s19 =	simm.s32 $0x0;
	s9 =	sld [smem:$0x7E4];
	v7 =	vmov @!p6 s3;
	s3 =	simm.s32 @!p2 $0x0  }
0x11a: {  	s15 =	sld [smem:$0x7EF];
	p1 =	sne.s32 s13, $0x0;
	s3 =	simm.s32 @p2 $0x1  }
0x11b: {  	s28 =	sadd.s32 s31, s4;
	s0 =	ssub.s32 @!p6 $0x80000FEF, s0;
	[smem:$0x7D4] =	sst s3  }
0x11c: {  	p0 =	slt.s32 @!p1 s28, $0x12C;
	p2 =	seq.s32 s9, $0x1;
	s10 =	sld [smem:$0x7D4]  }
0x11d: {  	p5 =	por !p0, p1;
	s12 =	smov.u32 @p2 s0;
	s0 =	smov.u32 s13  }
0x11e: {  	s4 =	sld [smem:$0x7DB];
	p4 =	por p0, p1;
	s0 =	simm.s32 @p5 $0x1  }
0x11f: {  	s0 =	smov.u32 @p1 s13;
	p1 =	por p1, p1;
	p0 =	seq.s32 s10, $0x1  }
0x120: {  	s23 =	sld [smem:$0x7D6];
	s19 =	smov.u32 @p0 s1;
	s1 =	simm.s32 @!p1 $0x0  }
0x121: {  	s3 =	sld [smem:$0x7E1];
	s1 =	simm.s32 @p1 $0x1;
	p1 =	por p5, p5  }
0x122: {  	[smem:$0x7F8] =	sst s1;
	s1 =	simm.s32 @!p1 $0x0  }
0x123: {  	p0 =	seq.s32 s23, $0x1;
	s1 =	simm.s32 @p1 $0x1;
	p1 =	seq.s32 s4, $0x1  }
0x124: {  	vm1 =	veq.s32 @!p6 v7, v3;
	s6 =	sld [smem:$0x7E6];
	s12 =	smov.u32 @p0 s17;
	p1 =	por p1, p1  }
0x125: {  	v13 =	vnsel @!p6 vm1, $0x0, v4;
	p0 =	seq.s32 s3, $0x1;
	[smem:$0x7F6] =	sst s1;
	s1 =	simm.s32 @!p1 $0x0  }
0x126: {  	(xrf0) =	vadd.scan.msk.s32 @!p6 $0xffff, v13;
	s1 =	simm.s32 @p1 $0x1;
	p1 =	por p6, p6;
	p6 =	por p0, p0  }
0x127: {  	(v2sf) =	vpush @!p0 v15, $0xF;
	p0 =	seq.s32 s6, $0x1;
	[smem:$0x7F1] =	sst s1;
	s1 =	simm.s32 @!p1 $0x0  }
0x128: {  	v6 =	vadd.s32 @!p3 s8, v17;
	s29 =	sld [smem:$0x7D5];
	s1 =	simm.s32 @p1 $0x1;
	p1 =	por p0, p0  }
0x129: {  	vm0 =	vgt.s32 @!p3 v6, $0x12B;
	[smem:$0x7D7] =	sst s1;
	s1 =	simm.s32 @!p1 $0x0  }
0x12a: {  	v6 =	vmctz.xlane @!p3 vm0;
	s1 =	simm.s32 @p1 $0x1;
	s9 =	sld [smem:$0x7D7]  }
0x12b: {  	[smem:$0x7F3] =	sst s1;
	s1 =	simm.s32 @!p4 $0x0  }
0x12c: {  	v6 =	vxor.u32 @!p3 $0x80000000, v6;
	s23 =	sld [smem:$0x7DC];
	(v2sf) =	vpush v16, $0xF;
	v16 =	vsub.s32 @!p0 v17, v9;
	p0 =	por p2, p2;
	s1 =	simm.s32 @p4 $0x1  }
0x12d: {  	(xrf0) =	vmax.scan.msk.u32 @!p3 $0xffff, v6;
	p3 =	seq.s32 s15, $0x1;
	[smem:$0x7F7] =	sst s1;
	s1 =	simm.s32 @!p0 $0x0  }
0x12e: {  	v17, _, _ =	vpop @!p3 (xrf0);
	s1 =	simm.s32 @p0 $0x1;
	p0 =	seq.s32 s9, $0x1  }
0x12f: {  	p5 =	seq.s32 s29, $0x1;
	s29 =	sld [smem:$0x7DD];
	(v2sf) =	vpush @!p0 v17, $0xF;
	p0 =	seq.s32 s23, $0x1  }
0x130: {  	p0 =	por p0, p0  }
0x131: {  	s22 =	simm.s32 $0xAC90;
	s4 =	smov.u32 s2;
	s2 =	simm.s32 @!p0 $0x0  }
0x132: {  	s24 =	simm.s32 $0x9C90;
	v18 =	vld [tilespmem:s22+$0x0];
	s2 =	simm.s32 @p0 $0x1;
	p0 =	seq.s32 s29, $0x1  }
0x133: {  	v7 =	vld [tilespmem:s24+$0x0];
	p0 =	por p0, p0  }
0x134: {  	v13 =	vlaneseq.u32 @!p4;
	[smem:$0x7E9] =	sst s2;
	s2 =	simm.s32 @!p0 $0x0  }
0x135: {  	v6 =	vmul.u32 @!p4 $0xFFFFFFFF, v13;
	s10 =	sld [smem:$0x7E5];
	s2 =	simm.s32 @p0 $0x1;
	p0 =	por $0x0, $0x0  }
.Ltmp11:
0x136: {  	s16 =	simm.s32 $0x80000F8F;
	(pc) =	sbr.rel @p0 .LBB2_20-.Ltmp11, $4  }
0x137: {  	s5 =	simm.s32 $0x80000FDF;
	s7 =	simm.s32 $0x80000FCF;
	v6 =	vadd.s32 @!p4 $0xF, v6  }
0x138: {  	s15 =	simm.s32 $0x0;
	v7 =	vadd.s32 v7, v18;
	v6 =	vperm.xlane @!p4 v23, v6;
	s3 =	smov.u32 s11;
	p2 =	seq.s32 s10, $0x1  }
0x139: {  	(xrf0) =	vadd.scan.msk.s32 $0xffff, v7;
	p1 =	por p2, p2;
	p4 =	por p4, p4;
	[smem:$0x7D8] =	sst s1  }
0x13a: {  	v20 =	vmov v14;
	v19 =	vlaneseq.u32 @!p5;
	v18, _, _ =	vpop @!p2 (xrf0);
	(xrf0) =	vadd.scan.msk.s32 @!p4 $0xffff, v6;
	s9 =	smov.u32 s11;
	v17 =	vlaneseq.u32 @!p2;
	s1 =	smov.u32 s8;
	[smem:$0x7F4] =	sst s2  }
.LBB2_21:
0x13b: {  	s2 =	simm.s32 @!p3 $0x0  }
0x13c: {  	s6 =	sld [smem:$0x7F7];
	s2 =	simm.s32 @p3 $0x1  }
0x13d: {  	[smem:$0x7D0] =	sst s2;
	s2 =	simm.s32 @!p5 $0x0  }
0x13e: {  	s23 =	smov.u32 s15;
	s15 =	sld [smem:$0x7F3];
	s2 =	simm.s32 @p5 $0x1  }
0x13f: {  	[smem:$0x7EF] =	sst s2;
	s2 =	simm.s32 @!p1 $0x0  }
0x140: {  	p3 =	seq.s32 s6, $0x1;
	s2 =	simm.s32 @p1 $0x1  }
0x141: {  	[smem:$0x7D5] =	sst s2;
	s2 =	simm.s32 @!p3 $0x0  }
0x142: {  	s29 =	sld [smem:$0x7D6];
	p0 =	seq.s32 s15, $0x1;
	s2 =	simm.s32 @p3 $0x1  }
0x143: {  	[smem:$0x7F2] =	sst s2;
	s2 =	simm.s32 @!p0 $0x0  }
0x144: {  	s2 =	simm.s32 @p0 $0x1  }
0x145: {  	[smem:$0x7F3] =	sst s2  }
0x146: {  	s2 =	spop @!p5 (v2sf);
	p5 =	seq.s32 s29, $0x1;
	s29 =	sld [smem:$0x7E7]  }
0x147: {  	_ = 	snop  }
0x148: {  	s6 =	sld [smem:$0x7D3]  }
0x149: {  	p1 =	seq.s32 s29, $0x1;
	s29 =	sld [smem:$0x7F1]  }
0x14a: {  	s11 =	smov.u32 s12;
	s15 =	smov.u32 s19;
	s19 =	smov.u32 s16  }
0x14b: {  	s16 =	sadd.s32 $0xFFFFFFF0, s16;
	(v2sf) =	vpush @!p0 v18, $0xF;
	p0 =	seq.s32 s6, $0x1;
	p2 =	por p5, p5  }
0x14c: {  	s15 =	smov.u32 @p0 s23;
	s6 =	simm.s32 @!p2 $0x0;
	p5 =	seq.s32 s29, $0x1  }
0x14d: {  	s23 =	smov.u32 s28;
	s6 =	simm.s32 @p2 $0x1;
	p0 =	por p5, p5  }
0x14e: {  	[smem:$0x7D3] =	sst s6;
	s29 =	sxor.u32 @!p6 $0x80000000, s2;
	s6 =	simm.s32 @!p0 $0x0  }
0x14f: {  	p2 =	por p1, p1;
	v23 =	vmov @!p6 s29;
	s29 =	sld [smem:$0x7E9];
	s6 =	simm.s32 @p0 $0x1  }
0x150: {  	p1 =	seq.s32 s16, $0x7FFFFFFF;
	[smem:$0x7E7] =	sst s6;
	s6 =	spop (v2sf)  }
0x151: {  	v21, _, _ =	vpop (xrf0);
	p0 =	sne.s32 s0, $0x0;
	s28 =	sadd.s32 s28, s6;
	s6 =	simm.s32 @!p1 $0x0  }
0x152: {  	s10 =	smov.u32 s0;
	(v2sf) =	vpush v21, $0xF;
	v21, _, _ =	vpop @!p3 (xrf0);
	s6 =	simm.s32 @p1 $0x1;
	p3 =	slt.s32 @!p0 s28, $0x12C  }
0x153: {  	s2 =	ssub.s32 @!p6 s5, s2;
	[smem:$0x7D2] =	sst s6;
	p5 =	por p3, p0  }
0x154: {  	p1 =	por !p3, p0;
	p3 =	seq.s32 s29, $0x1;
	s6 =	sld [smem:$0x7F8]  }
0x155: {  	s29 =	sld [smem:$0x7F4];
	s5 =	simm.s32 @!p1 $0x0;
	s12 =	smov.u32 @p3 s2  }
0x156: {  	s0 =	simm.s32 @p1 $0x1;
	s2 =	simm.s32 @!p2 $0x0;
	s5 =	simm.s32 @p1 $0x1  }
0x157: {  	s2 =	simm.s32 @p2 $0x1;
	s0 =	smov.u32 @p0 s10;
	s10 =	sld [smem:$0x7D7]  }
0x158: {  	s12 =	smov.u32 @p2 s11;
	s11 =	sld [smem:$0x7F3];
	p2 =	seq.s32 s6, $0x1  }
0x159: {  	[smem:$0x7CF] =	sst s5;
	p1 =	por p2, p2  }
0x15a: {  	[smem:$0x7D6] =	sst s2;
	s5 =	smov.u32 s7;
	s2 =	simm.s32 @!p1 $0x0  }
0x15b: {  	s7 =	smov.u32 s14;
	p2 =	por p0, p0;
	s2 =	simm.s32 @p1 $0x1  }
0x15c: {  	s14 =	smov.u32 s30;
	[smem:$0x7F1] =	sst s2;
	s2 =	simm.s32 @!p2 $0x0  }
0x15d: {  	s30 =	smov.u32 s26;
	s2 =	simm.s32 @p2 $0x1;
	p2 =	seq.s32 s10, $0x1  }
0x15e: {  	v6 =	vsub.s32 @!p4 v21, v6;
	v21 =	vadd.s32 @!p4 s31, v21;
	s26 =	smov.u32 s19;
	s19 =	sld [smem:$0x7D8];
	p1 =	por p2, p2  }
0x15f: {  	vm1 =	vgt.s32 @!p4 v21, $0x12B;
	vm0 =	veq.s32 @!p6 v23, v19;
	v19 =	vmovc v17;
	v17 =	vmov v13;
	p0 =	por p6, p6;
	[smem:$0x7F8] =	sst s2;
	s2 =	simm.s32 @!p1 $0x0  }
0x160: {  	v21 =	vnsel @!p6 vm0, $0x0, v20;
	v20 =	vmovc v16;
	v16 =	vmovc v6;
	v6 =	vmctz.xlane @!p4 vm1;
	v13 =	vlaneseq.u32 @!p5;
	s10 =	sld [smem:$0x7F6];
	s2 =	simm.s32 @p1 $0x1;
	p1 =	por p4, p4  }
0x161: {  	(xrf0) =	vadd.scan.msk.s32 @!p6 $0xffff, v21;
	v21 =	vmul.u32 @!p5 $0xFFFFFFFF, v13;
	p2 =	seq.s32 s11, $0x1;
	[smem:$0x7D1] =	sst s2;
	s2 =	simm.s32 @!p1 $0x0  }
0x162: {  	v6 =	vxor.u32 @!p4 $0x80000000, v6;
	p6 =	por p2, p2;
	p2 =	seq.s32 s19, $0x1;
	s2 =	simm.s32 @p1 $0x1  }
0x163: {  	(xrf0) =	vmax.scan.msk.u32 @!p4 $0xffff, v6;
	v21 =	vadd.s32 @!p5 $0xF, v21;
	p4 =	por p5, p5;
	[smem:$0x7F3] =	sst s2;
	s2 =	simm.s32 @!p5 $0x0  }
0x164: {  	v6 =	vperm.xlane @!p5 v22, v21;
	p1 =	por p3, p3;
	s2 =	simm.s32 @p5 $0x1;
	p5 =	por p2, p2  }
0x165: {  	p2 =	seq.s32 s29, $0x1;
	[smem:$0x7F7] =	sst s2;
	s2 =	simm.s32 @!p1 $0x0  }
0x166: {  	s22 =	sadd.s32 $0xFFFFFFF0, s22;
	s2 =	simm.s32 @p1 $0x1;
	p1 =	por p2, p2  }
0x167: {  	s24 =	sadd.s32 $0xFFFFFFF0, s24;
	v24 =	vld [tilespmem:s22+$0x0];
	[smem:$0x7D8] =	sst s2;
	s2 =	simm.s32 @!p1 $0x0  }
0x168: {  	v18 =	vld [tilespmem:s24+$0x0];
	s11 =	sld [smem:$0x7CF];
	s2 =	simm.s32 @p1 $0x1;
	p1 =	seq.s32 s10, $0x1  }
0x169: {  	p3 =	por p1, p1  }
0x16a: {  	[smem:$0x7E9] =	sst s2;
	s2 =	simm.s32 @!p3 $0x0  }
0x16b: {  	s6 =	sld [smem:$0x7EF];
	s2 =	simm.s32 @p3 $0x1;
	p3 =	seq.s32 s11, $0x1  }
0x16c: {  	s19 =	sld [smem:$0x7D0];
	p1 =	por p3, p3  }
0x16d: {  	v18 =	vadd.s32 v18, v24;
	[smem:$0x7F4] =	sst s2;
	s2 =	simm.s32 @!p1 $0x0  }
0x16e: {  	s29 =	sld [smem:$0x7D1];
	s2 =	simm.s32 @p1 $0x1  }
0x16f: {  	p2 =	seq.s32 s6, $0x1;
	[smem:$0x7F6] =	sst s2;
	s2 =	simm.s32 @!p0 $0x0  }
0x170: {  	(xrf0) =	vadd.scan.msk.s32 $0xffff, v18;
	v22 =	vmov v7;
	v7 =	vmov v18;
	v18, _, _ =	vpop @!p2 (xrf0);
	s2 =	simm.s32 @p0 $0x1  }
0x171: {  	(v2sf) =	vpush @!p0 v18, $0xF;
	p0 =	seq.s32 s19, $0x1;
	[smem:$0x7D7] =	sst s2  }
0x172: {  	s2 =	spop @!p0 (v2sf);
	p0 =	seq.s32 s29, $0x1;
	s29 =	sld [smem:$0x7D2]  }
0x173: {  	_ =	sdelay $0x1  }
0x174: {  	s10 =	sld [smem:$0x7F2];
	s2 =	sadd.s32 @!p0 s3, s2;
	p0 =	seq.s32 s29, $0x1  }
.Ltmp12:
0x175: {  	_ = 	snop;
	(pc) =	sbr.rel @!p0 .LBB2_21-.Ltmp12, $4  }
0x176: {  	s11 =	sld [smem:$0x7D5]  }
0x177: {  	p3 =	por p2, p2;
	p1 =	seq.s32 s10, $0x1;
	s19 =	smov.u32 s15  }
0x178: {  	s3 =	smov.u32 s4;
	s4 =	smov.u32 s1;
	s1 =	smov.u32 s31  }
0x179: {  	(xrf0) =	vadd.scan.msk.s32 @!p4 $0xffff, v6;
	v18, _, _ =	vpop @!p1 (xrf0);
	s31 =	smov.u32 s23;
	s19 =	smov.u32 @p5 s2;
	p5 =	seq.s32 s11, $0x1  }
0x17a: {  	s2 =	simm.s32 @!p6 $0x0;
	s16 =	smov.u32 s14;
	s22 =	rddreg [dreg:$0x8]  }
0x17b: {  	s14 =	smov.u32 s26;
	s23 =	rddreg [dreg:$0x9];
	s24 =	simm.s32 $0x80  }
0x17c: {  	s29 =	simm.s32 $0x400;
	s26 =	simm.s32 $0x1;
	s2 =	simm.s32 @p6 $0x1  }
0x17d: {  	p2 =	por $0x1, $0x1;
	[smem:$0x7E8] =	sst s2;
	s2 =	simm.s32 @!p3 $0x0  }
0x17e: {  	p0 =	por $0x1, $0x1;
	s10 =	sld [smem:$0x7F3];
	s2 =	simm.s32 @p3 $0x1  }
0x17f: {  	s11 =	smov.u32 s9;
	[smem:$0x7F5] =	sst s2;
	s2 =	simm.s32 @!p0 $0x0  }
0x180: {  	s9 =	simm.s32 $0x80000FEF;
	p6 =	por p4, p4;
	s2 =	simm.s32 @p0 $0x1  }
0x181: {  	v21 =	vmov v22;
	p3 =	por $0x1, $0x1;
	p1 =	seq.s32 s10, $0x1;
	[smem:$0x7FC] =	sst s2  }
.LBB2_23:
0x182: {  	s10 =	sld [smem:$0x7E8];
	_ =	sdelay $0x1  }
0x183: {  	s2 =	simm.s32 @!p1 $0x0;
	p0 =	por p1, !p3;
	s6 =	simm.s32 @!p2 $0x0  }
0x184: {  	s2 =	simm.s32 @p1 $0x1;
	p1 =	seq.s32 s10, $0x1;
	s10 =	sld [smem:$0x7FB]  }
0x185: {  	p4 =	por p5, !p2;
	s6 =	simm.s32 @p2 $0x1  }
0x186: {  	[smem:$0x7B8] =	sst s6;
	s6 =	simm.s32 @!p1 $0x0;
	p5 =	por p1, !p2  }
0x187: {  	s6 =	simm.s32 @p1 $0x1;
	p1 =	seq.s32 s10, $0x1;
	s10 =	sld [smem:$0x7FA]  }
0x188: {  	_ = 	snop  }
0x189: {  	[smem:$0x7F3] =	sst s2;
	s2 =	simm.s32 @!p3 $0x0  }
0x18a: {  	(v2sf) =	vpush @!p0 v18, $0xF;
	s2 =	simm.s32 @p3 $0x1;
	p0 =	seq.s32 s10, $0x1;
	s10 =	sld [smem:$0x7F7]  }
0x18b: {  	[smem:$0x7C7] =	sst s2  }
0x18c: {  	[smem:$0x7E8] =	sst s6;
	s6 =	simm.s32 @!p0 $0x0  }
0x18d: {  	s2 =	simm.s32 @!p4 $0x0;
	s6 =	simm.s32 @p0 $0x1;
	p3 =	seq.s32 s10, $0x1  }
0x18e: {  	s2 =	simm.s32 @p4 $0x1;
	[smem:$0x7FA] =	sst s6;
	s6 =	simm.s32 @!p3 $0x0  }
0x18f: {  	[smem:$0x7A6] =	sst s2;
	p2 =	por p3, !p0;
	s6 =	simm.s32 @p3 $0x1  }
0x190: {  	[smem:$0x7F7] =	sst s6;
	s6 =	simm.s32 @!p2 $0x0  }
0x191: {  	s2 =	spop @!p4 (v2sf);
	s10 =	simm.s32 @!p5 $0x0;
	s6 =	simm.s32 @p2 $0x1  }
0x192: {  	s10 =	simm.s32 @p5 $0x1;
	[smem:$0x7B1] =	sst s6;
	s6 =	simm.s32 @!p6 $0x0  }
0x193: {  	p4 =	sne.s32 @p1 s0, $0x0;
	[smem:$0x7A1] =	sst s10;
	s6 =	simm.s32 @p6 $0x1  }
0x194: {  	p3 =	por p6, !p0;
	[smem:$0x7E0] =	sst s6;
	s6 =	spop @p1 (v2sf)  }
0x195: {  	s10 =	sxor.u32 @!p5 $0x80000000, s2;
	p0 =	por p4, !p1;
	s6 =	sadd.s32 @p1 s28, s6  }
0x196: {  	v18 =	vmov @!p5 s10;
	s10 =	simm.s32 @!p3 $0x0;
	p6 =	slt.s32 @!p0 s6, $0x12C  }
0x197: {  	s10 =	simm.s32 @p3 $0x1;
	p0 =	por @p1 p6, p4  }
0x198: {  	[smem:$0x7AA] =	sst s10;
	s10 =	simm.s32 @!p0 $0x0  }
0x199: {  	s10 =	simm.s32 @p0 $0x1  }
0x19a: {  	[smem:$0x7C9] =	sst s10  }
0x19b: {  	s10 =	sld [smem:$0x7FC];
	_ =	sdelay $0x1  }
0x19c: {  	v60, _, _ =	vpop (xrf0)  }
0x19d: {  	v22, _, _ =	vpop @!p2 (xrf0);
	p2 =	seq.s32 s10, $0x1  }
0x19e: {  	s10 =	simm.s32 @!p2 $0x0  }
0x19f: {  	s10 =	simm.s32 @p2 $0x1  }
0x1a0: {  	[smem:$0x7FC] =	sst s10  }
0x1a1: {  	s10 =	sld [smem:$0x7D3]  }
0x1a2: {  	v23 =	vadd.s32 @!p3 s31, v22  }
0x1a3: {  	vm0 =	veq.s32 @!p5 v18, v19;
	vm1 =	vgt.s32 @!p3 v23, $0x12B  }
0x1a4: {  	v18 =	vnsel @!p5 vm0, $0x0, v20;
	v19 =	vmctz.xlane @!p3 vm1;
	p3 =	seq.s32 s10, $0x1  }
0x1a5: {  	(xrf0) =	vadd.scan.msk.s32 @!p5 $0xffff, v18;
	p5 =	por !p3, !p2;
	p3 =	por @p1 !p6, p4  }
0x1a6: {  	s10 =	simm.s32 @!p3 $0x0  }
0x1a7: {  	s10 =	simm.s32 @p3 $0x1  }
0x1a8: {  	[smem:$0x7B2] =	sst s10;
	s10 =	simm.s32 @!p4 $0x0  }
0x1a9: {  	s15 =	smov.u32 @p5 s19;
	s19 =	sld [smem:$0x7FA];
	s10 =	simm.s32 @p4 $0x1  }
0x1aa: {  	[smem:$0x7BD] =	sst s10  }
0x1ab: {  	s10 =	sld [smem:$0x7AA]  }
0x1ac: {  	p2 =	seq.s32 s19, $0x1;
	s19 =	sld [smem:$0x7E0];
	_ =	sdelay $0x1  }
0x1ad: {  	p3 =	por !p3, !p1;
	p6 =	seq.s32 s10, $0x1;
	s10 =	smov.u32 s0  }
0x1ae: {  	s10 =	simm.s32 @!p3 $0x1;
	p3 =	seq.s32 s19, $0x1;
	s19 =	sld [smem:$0x7E1]  }
0x1af: {  	v19 =	vxor.u32 @!p6 $0x80000000, v19  }
0x1b0: {  	(xrf0) =	vmax.scan.msk.u32 @!p6 $0xffff, v19;
	p6 =	por @p2 p3, p3;
	p3 =	por !p4, !p1  }
0x1b1: {  	s0 =	smov.u32 @p3 s10;
	p3 =	seq.s32 s19, $0x1;
	s19 =	sld [smem:$0x7B8]  }
0x1b2: {  	_ =	sdelay $0x1  }
0x1b3: {  	p6 =	por @!p2 p3, p3;
	p3 =	seq.s32 s19, $0x1;
	s19 =	sld [smem:$0x7E8]  }
0x1b4: {  	p0 =	por p0, !p1  }
0x1b5: {  	v18 =	vlaneseq.u32 @!p0  }
0x1b6: {  	v20 =	vmul.u32 @!p0 $0xFFFFFFFF, v18;
	p2 =	seq.s32 s19, $0x1;
	s19 =	sld [smem:$0x7C7];
	_ =	sdelay $0x1  }
0x1b7: {  	v19 =	vadd.s32 @!p0 $0xF, v20  }
0x1b8: {  	v19 =	vperm.xlane @!p0 v21, v19;
	p0 =	seq.s32 s19, $0x1;
	s19 =	sld [smem:$0x7F3];
	_ =	sdelay $0x2  }
0x1b9: {  	p5 =	por @p3 p2, p2;
	p2 =	seq.s32 s19, $0x1;
	s19 =	sld [smem:$0x7F9]  }
0x1ba: {  	_ = 	snop  }
0x1bb: {  	s10 =	simm.s32 @!p6 $0x0  }
0x1bc: {  	s10 =	simm.s32 @p6 $0x1;
	p6 =	seq.s32 s19, $0x1;
	s19 =	sld [smem:$0x7F5]  }
0x1bd: {  	[smem:$0x7A8] =	sst s10;
	s10 =	simm.s32 @!p5 $0x0  }
0x1be: {  	s10 =	simm.s32 @p5 $0x1  }
0x1bf: {  	p0 =	por @p0 p2, p2;
	p4 =	seq.s32 s19, $0x1;
	s19 =	sld [smem:$0x7C9]  }
0x1c0: {  	[smem:$0x7AE] =	sst s10;
	s10 =	simm.s32 @!p0 $0x0  }
0x1c1: {  	s10 =	simm.s32 @p0 $0x1  }
0x1c2: {  	p0 =	por p4, !p6;
	p4 =	seq.s32 s19, $0x1;
	s19 =	sld [smem:$0x7A6]  }
0x1c3: {  	[smem:$0x7A7] =	sst s10;
	s10 =	simm.s32 @!p0 $0x0  }
0x1c4: {  	s10 =	simm.s32 @p0 $0x1  }
0x1c5: {  	[smem:$0x7A0] =	sst s10;
	p2 =	por @p1 p4, p4;
	p0 =	seq.s32 s19, $0x1  }
0x1c6: {  	s19 =	sld [smem:$0x7A0];
	v20, _, _ =	vpop @!p0 (xrf0);
	p0 =	por p2, !p1  }
0x1c7: {  	s10 =	simm.s32 @!p0 $0x0  }
0x1c8: {  	s10 =	simm.s32 @p0 $0x1  }
0x1c9: {  	p0 =	por p5, !p3;
	p3 =	seq.s32 s19, $0x1;
	s19 =	sld [smem:$0x7A1]  }
0x1ca: {  	_ = 	snop  }
0x1cb: {  	[smem:$0x7A2] =	sst s10  }
0x1cc: {  	s10 =	spop @!p3 (v2sf);
	p3 =	seq.s32 s19, $0x1;
	s19 =	sld [smem:$0x7A2]  }
0x1cd: {  	_ =	sdelay $0x1  }
0x1ce: {  	s2 =	ssub.s32 @!p3 s5, s2;
	p3 =	seq.s32 s19, $0x1;
	s19 =	sld [smem:$0x7E5]  }
0x1cf: {  	_ = 	snop  }
0x1d0: {  	(v2sf) =	vpush v60, $0xF  }
0x1d1: {  	(v2sf) =	vpush @!p0 v20, $0xF;
	p0 =	seq.s32 s19, $0x1;
	s19 =	sld [smem:$0x7DF];
	_ =	sdelay $0x2  }
0x1d2: {  	p4 =	por @!p1 p0, p0;
	p0 =	seq.s32 s19, $0x1;
	s19 =	sld [smem:$0x7A7]  }
0x1d3: {  	_ =	sdelay $0x1  }
0x1d4: {  	p5 =	seq.s32 s19, $0x1;
	s19 =	sld [smem:$0x7C7];
	_ =	sdelay $0x2  }
0x1d5: {  	(xrf0) =	vadd.scan.msk.s32 @!p3 $0xffff, v19;
	p3 =	seq.s32 s19, $0x1;
	s19 =	sld [smem:$0x7E6]  }
0x1d6: {  	s5 =	simm.s32 @!p4 $0x0  }
0x1d7: {  	s5 =	simm.s32 @p4 $0x1;
	p5 =	por @!p3 p0, p0  }
0x1d8: {  	[smem:$0x7C9] =	sst s5;
	s5 =	simm.s32 @!p5 $0x0;
	p0 =	seq.s32 s19, $0x1  }
0x1d9: {  	s5 =	simm.s32 @p5 $0x1;
	p2 =	por @!p1 p0, p0  }
0x1da: {  	[smem:$0x7A7] =	sst s5;
	s5 =	simm.s32 @!p2 $0x0  }
0x1db: {  	s5 =	simm.s32 @p2 $0x1  }
0x1dc: {  	[smem:$0x7A9] =	sst s5  }
0x1dd: {  	s5 =	smov.u32 @p1 s28;
	s28 =	sld [smem:$0x7B1];
	_ =	sdelay $0x2  }
0x1de: {  	p0 =	seq.s32 s28, $0x1;
	s28 =	sld [smem:$0x7F2];
	_ =	sdelay $0x2  }
0x1df: {  	p2 =	seq.s32 s28, $0x1;
	s28 =	sld [smem:$0x7FA]  }
0x1e0: {  	p2 =	por p2, !p3  }
0x1e1: {  	s19 =	simm.s32 @!p2 $0x0  }
0x1e2: {  	s19 =	simm.s32 @p2 $0x1;
	p3 =	seq.s32 s28, $0x1;
	s28 =	sld [smem:$0x7A8]  }
0x1e3: {  	v20, _, _ =	vpop @!p0 (xrf0);
	p0 =	por p1, p1;
	[smem:$0x7B5] =	sst s19  }
0x1e4: {  	s13 =	smov.u32 @p0 s0;
	s19 =	rddreg [dreg:$0x14]  }
0x1e5: {  	s19 =	smov.u32 @p1 s6;
	s6 =	spop @!p2 (v2sf);
	p2 =	seq.s32 s28, $0x1  }
0x1e6: {  	s8 =	smov.u32 @p0 s5;
	v15 =	vpsel p3, v20, v15;
	s28 =	spop (v2sf);
	p1 =	por p2, !p3  }
0x1e7: {  	(v2sf) =	vpush @!p1 v15, $0xF;
	p1 =	por p0, p0;
	p0 =	sne.s32 s13, $0x0;
	s13 =	sld [smem:$0x7C7]  }
0x1e8: {  	s0 =	sadd.s32 s19, s28;
	s28 =	sld [smem:$0x7A9];
	s5 =	simm.s32 @!p1 $0x0  }
0x1e9: {  	p2 =	por p4, !p1;
	s5 =	simm.s32 @p1 $0x1  }
0x1ea: {  	p3 =	seq.s32 s13, $0x1;
	[smem:$0x7FB] =	sst s5;
	s5 =	simm.s32 @!p2 $0x0  }
0x1eb: {  	p4 =	seq.s32 s28, $0x1;
	p5 =	por p5, !p3;
	s5 =	simm.s32 @p2 $0x1  }
0x1ec: {  	p3 =	por p1, p1;
	[smem:$0x7AB] =	sst s5;
	s5 =	simm.s32 @!p0 $0x0  }
0x1ed: {  	v20, _, _ =	vpop @!p2 (xrf0);
	p2 =	por p4, !p3;
	s5 =	simm.s32 @p0 $0x1  }
0x1ee: {  	[smem:$0x7CC] =	sst s5;
	s5 =	simm.s32 @!p2 $0x0  }
0x1ef: {  	s13 =	sld [smem:$0x7B8];
	s5 =	simm.s32 @p2 $0x1  }
0x1f0: {  	p1 =	slt.s32 @!p0 s0, $0x12C;
	[smem:$0x7B7] =	sst s5  }
0x1f1: {  	s0 =	simm.s32 @!p1 $0x0;
	p3 =	por p1, p0;
	s5 =	sld [smem:$0x7E7]  }
0x1f2: {  	s0 =	simm.s32 @p1 $0x1;
	p1 =	seq.s32 s13, $0x1;
	s13 =	sld [smem:$0x7E9]  }
0x1f3: {  	[smem:$0x7CD] =	sst s0;
	s0 =	simm.s32 @!p5 $0x0  }
0x1f4: {  	s0 =	simm.s32 @p5 $0x1;
	p0 =	seq.s32 s5, $0x1;
	s5 =	sld [smem:$0x7D7]  }
0x1f5: {  	[smem:$0x7A5] =	sst s0;
	s0 =	sxor.u32 @!p5 $0x80000000, s6;
	p0 =	por @p1 p0, p0  }
0x1f6: {  	s28 =	sld [smem:$0x7C7];
	v21 =	vmov @!p5 s0;
	s0 =	simm.s32 @!p0 $0x0  }
0x1f7: {  	s0 =	simm.s32 @p0 $0x1;
	p0 =	seq.s32 s5, $0x1  }
0x1f8: {  	v15 =	vlaneseq.u32 @!p3;
	p5 =	por @p6 p0, p0;
	p0 =	por p3, p3;
	p3 =	seq.s32 s13, $0x1  }
0x1f9: {  	p4 =	seq.s32 s28, $0x1;
	[smem:$0x7AF] =	sst s0;
	s0 =	simm.s32 @!p3 $0x0  }
0x1fa: {  	s28 =	sld [smem:$0x7AF];
	s0 =	simm.s32 @p3 $0x1;
	p3 =	por !p3, !p1  }
0x1fb: {  	s2 =	smov.u32 @p3 s12;
	p3 =	por p5, !p6  }
0x1fc: {  	[smem:$0x7E9] =	sst s0;
	s0 =	simm.s32 @!p3 $0x0  }
0x1fd: {  	v17 =	vpsel p4, v17, v3;
	p4 =	seq.s32 s28, $0x1;
	s0 =	simm.s32 @p3 $0x1  }
0x1fe: {  	p3 =	por !p4, !p1;
	[smem:$0x7A3] =	sst s0  }
0x1ff: {  	s12 =	smov.u32 @p3 s2;
	s2 =	sld [smem:$0x7A3];
	_ =	sdelay $0x1  }
0x200: {  	v23 =	vadd.s32 @!p2 s8, v20  }
0x201: {  	vm0 =	vgt.s32 @!p2 v23, $0x12B;
	v23 =	vmul.u32 @!p0 $0xFFFFFFFF, v15;
	p5 =	por p0, p0;
	p0 =	seq.s32 s2, $0x1  }
0x202: {  	s0 =	sadd.s32 @!p0 s3, s10;
	s10 =	sld [smem:$0x7D8];
	_ =	sdelay $0x2  }
0x203: {  	s5 =	sld [smem:$0x7A5];
	p0 =	seq.s32 s10, $0x1  }
0x204: {  	s13 =	sld [smem:$0x7C7];
	p0 =	por @p6 p0, p0  }
0x205: {  	s28 =	sld [smem:$0x7FC];
	s2 =	simm.s32 @!p0 $0x0  }
0x206: {  	p4 =	seq.s32 s5, $0x1;
	s5 =	sld [smem:$0x7F1];
	s2 =	simm.s32 @p0 $0x1  }
0x207: {  	[smem:$0x7A4] =	sst s2  }
0x208: {  	s10 =	sld [smem:$0x7A4]  }
0x209: {  	p3 =	seq.s32 s13, $0x1;
	s3 =	smov.u32 s25;
	p0 =	seq.s32 s28, $0x1  }
0x20a: {  	s13 =	sld [smem:$0x7DE];
	s3 =	smov.u32 @p0 s15;
	p0 =	seq.s32 s5, $0x1  }
0x20b: {  	vm1 =	veq.s32 @!p4 v21, v17;
	v17 =	vmctz.xlane @!p2 vm0;
	v16 =	vpsel p3, v16, v4;
	p1 =	por @p3 p0, p0;
	p0 =	seq.s32 s10, $0x1  }
0x20c: {  	v16 =	vnsel @!p4 vm1, $0x0, v16;
	s15 =	sld [smem:$0x7D6];
	p0 =	por !p0, !p6  }
0x20d: {  	(xrf0) =	vadd.scan.msk.s32 @!p4 $0xffff, v16;
	v16 =	vxor.u32 @!p2 $0x80000000, v17;
	s0 =	smov.u32 @p0 s3;
	p0 =	seq.s32 s13, $0x1  }
0x20e: {  	(xrf0) =	vmax.scan.msk.u32 @!p2 $0xffff, v16;
	p2 =	por p5, p5;
	s28 =	sld [smem:$0x7F4];
	p1 =	por @!p3 p0, p0  }
0x20f: {  	s5 =	sld [smem:$0x7E4];
	p0 =	seq.s32 s15, $0x1;
	s2 =	simm.s32 @!p1 $0x0  }
0x210: {  	s10 =	sld [smem:$0x7A6];
	p4 =	por @p6 p0, p0;
	s2 =	simm.s32 @p1 $0x1  }
0x211: {  	p0 =	seq.s32 s28, $0x1;
	[smem:$0x7AC] =	sst s2;
	s2 =	simm.s32 @!p2 $0x0  }
0x212: {  	s13 =	sld [smem:$0x7A7];
	p1 =	por @p3 p0, p0;
	s2 =	simm.s32 @p2 $0x1  }
0x213: {  	p0 =	seq.s32 s5, $0x1;
	[smem:$0x7C2] =	sst s2;
	s2 =	simm.s32 @!p5 $0x0  }
0x214: {  	s15 =	sld [smem:$0x7FA];
	p1 =	por @!p3 p0, p0;
	s2 =	simm.s32 @p5 $0x1  }
0x215: {  	[smem:$0x7CE] =	sst s2;
	s2 =	simm.s32 @!p1 $0x0  }
0x216: {  	v21 =	vadd.s32 @!p5 $0xF, v23;
	s28 =	sld [smem:$0x7A8];
	s5 =	simm.s32 @!p6 $0x0;
	s2 =	simm.s32 @p1 $0x1  }
0x217: {  	v7 =	vperm.xlane @!p5 v7, v21;
	s0 =	smov.u32 @p6 s0;
	s5 =	simm.s32 @p6 $0x1;
	[smem:$0x7BA] =	sst s2  }
0x218: {  	p4 =	por @!p6 p0, p0;
	s2 =	smov.u32 @p3 s7;
	s7 =	sld [smem:$0x7A5]  }
0x219: {  	(xrf0) =	vadd.scan.msk.s32 @!p2 $0xffff, v7;
	[smem:$0x7F9] =	sst s5;
	s5 =	smov.u32 s9;
	p2 =	por !p4, !p6  }
0x21a: {  	s3 =	smov.u32 @p2 s0;
	p2 =	seq.s32 s15, $0x1;
	s15 =	sld [smem:$0x7B5]  }
0x21b: {  	s5 =	smov.u32 @p3 s2;
	p0 =	seq.s32 s7, $0x1;
	s7 =	sld [smem:$0x7A9]  }
0x21c: {  	s0 =	ssub.s32 @!p0 s5, s6;
	p0 =	seq.s32 s10, $0x1;
	s6 =	sld [smem:$0x7FB]  }
0x21d: {  	s10 =	sld [smem:$0x7EC];
	s2 =	spop @!p0 (v2sf);
	p0 =	seq.s32 s13, $0x1  }
0x21e: {  	p5 =	por p3, p3;
	s13 =	sld [smem:$0x7F0];
	p4 =	por @p3 p0, p0  }
0x21f: {  	p0 =	seq.s32 s28, $0x1;
	s28 =	sld [smem:$0x7AA];
	s5 =	simm.s32 @!p4 $0x0  }
0x220: {  	p3 =	por @p2 p0, p0;
	p6 =	seq.s32 s6, $0x1;
	s6 =	sld [smem:$0x7AB]  }
0x221: {  	p0 =	seq.s32 s7, $0x1;
	s7 =	sld [smem:$0x7B8];
	s5 =	simm.s32 @p4 $0x1  }
0x222: {  	p1 =	por @p6 p0, p0;
	p0 =	seq.s32 s10, $0x1;
	s10 =	sld [smem:$0x7AC]  }
0x223: {  	[smem:$0x7B4] =	sst s5;
	p1 =	por @!p6 p0, p0  }
0x224: {  	p0 =	seq.s32 s13, $0x1;
	s13 =	sld [smem:$0x7FB];
	s5 =	simm.s32 @!p1 $0x0  }
0x225: {  	p3 =	por @!p2 p0, p0;
	p0 =	seq.s32 s15, $0x1;
	s15 =	sld [smem:$0x7CE]  }
0x226: {  	s5 =	simm.s32 @p1 $0x1;
	p1 =	seq.s32 s28, $0x1;
	s28 =	sld [smem:$0x7BA]  }
0x227: {  	v16, _, _ =	vpop @!p0 (xrf0);
	p0 =	por p4, !p5;
	[smem:$0x7B6] =	sst s5;
	v6 =	vsub.s32 @!p1 v22, v6;
	p1 =	seq.s32 s7, $0x1  }
0x228: {  	s5 =	simm.s32 @!p3 $0x0;
	s17 =	smov.u32 @p1 s12;
	s12 =	sld [smem:$0x7B1]  }
0x229: {  	(v2sf) =	vpush @!p0 v16, $0xF;
	p0 =	seq.s32 s6, $0x1;
	s5 =	simm.s32 @p3 $0x1;
	s7 =	sld [smem:$0x7B6]  }
0x22a: {  	v16, _, _ =	vpop @!p0 (xrf0);
	p0 =	seq.s32 s10, $0x1;
	p3 =	seq.s32 s13, $0x1;
	s13 =	sld [smem:$0x7C2]  }
0x22b: {  	[smem:$0x7B0] =	sst s5;
	p4 =	por @p5 p0, p0  }
0x22c: {  	p6 =	seq.s32 s28, $0x1;
	s28 =	sld [smem:$0x7AE];
	s5 =	simm.s32 @!p4 $0x0  }
0x22d: {  	s10 =	sld [smem:$0x7B0];
	s5 =	simm.s32 @p4 $0x1;
	p0 =	seq.s32 s12, $0x1  }
0x22e: {  	[smem:$0x7BB] =	sst s5;
	s5 =	spop @!p0 (v2sf);
	p0 =	seq.s32 s15, $0x1  }
0x22f: {  	v17 =	vmov @p2 v6;
	p4 =	por !p4, !p5;
	s15 =	sld [smem:$0x7E2];
	v6, _, _ =	vpop @!p0 (xrf0);
	p0 =	por !p6, !p5  }
0x230: {  	p6 =	seq.s32 s7, $0x1;
	p5 =	seq.s32 s28, $0x1;
	s7 =	sld [smem:$0x7E9]  }
0x231: {  	s28 =	sld [smem:$0x7F9];
	s6 =	simm.s32 @!p0 $0x0;
	p6 =	por p6, !p3  }
0x232: {  	v12 =	vpsel p3, v16, v12;
	p3 =	seq.s32 s10, $0x1;
	s10 =	sld [smem:$0x7E3];
	s6 =	simm.s32 @p0 $0x1  }
0x233: {  	p0 =	por p3, !p2;
	(v2sf) =	vpush @!p6 v12, $0xF;
	p6 =	seq.s32 s13, $0x1;
	s13 =	sld [smem:$0x7AF]  }
0x234: {  	[smem:$0x7AD] =	sst s6;
	s6 =	simm.s32 @!p0 $0x0  }
0x235: {  	s6 =	simm.s32 @p0 $0x1;
	s12 =	sld [smem:$0x7AD]  }
0x236: {  	v11 =	vpsel p2, v13, v11;
	[smem:$0x7B3] =	sst s6;
	s6 =	sxor.u32 @!p0 $0x80000000, s5  }
0x237: {  	v5 =	vpsel p2, v11, v5;
	v13 =	vadd.s32 @!p6 s19, v6;
	v11 =	vmov @!p0 s6;
	s6 =	sld [smem:$0x7F8]  }
0x238: {  	vm0 =	vgt.s32 @!p6 v13, $0x12B;
	p3 =	seq.s32 s12, $0x1;
	s12 =	sld [smem:$0x7D9]  }
0x239: {  	vm1 =	veq.s32 @!p0 v11, v5;
	v5 =	vmctz.xlane @!p6 vm0;
	p6 =	seq.s32 s10, $0x1;
	s10 =	sld [smem:$0x7F6]  }
0x23a: {  	s0 =	smov.u32 @p3 s17;
	p3 =	seq.s32 s15, $0x1;
	s15 =	sld [smem:$0x7C2]  }
0x23b: {  	s17 =	smov.u32 @p4 s0;
	p5 =	por @!p1 p3, p3;
	p3 =	seq.s32 s7, $0x1  }
0x23c: {  	s0 =	smov.u32 @p1 s4;
	s4 =	smov.u32 s25;
	s7 =	sld [smem:$0x7DA]  }
0x23d: {  	p4 =	por @p1 p3, p3;
	p3 =	por @p1 p5, p5;
	s4 =	smov.u32 @p1 s0  }
0x23e: {  	p5 =	seq.s32 s13, $0x1;
	s13 =	sld [smem:$0x7DC];
	p4 =	por @!p1 p6, p6  }
0x23f: {  	p3 =	por p3, !p1;
	p6 =	seq.s32 s12, $0x1;
	s12 =	sld [smem:$0x7B0]  }
0x240: {  	v61 =	vpsel p2, v17, v14;
	s0 =	sadd.s32 @!p3 s4, s2;
	p3 =	seq.s32 s15, $0x1;
	s15 =	sld [smem:$0x7B1]  }
0x241: {  	v8 =	vpsel p2, v61, v8;
	p5 =	por @!p1 p6, p6;
	p6 =	seq.s32 s28, $0x1;
	s28 =	sld [smem:$0x7FB]  }
0x242: {  	v8 =	vnsel @!p0 vm1, $0x0, v8;
	p4 =	por @p1 p4, p4;
	s2 =	smov.u32 s25;
	s4 =	sld [smem:$0x7CE]  }
0x243: {  	(xrf0) =	vadd.scan.msk.s32 @!p0 $0xffff, v8;
	v5 =	vxor.u32 @!p3 $0x80000000, v5;
	s2 =	smov.u32 @p6 s3;
	p5 =	por @p1 p5, p5;
	p4 =	por !p4, !p1  }
0x244: {  	p6 =	por p3, p3;
	(xrf0) =	vmax.scan.msk.u32 @!p3 $0xffff, v5;
	s0 =	smov.u32 @p4 s2;
	p3 =	seq.s32 s6, $0x1  }
0x245: {  	p5 =	por @!p1 p0, p0;
	s6 =	sld [smem:$0x7DD];
	p0 =	por @p2 p3, p3  }
0x246: {  	s0 =	smov.u32 @p1 s0;
	p4 =	por !p5, !p1;
	p3 =	seq.s32 s7, $0x1  }
0x247: {  	s7 =	sld [smem:$0x7C7];
	s2 =	smov.u32 @p4 s0;
	p0 =	por @!p2 p3, p3  }
0x248: {  	p3 =	seq.s32 s10, $0x1;
	s10 =	sld [smem:$0x7B3];
	s0 =	simm.s32 @!p0 $0x0  }
0x249: {  	p4 =	seq.s32 s28, $0x1;
	s28 =	sld [smem:$0x7C9];
	s0 =	simm.s32 @p0 $0x1  }
0x24a: {  	p1 =	por p2, p2;
	[smem:$0x7B9] =	sst s0  }
0x24b: {  	p5 =	por @p2 p3, p3;
	s0 =	smov.u32 @p2 s16;
	s16 =	sld [smem:$0x7B2]  }
0x24c: {  	p2 =	seq.s32 s12, $0x1;
	p0 =	seq.s32 s10, $0x1;
	s12 =	sld [smem:$0x7B4]  }
0x24d: {  	s10 =	sld [smem:$0x7EE];
	p3 =	por @p1 p2, p2;
	p2 =	seq.s32 s13, $0x1  }
0x24e: {  	s13 =	sld [smem:$0x7B5];
	s3 =	simm.s32 @!p3 $0x0;
	p5 =	por @!p1 p2, p2  }
0x24f: {  	p2 =	seq.s32 s15, $0x1;
	s15 =	sld [smem:$0x7B6];
	s3 =	simm.s32 @p3 $0x1  }
0x250: {  	v5, _, _ =	vpop @!p2 (xrf0);
	p2 =	por p3, !p1;
	[smem:$0x7C5] =	sst s3  }
0x251: {  	p6 =	por p6, p6;
	s3 =	rddreg [dreg:$0x18];
	(v2sf) =	vpush @!p2 v5, $0xF;
	p2 =	seq.s32 s16, $0x1  }
0x252: {  	s16 =	sld [smem:$0x7B7];
	s3 =	smov.u32 @p1 s0;
	p3 =	por @p4 p2, p2  }
0x253: {  	p2 =	seq.s32 s4, $0x1;
	s0 =	smov.u32 @p1 s3;
	s3 =	simm.s32 @!p6 $0x0  }
0x254: {  	v5, _, _ =	vpop @!p2 (xrf0);
	p2 =	seq.s32 s6, $0x1;
	s6 =	sld [smem:$0x7B9];
	s3 =	simm.s32 @p6 $0x1  }
0x255: {  	p3 =	por @!p4 p2, p2;
	p2 =	seq.s32 s7, $0x1;
	s7 =	sld [smem:$0x7EA]  }
0x256: {  	(v2sf) =	vpush @!p6 v5, $0xF;
	v5 =	vpsel p4, v19, v9;
	p6 =	seq.s32 s16, $0x1;
	[smem:$0x7BF] =	sst s3;
	s3 =	simm.s32 @!p3 $0x0  }
0x257: {  	v5 =	vsub.s32 @!p6 v20, v5;
	p6 =	seq.s32 s28, $0x1;
	s28 =	sld [smem:$0x7BD];
	s3 =	simm.s32 @p3 $0x1  }
0x258: {  	[smem:$0x7C1] =	sst s3  }
0x259: {  	p5 =	por @p1 p5, p5;
	p3 =	seq.s32 s12, $0x1;
	s3 =	rddreg [dreg:$0x17]  }
0x25a: {  	s12 =	sld [smem:$0x7BA];
	p3 =	por @!p2 p0, p0;
	s3 =	smov.u32 @p1 s0  }
0x25b: {  	s0 =	smov.u32 s11;
	s3 =	ssub.s32 @!p0 s3, s5;
	s5 =	sld [smem:$0x7B8]  }
0x25c: {  	s0 =	smov.u32 @p2 s1;
	p0 =	seq.s32 s13, $0x1;
	s13 =	sld [smem:$0x7C7]  }
0x25d: {  	s1 =	spop @!p0 (v2sf);
	p0 =	por @p2 p3, p3;
	p3 =	por p4, p4  }
0x25e: {  	v62 =	vpsel p4, v18, v10;
	s0 =	smov.u32 @p2 s0;
	p4 =	seq.s32 s15, $0x1;
	p0 =	por p0, !p2  }
0x25f: {  	s15 =	sld [smem:$0x7BB];
	p4 =	por @p3 p4, p4;
	s1 =	sadd.s32 @!p0 s0, s1  }
0x260: {  	s0 =	smov.u32 s25;
	p4 =	por @!p3 p0, p0;
	p0 =	por p6, !p3  }
0x261: {  	p2 =	seq.s32 s5, $0x1;
	p6 =	por p1, p1;
	s4 =	simm.s32 @!p4 $0x0  }
0x262: {  	s0 =	smov.u32 @p2 s2;
	s2 =	spop @!p0 (v2sf);
	s4 =	simm.s32 @p4 $0x1  }
0x263: {  	p4 =	por p4, !p3;
	[smem:$0x7BE] =	sst s4;
	s4 =	simm.s32 @!p0 $0x0  }
0x264: {  	s4 =	simm.s32 @p0 $0x1;
	p0 =	seq.s32 s6, $0x1;
	s6 =	sld [smem:$0x7BF]  }
0x265: {  	[smem:$0x7C0] =	sst s4;
	p2 =	por @p1 p0, p0;
	p0 =	seq.s32 s7, $0x1  }
0x266: {  	s4 =	sxor.u32 @!p4 $0x80000000, s2;
	s7 =	sld [smem:$0x7CE];
	p2 =	por @!p1 p0, p0  }
0x267: {  	v63 =	vpsel p3, v5, v4;
	p0 =	seq.s32 s10, $0x1;
	v5 =	vmov @!p4 s4;
	s4 =	smov.u32 s25;
	s10 =	sld [smem:$0x7C0]  }
0x268: {  	p5 =	por @!p1 p0, p0;
	p0 =	seq.s32 s12, $0x1;
	s12 =	sld [smem:$0x7DB]  }
0x269: {  	s5 =	simm.s32 @!p2 $0x0;
	p1 =	seq.s32 s13, $0x1;
	s13 =	sld [smem:$0x7C1]  }
0x26a: {  	s5 =	simm.s32 @p2 $0x1;
	s4 =	smov.u32 @p1 s17;
	s17 =	sld [smem:$0x7F7]  }
0x26b: {  	p2 =	por @p1 p0, p0;
	[smem:$0x7BC] =	sst s5  }
0x26c: {  	s5 =	simm.s32 @!p5 $0x0;
	p2 =	por @!p1 p0, p0;
	p0 =	por p1, p1  }
0x26d: {  	p1 =	por p4, p4;
	s5 =	simm.s32 @p5 $0x1;
	s16 =	sld [smem:$0x7BC]  }
0x26e: {  	v3 =	vpsel p3, v62, v3;
	p5 =	por !p5, !p6;
	[smem:$0x7C4] =	sst s5;
	s5 =	simm.s32 @!p4 $0x0  }
0x26f: {  	v3 =	vpsel p3, v3, v0;
	s3 =	smov.u32 @p5 s4;
	p5 =	por p6, p6;
	s5 =	simm.s32 @p4 $0x1  }
0x270: {  	vm0 =	veq.s32 @!p4 v5, v3;
	p4 =	por p0, p0;
	p0 =	seq.s32 s15, $0x1;
	s15 =	sld [smem:$0x7ED]  }
0x271: {  	[smem:$0x7C3] =	sst s5;
	p0 =	por @!p4 p0, p0;
	p6 =	seq.s32 s16, $0x1  }
0x272: {  	p2 =	por @p4 p2, p2;
	s16 =	sld [smem:$0x7C2];
	p6 =	por @p5 p6, p6  }
0x273: {  	p0 =	por @p4 p0, p0;
	p2 =	por !p2, !p4;
	s5 =	simm.s32 @!p6 $0x0  }
0x274: {  	s1 =	smov.u32 @p2 s0;
	p0 =	por @!p4 p0, p0;
	p2 =	por !p6, !p5  }
0x275: {  	s5 =	simm.s32 @p6 $0x1;
	s4 =	smov.u32 @p2 s3;
	s1 =	smov.u32 @p4 s1  }
0x276: {  	p0 =	por !p0, !p4;
	p2 =	seq.s32 s17, $0x1;
	s17 =	sld [smem:$0x7EB]  }
0x277: {  	s0 =	smov.u32 @p0 s1;
	s1 =	smov.u32 @p3 s30;
	s30 =	sld [smem:$0x7BE]  }
0x278: {  	v4 =	vpsel p3, v63, v0;
	p6 =	por p3, p3;
	[smem:$0x7C8] =	sst s5  }
0x279: {  	v3 =	vnsel @!p1 vm0, $0x0, v4;
	p4 =	seq.s32 s6, $0x1;
	p0 =	por p2, !p5;
	s5 =	rddreg [dreg:$0x16]  }
0x27a: {  	(xrf0) =	vadd.scan.msk.s32 @!p1 $0xffff, v3;
	s3 =	spop @!p0 (v2sf);
	p0 =	seq.s32 s28, $0x1;
	p1 =	seq.s32 s30, $0x1  }
0x27b: {  	s5 =	smov.u32 @p3 s1;
	p0 =	por @p3 p0, p0;
	p3 =	por @p3 p1, p1  }
0x27c: {  	p2 =	seq.s32 s7, $0x1;
	s7 =	rddreg [dreg:$0x15];
	s1 =	simm.s32 @!p3 $0x0  }
0x27d: {  	s28 =	sld [smem:$0x7C3];
	p1 =	por p4, p4;
	s1 =	simm.s32 @p3 $0x1  }
0x27e: {  	[smem:$0x7CA] =	sst s1;
	s1 =	simm.s32 @!p1 $0x0  }
0x27f: {  	s9 =	smov.u32 @p6 s5;
	s30 =	sld [smem:$0x7C4];
	s1 =	simm.s32 @p1 $0x1  }
0x280: {  	s5 =	smov.u32 @p6 s9;
	[smem:$0x7CB] =	sst s1;
	s1 =	spop @!p2 (v2sf)  }
0x281: {  	p2 =	seq.s32 s10, $0x1;
	s6 =	sxor.u32 @!p1 $0x80000000, s1;
	s9 =	sld [smem:$0x7CB]  }
0x282: {  	v3, _, _ =	vpop @!p2 (xrf0);
	p2 =	por p3, !p6;
	p3 =	seq.s32 s12, $0x1;
	s12 =	sld [smem:$0x7C7]  }
0x283: {  	(v2sf) =	vpush @!p2 v3, $0xF;
	v3 =	vmov @!p1 s6;
	s6 =	smov.u32 @p5 s31;
	s31 =	sld [smem:$0x7C5]  }
0x284: {  	p2 =	seq.s32 s13, $0x1;
	s13 =	sld [smem:$0x7C8]  }
0x285: {  	p0 =	por @!p6 p3, p3;
	p3 =	seq.s32 s15, $0x1;
	s15 =	sld [smem:$0x7C9]  }
0x286: {  	p4 =	por @p6 p2, p2;
	p2 =	seq.s32 s16, $0x1;
	s7 =	smov.u32 @p5 s6  }
0x287: {  	p4 =	por @!p6 p3, p3;
	p3 =	por @p6 p0, p0;
	p0 =	seq.s32 s17, $0x1  }
0x288: {  	s6 =	smov.u32 s25;
	v4 =	vsub.s32 @!p2 v6, v7;
	p2 =	por p6, p6;
	p3 =	por @!p6 p0, p0  }
0x289: {  	p6 =	por @p6 p4, p4;
	s5 =	smov.u32 @p2 s5;
	p0 =	seq.s32 s28, $0x1  }
0x28a: {  	vm0 =	veq.s32 @!p1 v3, v15;
	s5 =	ssub.s32 @!p0 s5, s2;
	p0 =	por p5, p5;
	s2 =	smov.u32 s25  }
0x28b: {  	v3 =	vnsel @!p1 vm0, $0x0, v4;
	p6 =	por @!p2 p0, p0;
	s2 =	smov.u32 @p5 s4;
	s4 =	smov.u32 @p5 s7  }
0x28c: {  	s16 =	sld [smem:$0x7CA];
	(xrf0) =	vadd.scan.msk.s32 @!p1 $0xffff, v3;
	p1 =	por !p6, !p2;
	s6 =	smov.u32 @p5 s4  }
0x28d: {  	s5 =	smov.u32 @p1 s2;
	p1 =	por @p2 p3, p3;
	p3 =	seq.s32 s30, $0x1  }
0x28e: {  	s4 =	smov.u32 @p5 s6;
	p4 =	por @p5 p3, p3;
	p3 =	seq.s32 s31, $0x1  }
0x28f: {  	p1 =	por @!p2 p0, p0;
	s4 =	smov.u32 @p5 s4;
	p3 =	por @!p5 p0, p0  }
0x290: {  	p4 =	por @!p5 p0, p0;
	p5 =	por @p2 p1, p1;
	p1 =	por @p0 p3, p3  }
0x291: {  	s17 =	sld [smem:$0x7CB];
	p1 =	por p1, !p0  }
0x292: {  	s28 =	sld [smem:$0x7CC];
	s6 =	simm.s32 @!p1 $0x0  }
0x293: {  	s7 =	sld [smem:$0x7CE];
	s6 =	simm.s32 @p1 $0x1  }
0x294: {  	[smem:$0x7C6] =	sst s6  }
0x295: {  	s10 =	sld [smem:$0x7C6]  }
0x296: {  	s30 =	sld [smem:$0x7CD];
	p3 =	por p0, p0;
	p0 =	seq.s32 s7, $0x1  }
0x297: {  	s31 =	sld [smem:$0x7CE];
	v3, _, _ =	vpop @!p0 (xrf0);
	p0 =	por !p5, !p2  }
0x298: {  	p1 =	seq.s32 s9, $0x1;
	s2 =	smov.u32 @p0 s5;
	p0 =	seq.s32 s10, $0x1  }
0x299: {  	p1 =	por p1, p1;
	s3 =	sadd.s32 @!p0 s4, s3;
	p0 =	por @p3 p4, p4  }
0x29a: {  	(v2sf) =	vpush @!p1 v3, $0xF;
	s4 =	smov.u32 s25;
	p4 =	por p1, p1;
	p1 =	seq.s32 s12, $0x1  }
0x29b: {  	s5 =	smov.u32 s25;
	s4 =	smov.u32 @p1 s0;
	p1 =	seq.s32 s13, $0x1  }
0x29c: {  	s0 =	smov.u32 @p2 s8;
	p1 =	por @!p3 p0, p0;
	p0 =	por !p0, !p3  }
0x29d: {  	s11 =	smov.u32 @p2 s0;
	s3 =	smov.u32 @p0 s4;
	p0 =	por @p3 p1, p1  }
0x29e: {  	p1 =	seq.s32 s15, $0x1;
	p0 =	por @!p3 p0, p0;
	s0 =	smov.u32 @p3 s3  }
0x29f: {  	p1 =	por p1, !p2;
	s3 =	smov.u32 @p2 s11;
	p0 =	por !p0, !p3  }
0x2a0: {  	s4 =	smov.u32 @p0 s0;
	s0 =	spop @!p1 (v2sf);
	p1 =	seq.s32 s16, $0x1  }
0x2a1: {  	s5 =	smov.u32 @p2 s2;
	s3 =	smov.u32 @p2 s3;
	p1 =	por @!p2 p0, p0  }
0x2a2: {  	s3 =	smov.u32 @p2 s3;
	p0 =	por @p2 p6, p6;
	p1 =	por @p2 p1, p1  }
0x2a3: {  	p6 =	seq.s32 s30, $0x1;
	p0 =	por @!p2 p0, p0;
	p1 =	por p1, !p2  }
0x2a4: {  	p5 =	por @!p2 p0, p0;
	p0 =	por @p2 p0, p0;
	s0 =	sadd.s32 @!p1 s3, s0  }
0x2a5: {  	s3 =	smov.u32 s25;
	p1 =	por @p2 p5, p5;
	p0 =	por !p0, !p2  }
0x2a6: {  	p5 =	seq.s32 s28, $0x1;
	s3 =	smov.u32 @p3 s4;
	p3 =	seq.s32 s17, $0x1  }
0x2a7: {  	p1 =	por @!p2 p0, p0;
	s0 =	smov.u32 @p0 s3;
	p0 =	por !p6, p5  }
0x2a8: {  	s4 =	ssub.s32 @!p3 s14, s1;
	p1 =	por !p1, !p2;
	p0 =	por p0, p0  }
0x2a9: {  	p3 =	seq.s32 s31, $0x1;
	s0 =	smov.u32 @p2 s0;
	p0 =	por p0, p0  }
0x2aa: {  	s3 =	smov.u32 @p1 s0;
	s0 =	spop @!p3 (v2sf);
	p0 =	por p0, p0  }
0x2ab: {  	p3 =	por p4, p4;
	s25 =	smov.u32 @p2 s3;
	p6 =	por p0, p0  }
0x2ac: {  	s2 =	sadd.s32 @!p3 s19, s0;
	s1 =	smov.u32 s25;
	p2 =	por p6, p6  }
0x2ad: {  	s1 =	smov.u32 @p2 s2;
	s2 =	simm.s32 $0x8D40  }
0x2ae: {  	[tilespmem:s2+$0xFFFFFFC0] =	vst v0  }
0x2af: {  	p5 =	por p5, p5;
	[tilespmem:s2+$0x30] =	vst v0  }
0x2b0: {  	p1 =	por p5, p5;
	[tilespmem:s2+$0x20] =	vst v0  }
0x2b1: {  	p1 =	por p1, p1;
	[tilespmem:s2+$0x10] =	vst v0  }
0x2b2: {  	s0 =	smov.u32 s5;
	p1 =	por p1, p1;
	[tilespmem:s2+$0x0] =	vst v0  }
0x2b3: {  	s17 =	simm.s32 $0x9D00;
	s0 =	smov.u32 @p0 s4;
	p0 =	por p1, p1;
	[tilespmem:s2+$0xFFFFFFF0] =	vst v0  }
0x2b4: {  	s3 =	simm.s32 $0x0;
	s0 =	smov.u32 @p1 s5;
	s1 =	smov.u32 @p0 s25;
	[tilespmem:s2+$0xFFFFFFE0] =	vst v0  }
.LBB2_24:
0x2b5: {  	s3 =	sadd.s32 $0x8, s3;
	[tilespmem:s2+$0xFFFFFFD0] =	vst v0;
	s2 =	sadd.s32 $0x80, s2  }
0x2b6: {  	[tilespmem:s2+$0xFFFFFFC0] =	vst v0;
	p0 =	slt.u32 s3, $0xF8  }
0x2b7: {  	[tilespmem:s2+$0x30] =	vst v0  }
.Ltmp13:
0x2b8: {  	[tilespmem:s2+$0x20] =	vst v0;
	(pc) =	sbr.rel @p0 .LBB2_24-.Ltmp13, $4  }
0x2b9: {  	[tilespmem:s2+$0x10] =	vst v0  }
0x2ba: {  	[tilespmem:s2+$0x0] =	vst v0  }
0x2bb: {  	[tilespmem:s2+$0xFFFFFFF0] =	vst v0  }
0x2bc: {  	[tilespmem:s2+$0xFFFFFFE0] =	vst v0  }
0x2bd: {  	[tilespmem:s2+$0xFFFFFFD0] =	vst v0;
	s31 =	simm.s32 $0x40  }
0x2be: {  	v4 =	vld [tilespmem:s31+$0xFFFFFFC0]  }
0x2bf: {  	v6 =	vld [tilespmem:s31+$0xFFFFFFE0];
	_ =	sdelay $0x2  }
0x2c0: {  	v8 =	vld [tilespmem:s31+$0xFFFFFFF0]  }
0x2c1: {  	v3 =	vmov s0;
	v10 =	vld [tilespmem:s31+$0x20];
	v5 =	vshrl.u32 v4, $0x14  }
0x2c2: {  	v4 =	vshrl.u32 v4, $0x8;
	v7 =	vshrl.u32 v6, $0x14;
	vm3 =	veq.s32 v5, v3  }
0x2c3: {  	v12 =	vld [tilespmem:s31+$0x30];
	v6 =	vshrl.u32 v6, $0x8;
	v11 =	vand.u32 $0xFFF, v4;
	vm2 =	veq.s32 v7, v3  }
0x2c4: {  	v4 =	vld [tilespmem:s31+$0xFFFFFFD0];
	v7 =	vand.u32 $0xFFF, v6;
	_ =	sdelay $0x1  }
0x2c5: {  	v13 =	vshrl.u32 v10, $0x14;
	v5 =	vshrl.u32 v8, $0x8;
	v6 =	vshrl.u32 v8, $0x14;
	v8 =	vld [tilespmem:s31+$0x10]  }
0x2c6: {  	v9 =	vld [tilespmem:s31+$0x0];
	vm1 =	veq.s32 v13, v3;
	vm0 =	veq.s32 v6, v3;
	v6 =	vshrl.u32 v10, $0x8  }
0x2c7: {  	s2 =	simm.s32 $0x0;
	s3 =	simm.s32 $0xC0;
	v10 =	vshrl.u32 v12, $0x8;
	v6 =	vand.u32 $0xFFF, v6;
	[tilespmem:v11+s18+$0x0] =	vst.idx.add.s32.msk vm3, v1;
	v11 =	vshrl.u32 v12, $0x14  }
.LBB2_26:
0x2c8: {  	s2 =	sadd.s32 $0x8, s2;
	v12 =	vshrl.u32 v4, $0x14;
	[tilespmem:v7+s18+$0x0] =	vst.idx.add.s32.msk vm2, v1;
	vm3 =	veq.s32 v11, v3  }
0x2c9: {  	v4 =	vshrl.u32 v4, $0x8;
	v7 =	vand.u32 $0xFFF, v5;
	v11 =	vld [tilespmem:s3+$0xFFFFFFF0];
	p0 =	slt.u32 s2, $0x8C0;
	vm4 =	veq.s32 v12, v3  }
0x2ca: {  	v10 =	vand.u32 $0xFFF, v10;
	v13 =	vand.u32 $0xFFF, v4;
	v12 =	vld [tilespmem:s3+$0xFFFFFFE0];
	v4 =	vshrl.u32 v8, $0x14  }
0x2cb: {  	v14 =	vld [tilespmem:s3+$0xFFFFFFC0];
	v5 =	vshrl.u32 v9, $0x14;
	vm5 =	veq.s32 v4, v3;
	v4 =	vshrl.u32 v8, $0x8  }
0x2cc: {  	v15 =	vld [tilespmem:s3+$0x30];
	vm6 =	veq.s32 v5, v3;
	v5 =	vshrl.u32 v9, $0x8;
	v8 =	vand.u32 $0xFFF, v4  }
0x2cd: {  	v16 =	vld [tilespmem:s3+$0x20];
	v9 =	vand.u32 $0xFFF, v5  }
0x2ce: {  	v4 =	vld [tilespmem:s3+$0xFFFFFFD0];
	v5 =	vshrl.u32 v11, $0x8  }
0x2cf: {  	[tilespmem:v7+s18+$0x0] =	vst.idx.add.s32.msk vm0, v1  }
0x2d0: {  	v17 =	vshrl.u32 v12, $0x14;
	v12 =	vshrl.u32 v12, $0x8;
	v7 =	vshrl.u32 v14, $0x14;
	[tilespmem:v6+s18+$0x0] =	vst.idx.add.s32.msk vm1, v1  }
0x2d1: {  	v6 =	vshrl.u32 v14, $0x8;
	vm2 =	veq.s32 v17, v3;
	vm7 =	veq.s32 v7, v3;
	[tilespmem:v8+s18+$0x0] =	vst.idx.add.s32.msk vm5, v1  }
0x2d2: {  	v6 =	vand.u32 $0xFFF, v6;
	v7 =	vand.u32 $0xFFF, v12;
	[tilespmem:v9+s18+$0x0] =	vst.idx.add.s32.msk vm6, v1  }
.Ltmp14:
0x2d3: {  	v8 =	vshrl.u32 v11, $0x14;
	[tilespmem:v10+s18+$0x0] =	vst.idx.add.s32.msk vm3, v1;
	(pc) =	sbr.rel @p0 .LBB2_26-.Ltmp14, $4  }
0x2d4: {  	vm0 =	veq.s32 v8, v3;
	[tilespmem:v13+s18+$0x0] =	vst.idx.add.s32.msk vm4, v1  }
0x2d5: {  	v10 =	vshrl.u32 v16, $0x14;
	v8 =	vld [tilespmem:s3+$0x10]  }
0x2d6: {  	vm1 =	veq.s32 v10, v3;
	v10 =	vshrl.u32 v16, $0x8;
	v9 =	vld [tilespmem:s3+$0x0]  }
0x2d7: {  	v11 =	vshrl.u32 v15, $0x14;
	s3 =	sadd.s32 $0x80, s3;
	[tilespmem:v6+s18+$0x0] =	vst.idx.add.s32.msk vm7, v1;
	v6 =	vand.u32 $0xFFF, v10;
	v10 =	vshrl.u32 v15, $0x8  }
0x2d8: {  	_ = 	snop  }
0x2d9: {  	v5 =	vand.u32 $0xFFF, v5;
	v62 =	vshrl.u32 v4, $0x14  }
0x2da: {  	vm5 =	veq.s32 v11, v3;
	v4 =	vshrl.u32 v4, $0x8;
	v63 =	vand.u32 $0xFFF, v10  }
0x2db: {  	vm15 =	veq.s32 v62, v3;
	v4 =	vand.u32 $0xFFF, v4;
	v12 =	vshrl.u32 v8, $0x14  }
0x2dc: {  	v60 =	vshrl.u32 v8, $0x8;
	vm3 =	veq.s32 v12, v3;
	v59 =	vshrl.u32 v9, $0x14  }
0x2dd: {  	[tilespmem:v7+s18+$0x0] =	vst.idx.add.s32.msk vm2, v1;
	v61 =	vshrl.u32 v9, $0x8;
	v8 =	vand.u32 $0xFFF, v60;
	vm4 =	veq.s32 v59, v3  }
0x2de: {  	[tilespmem:v6+s18+$0x0] =	vst.idx.add.s32.msk vm1, v1;
	v9 =	vand.u32 $0xFFF, v61  }
0x2df: {  	[tilespmem:v5+s18+$0x0] =	vst.idx.add.s32.msk vm0, v1  }
0x2e0: {  	[tilespmem:v63+s18+$0x0] =	vst.idx.add.s32.msk vm5, v1  }
0x2e1: {  	[tilespmem:v4+s18+$0x0] =	vst.idx.add.s32.msk vm15, v1  }
0x2e2: {  	[tilespmem:v8+s18+$0x0] =	vst.idx.add.s32.msk vm3, v1  }
0x2e3: {  	s2 =	simm.s32 $0x0;
	[tilespmem:v9+s18+$0x0] =	vst.idx.add.s32.msk vm4, v1  }
.LBB2_28:
0x2e4: {  	s3 =	sshra.s32 s2, $0x2  }
0x2e5: {  	v4 =	vld [tilespmem:s3+$0x8C80];
	_ =	sdelay $0x4  }
0x2e6: {  	v5 =	vshrl.u32 v4, $0x14  }
0x2e7: {  	v4 =	vshrl.u32 v4, $0x8;
	vm0 =	veq.s32 v5, v3  }
0x2e8: {  	p0 =	sne.s32 s2, $0x40;
	v4 =	vand.u32 $0xFFF, v4  }
.Ltmp15:
0x2e9: {  	_ = 	snop;
	(pc) =	sbr.rel @p0 .LBB2_28-.Ltmp15, $2  }
0x2ea: {  	_ =	sdelay $0x2  }
0x2eb: {  	s2 =	sadd.s32 $0x40, s2;
	[tilespmem:v4+s18+$0x0] =	vst.idx.add.s32.msk vm0, v1  }
0x2ec: {  	[bflag:$0x0] =	sbarrier.arrive $0xFFFF  }
0x2ed: {  	[spmem:s22] =	stream.strided.scatter [tilespmem:s18], [sflag:$0x1], $0x1000, s29, s24, $0x38;
	[tilespmem:$0xC600] =	vst v63  }
0x2ee: {  	_ =	swait.ge [sflag:s26], $0x1000  }
0x2ef: {  	[sflag:s26] =	ssyncset.done $0x0  }
0x2f0: {  	[sflag:s26] =	ssyncadd.s32 $0xFFFFF000  }
0x2f1: {  	[bflag:$0x0] =	sbarrier.arrive $0xFFFF  }
0x2f2: {  	[tilespmem:s17], [sflag:$0x1] =	stream.strided.gather [spmem:s23], $0x1000, s29, s24, $0x38;
	[tilespmem:$0xC600] =	vst v63  }
0x2f3: {  	_ =	swait.ge [sflag:s26], $0x1000  }
0x2f4: {  	[sflag:s26] =	ssyncset.done $0x0  }
0x2f5: {  	s2 =	simm.s32 $0x9CF0;
	[sflag:s26] =	ssyncadd.s32 $0xFFFFF000  }
0x2f6: {  	s3 =	simm.s32 $0xACF0;
	v3 =	vld [tilespmem:s2+$0x0]  }
0x2f7: {  	v4 =	vld [tilespmem:s3+$0x0];
	_ =	sdelay $0x4  }
0x2f8: {  	v3 =	vadd.s32 v3, v4  }
0x2f9: {  	(xrf0) =	vadd.scan.msk.s32 $0xffff, v3;
	_ =	sdelay $0x5  }
0x2fa: {  	v4, _, _ =	vpop (xrf0)  }
0x2fb: {  	(v2sf) =	vpush v4, $0xF;
	_ =	sdelay $0x4  }
0x2fc: {  	s25 =	simm.s32 $0xACE0  }
0x2fd: {  	s19 =	simm.s32 $0x9CE0;
	v5 =	vld [tilespmem:s25+$0x0]  }
0x2fe: {  	v4 =	vld [tilespmem:s19+$0x0];
	_ =	sdelay $0x4  }
0x2ff: {  	v4 =	vadd.s32 v4, v5  }
0x300: {  	(xrf0) =	vadd.scan.msk.s32 $0xffff, v4;
	_ =	sdelay $0x1  }
0x301: {  	s28 =	spop (v2sf)  }
0x302: {  	p0 =	por $0x0, $0x0;
	s31 =	simm.s32 $0xACD0;
	s2 =	sadd.s32 s1, s28  }
0x303: {  	s30 =	simm.s32 $0x9CD0;
	v6 =	vld [tilespmem:s31+$0x0];
	p1 =	slt.s32 @!p0 s2, $0x12C  }
0x304: {  	v5 =	vld [tilespmem:s30+$0x0];
	p2 =	por p1, p0  }
0x305: {  	v8, _, _ =	vpop (xrf0);
	v7 =	vlaneseq.u32 @!p2  }
0x306: {  	(v2sf) =	vpush v8, $0xF;
	v7 =	vmul.u32 @!p2 $0xFFFFFFFF, v7;
	_ =	sdelay $0x1  }
0x307: {  	v7 =	vadd.s32 @!p2 $0xF, v7  }
0x308: {  	v5 =	vadd.s32 v5, v6;
	v3 =	vperm.xlane @!p2 v3, v7  }
0x309: {  	(xrf0) =	vadd.scan.msk.s32 $0xffff, v5  }
0x30a: {  	(xrf0) =	vadd.scan.msk.s32 @!p2 $0xffff, v3;
	_ =	sdelay $0x4  }
0x30b: {  	p3 =	por $0x0, $0x0;
	s5 =	simm.s32 $0xACC0;
	v6, _, _ =	vpop (xrf0)  }
0x30c: {  	s4 =	simm.s32 $0x9CC0;
	p1 =	por !p1, p3;
	p0 =	por p2, p2;
	v7 =	vld [tilespmem:s5+$0x0];
	v8, _, _ =	vpop @!p2 (xrf0)  }
0x30d: {  	v3 =	vld [tilespmem:s4+$0x0];
	v8 =	vadd.s32 @!p0 s1, v8;
	s1 =	simm.s32 @!p1 $0x0  }
0x30e: {  	s3 =	simm.s32 $0x0;
	(v2sf) =	vpush v6, $0xF;
	s1 =	simm.s32 @p1 $0x1  }
0x30f: {  	s3 =	simm.s32 @p1 $0x1;
	[smem:$0x790] =	sst s1;
	s1 =	simm.s32 $0x0  }
0x310: {  	s4 =	spop (v2sf);
	vm0 =	vgt.s32 @!p0 v8, $0x12B;
	s3 =	smov.u32 @p3 s1  }
0x311: {  	s11 =	sadd.s32 s2, s4;
	v8 =	vmctz.xlane @!p0 vm0;
	p5 =	sne.s32 s3, $0x0  }
0x312: {  	v7 =	vadd.s32 v3, v7;
	p1 =	slt.s32 @!p5 s11, $0x12C  }
0x313: {  	(xrf0) =	vadd.scan.msk.s32 $0xffff, v7;
	v3 =	vxor.u32 @!p0 $0x80000000, v8;
	p4 =	por p1, p5  }
0x314: {  	(xrf0) =	vmax.scan.msk.u32 @!p0 $0xffff, v3;
	v3 =	vlaneseq.u32 @!p4  }
0x315: {  	v3 =	vmul.u32 @!p4 $0xFFFFFFFF, v3;
	_ =	sdelay $0x1  }
0x316: {  	v3 =	vadd.s32 @!p4 $0xF, v3  }
0x317: {  	p3 =	por p0, p0;
	p0 =	por !p1, p5;
	v3 =	vperm.xlane @!p4 v4, v3  }
0x318: {  	s4 =	simm.s32 @!p0 $0x0  }
0x319: {  	v6, _, _ =	vpop (xrf0);
	s4 =	simm.s32 @p0 $0x1;
	(xrf0) =	vadd.scan.msk.s32 @!p4 $0xffff, v3  }
0x31a: {  	(v2sf) =	vpush v6, $0xF;
	[smem:$0x793] =	sst s4;
	s4 =	smov.u32 s3;
	v6, _, _ =	vpop @!p2 (xrf0)  }
0x31b: {  	s6 =	simm.s32 $0x9CB0;
	s8 =	simm.s32 $0xACB0;
	s4 =	simm.s32 @p0 $0x1;
	(v2sf) =	vpush @!p3 v6, $0xF  }
0x31c: {  	s7 =	spop (v2sf);
	s5 =	simm.s32 @!p5 $0x0;
	s4 =	smov.u32 @p5 s3  }
0x31d: {  	s7 =	sadd.s32 s11, s7;
	s5 =	simm.s32 @p5 $0x1;
	v4 =	vld [tilespmem:s8+$0x0];
	p5 =	sne.s32 s4, $0x0  }
0x31e: {  	v3 =	vld [tilespmem:s6+$0x0];
	p6 =	slt.s32 @!p5 s7, $0x12C  }
0x31f: {  	p0 =	por p4, p4;
	p1 =	por p6, p5;
	v6, _, _ =	vpop @!p4 (xrf0)  }
0x320: {  	v8 =	vlaneseq.u32 @!p1;
	v6 =	vadd.s32 @!p0 s2, v6  }
0x321: {  	v8 =	vmul.u32 @!p1 $0xFFFFFFFF, v8;
	vm0 =	vgt.s32 @!p0 v6, $0x12B  }
0x322: {  	v6 =	vmctz.xlane @!p0 vm0  }
0x323: {  	v3 =	vadd.s32 v3, v4;
	v4 =	vadd.s32 @!p1 $0xF, v8  }
0x324: {  	(xrf0) =	vadd.scan.msk.s32 $0xffff, v3;
	v4 =	vperm.xlane @!p1 v5, v4;
	v5 =	vxor.u32 @!p0 $0x80000000, v6  }
0x325: {  	s14 =	sld [smem:$0x790];
	(xrf0) =	vmax.scan.msk.u32 @!p0 $0xffff, v5  }
0x326: {  	s10 =	simm.s32 $0x9CA0;
	[smem:$0x792] =	sst s5  }
0x327: {  	s12 =	simm.s32 $0xACA0;
	s15 =	sld [smem:$0x792];
	s3 =	simm.s32 @!p0 $0x0  }
0x328: {  	s16 =	sld [smem:$0x793];
	s8 =	simm.s32 $0x0;
	s3 =	simm.s32 @p0 $0x1  }
0x329: {  	s13 =	smov.u32 s4;
	s2 =	simm.s32 @!p4 $0x0;
	s9 =	spop (v2sf)  }
0x32a: {  	[smem:$0x799] =	sst s3;
	s2 =	simm.s32 @p4 $0x1;
	(xrf0) =	vadd.scan.msk.s32 @!p1 $0xffff, v4;
	v4, _, _ =	vpop (xrf0);
	s3 =	spop @!p2 (v2sf)  }
0x32b: {  	p2 =	por p3, p3;
	p3 =	seq.s32 s14, $0x1;
	v8, _, _ =	vpop @!p4 (xrf0);
	p4 =	por $0x0, $0x0  }
0x32c: {  	s6 =	simm.s32 $0xFF0;
	p3 =	por p3, p3;
	p4 =	por p4, p4  }
0x32d: {  	p0 =	por p3, p3;
	p3 =	por !p6, p5;
	p4 =	por p4, p4  }
0x32e: {  	s28 =	sld [smem:$0x799];
	s5 =	simm.s32 @!p3 $0x0;
	s14 =	simm.s32 @!p4 $0x0  }
0x32f: {  	s13 =	simm.s32 @p3 $0x1;
	s14 =	simm.s32 @p4 $0x1;
	p4 =	seq.s32 s15, $0x1  }
0x330: {  	s5 =	simm.s32 @p3 $0x1;
	p3 =	por p1, p1;
	v9, _, _ =	vpop @!p1 (xrf0);
	p4 =	por p4, p4  }
0x331: {  	s9 =	sadd.s32 s7, s9;
	v9 =	vadd.s32 @!p3 s11, v9;
	[smem:$0x794] =	sst s14;
	s11 =	simm.s32 @!p4 $0x0  }
0x332: {  	s19 =	sld [smem:$0x794];
	s11 =	simm.s32 @p4 $0x1;
	p4 =	seq.s32 s16, $0x1  }
0x333: {  	[smem:$0x791] =	sst s2;
	s2 =	simm.s32 $0xFB0;
	p4 =	por p4, p4  }
0x334: {  	s3 =	sxor.u32 @!p2 $0x7FFFFFFF, s3;
	[smem:$0x796] =	sst s11;
	s11 =	simm.s32 @!p4 $0x0  }
0x335: {  	s25 =	sld [smem:$0x796];
	s11 =	simm.s32 @p4 $0x1;
	p4 =	seq.s32 s19, $0x1  }
0x336: {  	s3 =	sadd.s32 @!p2 $0x1000, s3;
	p0 =	por p0, p0;
	p4 =	por p4, p4  }
0x337: {  	s8 =	smov.u32 @p0 s3;
	[smem:$0x79C] =	sst s11;
	s11 =	simm.s32 @!p4 $0x0  }
0x338: {  	s13 =	smov.u32 @p5 s4;
	s11 =	simm.s32 @p4 $0x1;
	p4 =	seq.s32 s25, $0x1  }
0x339: {  	[smem:$0x79E] =	sst s5;
	p2 =	sne.s32 s13, $0x0;
	p4 =	por p4, p4  }
0x33a: {  	p6 =	slt.s32 @!p2 s9, $0x12C;
	[smem:$0x795] =	sst s11;
	s11 =	simm.s32 @!p4 $0x0  }
0x33b: {  	s31 =	sld [smem:$0x79E];
	s11 =	simm.s32 @p4 $0x1;
	p4 =	por p5, p5  }
0x33c: {  	p0 =	por p6, p2;
	s30 =	sld [smem:$0x79C];
	s15 =	simm.s32 @!p4 $0x0  }
0x33d: {  	p6 =	por !p6, p2;
	[smem:$0x797] =	sst s11;
	s15 =	simm.s32 @p4 $0x1  }
0x33e: {  	p5 =	seq.s32 s28, $0x1;
	[smem:$0x798] =	sst s15;
	s15 =	simm.s32 @!p6 $0x0  }
0x33f: {  	v6 =	vld [tilespmem:s12+$0x0];
	s11 =	smov.u32 s13;
	p4 =	por p5, p5;
	s15 =	simm.s32 @p6 $0x1  }
0x340: {  	v5 =	vld [tilespmem:s10+$0x0];
	(v2sf) =	vpush v4, $0xF;
	p5 =	seq.s32 s30, $0x1;
	[smem:$0x79A] =	sst s15;
	s15 =	simm.s32 @!p4 $0x0  }
0x341: {  	s11 =	simm.s32 @p6 $0x1;
	(v2sf) =	vpush @!p4 v8, $0xF;
	s15 =	simm.s32 @p4 $0x1;
	p4 =	por p5, p5  }
0x342: {  	v10 =	vlaneseq.u32 @!p0;
	p6 =	seq.s32 s31, $0x1;
	[smem:$0x79B] =	sst s15;
	s15 =	simm.s32 @!p4 $0x0  }
0x343: {  	s4 =	simm.s32 $0xFD0;
	vm0 =	vgt.s32 @!p3 v9, $0x12B;
	v10 =	vmul.u32 @!p0 $0xFFFFFFFF, v10;
	s15 =	simm.s32 @p4 $0x1;
	p4 =	por p6, p6  }
0x344: {  	s3 =	simm.s32 $0xFC0;
	v9 =	vmctz.xlane @!p3 vm0;
	[smem:$0x79D] =	sst s15;
	s15 =	simm.s32 @!p4 $0x0  }
0x345: {  	v4 =	vadd.s32 v5, v6;
	s5 =	simm.s32 $0xFE0;
	s14 =	simm.s32 $0xFA0;
	v5 =	vadd.s32 @!p0 $0xF, v10;
	s15 =	simm.s32 @p4 $0x1  }
0x346: {  	(xrf0) =	vadd.scan.msk.s32 $0xffff, v4;
	v6 =	vxor.u32 @!p3 $0x80000000, v9;
	v5 =	vperm.xlane @!p0 v7, v5;
	s11 =	smov.u32 @p2 s13;
	s13 =	smov.u32 s9;
	[smem:$0x79F] =	sst s15  }
.LBB2_30:
0x347: {  	s15 =	sld [smem:$0x791]  }
0x348: {  	s31 =	sld [smem:$0x795]  }
0x349: {  	s19 =	sld [smem:$0x797]  }
0x34a: {  	s25 =	sld [smem:$0x798]  }
0x34b: {  	s10 =	sadd.s32 $0xFFFFFFF0, s10;
	s28 =	sld [smem:$0x79B];
	p4 =	seq.s32 s15, $0x1  }
0x34c: {  	s30 =	sld [smem:$0x79D];
	p6 =	seq.s32 s19, $0x1;
	s15 =	simm.s32 @!p4 $0x0  }
0x34d: {  	p5 =	por p6, p6;
	p6 =	seq.s32 s25, $0x1;
	s15 =	simm.s32 @p4 $0x1  }
0x34e: {  	p4 =	por p0, p0;
	p0 =	seq.s32 s31, $0x1;
	[smem:$0x78D] =	sst s15  }
0x34f: {  	s15 =	smov.u32 s1;
	s1 =	smov.u32 s8;
	s8 =	simm.s32 @!p5 $0x0  }
0x350: {  	s1 =	smov.u32 @p0 s15;
	s8 =	simm.s32 @p5 $0x1;
	p5 =	por p6, p6  }
0x351: {  	s15 =	smov.u32 s2;
	[smem:$0x795] =	sst s8;
	s8 =	simm.s32 @!p5 $0x0  }
0x352: {  	s2 =	smov.u32 s14;
	p0 =	por p2, p2;
	s8 =	simm.s32 @p5 $0x1  }
0x353: {  	s14 =	sadd.s32 $0xFFFFFFF0, s14;
	[smem:$0x797] =	sst s8;
	s8 =	simm.s32 @!p0 $0x0  }
0x354: {  	s31 =	sld [smem:$0x79F];
	s8 =	simm.s32 @p0 $0x1;
	p0 =	sne.s32 s14, $0x0  }
0x355: {  	s12 =	sadd.s32 $0xFFFFFFF0, s12;
	[smem:$0x798] =	sst s8;
	s8 =	simm.s32 @!p0 $0x0  }
0x356: {  	s25 =	spop (v2sf);
	s8 =	simm.s32 @p0 $0x1;
	p0 =	seq.s32 s30, $0x1  }
0x357: {  	s19 =	sld [smem:$0x79A];
	s9 =	sadd.s32 s9, s25;
	p2 =	por p0, p0  }
0x358: {  	[smem:$0x78F] =	sst s8;
	p0 =	seq.s32 s31, $0x1;
	s8 =	simm.s32 @!p2 $0x0  }
0x359: {  	p5 =	seq.s32 s28, $0x1;
	s8 =	simm.s32 @p2 $0x1;
	p2 =	por p0, p0  }
0x35a: {  	p0 =	seq.s32 s19, $0x1;
	[smem:$0x78E] =	sst s8;
	s8 =	simm.s32 @!p2 $0x0  }
0x35b: {  	(xrf0) =	vmax.scan.msk.u32 @!p3 $0xffff, v6;
	s28 =	sld [smem:$0x78D];
	s8 =	simm.s32 @p2 $0x1;
	p2 =	por p0, p0  }
0x35c: {  	p6 =	por p5, p5;
	[smem:$0x79D] =	sst s8;
	s8 =	simm.s32 @!p2 $0x0  }
0x35d: {  	p5 =	por p3, p3;
	s31 =	sld [smem:$0x78F];
	s8 =	simm.s32 @p2 $0x1  }
0x35e: {  	p3 =	por p4, p4;
	[smem:$0x79F] =	sst s8;
	s8 =	simm.s32 @!p1 $0x0  }
0x35f: {  	s30 =	sld [smem:$0x78E];
	p2 =	sne.s32 s11, $0x0;
	s8 =	simm.s32 @p1 $0x1  }
0x360: {  	v7, _, _ =	vpop (xrf0);
	p0 =	slt.s32 @!p2 s9, $0x12C;
	[smem:$0x791] =	sst s8;
	s8 =	simm.s32 @!p5 $0x0  }
0x361: {  	v6 =	vld [tilespmem:s10+$0x0];
	(xrf0) =	vadd.scan.msk.s32 @!p4 $0xffff, v5;
	(v2sf) =	vpush v7, $0xF;
	v7, _, _ =	vpop @!p1 (xrf0);
	p1 =	por p4, p4;
	p4 =	por !p0, p2;
	s8 =	simm.s32 @p5 $0x1  }
0x362: {  	s16 =	smov.u32 s11;
	v5 =	vld [tilespmem:s12+$0x0];
	[smem:$0x79B] =	sst s8;
	s8 =	simm.s32 @!p4 $0x0  }
0x363: {  	s11 =	simm.s32 @p4 $0x1;
	s8 =	simm.s32 @p4 $0x1;
	p4 =	seq.s32 s28, $0x1  }
0x364: {  	[smem:$0x79A] =	sst s8;
	s8 =	spop @!p4 (v2sf)  }
0x365: {  	s11 =	smov.u32 @p2 s16;
	s8 =	sxor.u32 @!p6 $0x7FFFFFFF, s8  }
0x366: {  	p4 =	seq.s32 s30, $0x1;
	s16 =	sadd.s32 @!p6 s8, s6;
	s8 =	smov.u32 s1  }
0x367: {  	v8 =	vadd.s32 v6, v5;
	p0 =	por p0, p2;
	v5, _, _ =	vpop @!p1 (xrf0);
	s8 =	smov.u32 @p4 s16;
	p4 =	seq.s32 s31, $0x1  }
.Ltmp16:
0x368: {  	v6 =	vlaneseq.u32 @!p0;
	v5 =	vadd.s32 @!p3 s7, v5;
	(pc) =	sbr.rel @p4 .LBB2_30-.Ltmp16, $4  }
0x369: {  	v6 =	vmul.u32 @!p0 $0xFFFFFFFF, v6;
	vm0 =	vgt.s32 @!p3 v5, $0x12B  }
0x36a: {  	(v2sf) =	vpush @!p5 v7, $0xF;
	v7 =	vmctz.xlane @!p3 vm0  }
0x36b: {  	s7 =	smov.u32 s13;
	s13 =	smov.u32 s9;
	v5 =	vadd.s32 @!p0 $0xF, v6;
	s6 =	smov.u32 s5  }
0x36c: {  	(xrf0) =	vadd.scan.msk.s32 $0xffff, v8;
	v5 =	vperm.xlane @!p0 v3, v5;
	v3 =	vmovc v4;
	v4 =	vmov v8;
	v6 =	vxor.u32 @!p3 $0x80000000, v7;
	s5 =	smov.u32 s4;
	s4 =	smov.u32 s3;
	s3 =	smov.u32 s15  }
0x36d: {  	_ =	sdelay $0x3  }
0x36e: {  	(xrf0) =	vmax.scan.msk.u32 @!p3 $0xffff, v6  }
0x36f: {  	p5 =	sne.s32 s11, $0x0;
	s10 =	spop (v2sf);
	v63, _, _ =	vpop (xrf0);
	(xrf0) =	vadd.scan.msk.s32 @!p0 $0xffff, v5  }
0x370: {  	s9 =	sadd.s32 s9, s10;
	s10 =	simm.s32 @!p5 $0x0  }
0x371: {  	s10 =	simm.s32 @p5 $0x1;
	p4 =	slt.s32 @!p5 s9, $0x12C  }
0x372: {  	[smem:$0x78A] =	sst s10;
	s10 =	simm.s32 @!p4 $0x0  }
0x373: {  	(v2sf) =	vpush v63, $0xF;
	s10 =	simm.s32 @p4 $0x1  }
0x374: {  	v5, _, _ =	vpop @!p1 (xrf0);
	[smem:$0x783] =	sst s10  }
0x375: {  	p6 =	por p0, p0;
	s31 =	sld [smem:$0x783];
	v6, _, _ =	vpop @!p0 (xrf0)  }
0x376: {  	v6 =	vadd.s32 @!p6 s7, v6  }
0x377: {  	vm0 =	vgt.s32 @!p6 v6, $0x12B  }
0x378: {  	s12 =	sld [smem:$0x783];
	p4 =	seq.s32 s31, $0x1;
	v6 =	vmctz.xlane @!p6 vm0  }
0x379: {  	p4 =	por p4, p5  }
0x37a: {  	s10 =	simm.s32 @!p6 $0x0;
	v7 =	vlaneseq.u32 @!p4;
	v6 =	vxor.u32 @!p6 $0x80000000, v6  }
0x37b: {  	s10 =	simm.s32 @p6 $0x1;
	v7 =	vmul.u32 @!p4 $0xFFFFFFFF, v7;
	(xrf0) =	vmax.scan.msk.u32 @!p6 $0xffff, v6;
	p6 =	seq.s32 s12, $0x1  }
0x37c: {  	p6 =	por !p6, p5  }
0x37d: {  	s14 =	sld [smem:$0x791];
	v7 =	vadd.s32 @!p4 $0xF, v7;
	s7 =	simm.s32 @!p6 $0x0  }
0x37e: {  	[smem:$0x784] =	sst s10;
	v3 =	vperm.xlane @!p4 v3, v7;
	s7 =	simm.s32 @p6 $0x1  }
0x37f: {  	s10 =	simm.s32 @!p4 $0x0;
	[smem:$0x789] =	sst s7;
	s7 =	smov.u32 s11  }
0x380: {  	s10 =	simm.s32 @p4 $0x1;
	(xrf0) =	vadd.scan.msk.s32 @!p4 $0xffff, v3;
	p4 =	seq.s32 s14, $0x1;
	s7 =	simm.s32 @p6 $0x1  }
0x381: {  	[smem:$0x787] =	sst s10;
	s10 =	spop @!p4 (v2sf);
	s7 =	smov.u32 @p5 s11  }
0x382: {  	s15 =	spop (v2sf);
	p4 =	sne.s32 s7, $0x0  }
0x383: {  	s11 =	sadd.s32 s9, s15;
	s7 =	simm.s32 @!p4 $0x0  }
0x384: {  	p5 =	slt.s32 @!p4 s11, $0x12C;
	s7 =	simm.s32 @p4 $0x1  }
0x385: {  	[smem:$0x78B] =	sst s7;
	s7 =	simm.s32 @!p5 $0x0  }
0x386: {  	s16 =	sld [smem:$0x787];
	s7 =	simm.s32 @p5 $0x1  }
0x387: {  	[smem:$0x78C] =	sst s7  }
0x388: {  	s19 =	sld [smem:$0x78C];
	_ =	sdelay $0x2  }
0x389: {  	v3, _, _ =	vpop @!p0 (xrf0);
	p5 =	seq.s32 s16, $0x1;
	p6 =	seq.s32 s19, $0x1  }
0x38a: {  	v6, _, _ =	vpop @!p5 (xrf0);
	p5 =	por p5, p5;
	p4 =	por p6, p4  }
0x38b: {  	v6 =	vadd.s32 @!p5 s13, v6;
	v7 =	vlaneseq.u32 @!p4  }
0x38c: {  	vm0 =	vgt.s32 @!p5 v6, $0x12B;
	v7 =	vmul.u32 @!p4 $0xFFFFFFFF, v7  }
0x38d: {  	s30 =	sld [smem:$0x79B];
	v6 =	vmctz.xlane @!p5 vm0  }
0x38e: {  	s28 =	sld [smem:$0x784];
	v7 =	vadd.s32 @!p4 $0xF, v7  }
0x38f: {  	p3 =	por p3, p3;
	s31 =	sld [smem:$0x795];
	v6 =	vxor.u32 @!p5 $0x80000000, v6;
	v4 =	vperm.xlane @!p4 v4, v7  }
0x390: {  	(v2sf) =	vpush @!p3 v5, $0xF;
	s25 =	sld [smem:$0x787];
	(xrf0) =	vmax.scan.msk.u32 @!p5 $0xffff, v6  }
0x391: {  	s14 =	sld [smem:$0x798];
	(xrf0) =	vadd.scan.msk.s32 @!p4 $0xffff, v4  }
0x392: {  	s15 =	sld [smem:$0x79A];
	s7 =	simm.s32 @!p4 $0x0  }
0x393: {  	s11 =	sld [smem:$0x797];
	p6 =	seq.s32 s28, $0x1;
	s7 =	simm.s32 @p4 $0x1  }
0x394: {  	p6 =	por p6, p6;
	[smem:$0x785] =	sst s7;
	s7 =	simm.s32 @!p3 $0x0  }
0x395: {  	s16 =	sld [smem:$0x787];
	(v2sf) =	vpush @!p6 v3, $0xF;
	s7 =	simm.s32 @p3 $0x1;
	p3 =	seq.s32 s25, $0x1  }
0x396: {  	s13 =	sld [smem:$0x79F];
	v4, _, _ =	vpop @!p3 (xrf0)  }
0x397: {  	s25 =	sld [smem:$0x789];
	p3 =	por p4, p4;
	v5, _, _ =	vpop @!p4 (xrf0)  }
0x398: {  	[smem:$0x786] =	sst s7;
	p4 =	por p5, p5;
	v5 =	vadd.s32 @!p3 s9, v5  }
0x399: {  	s7 =	simm.s32 @!p4 $0x0;
	s9 =	sld [smem:$0x79D];
	vm0 =	vgt.s32 @!p3 v5, $0x12B  }
0x39a: {  	s12 =	sld [smem:$0x786];
	p5 =	seq.s32 s30, $0x1;
	(v2sf) =	vpush @!p4 v4, $0xF;
	s7 =	simm.s32 @p4 $0x1;
	v3 =	vmctz.xlane @!p3 vm0  }
0x39b: {  	p4 =	por p5, p5;
	p5 =	seq.s32 s31, $0x1;
	[smem:$0x788] =	sst s7  }
0x39c: {  	s8 =	smov.u32 @p5 s1;
	s1 =	sxor.u32 @!p4 $0x7FFFFFFF, s10;
	p5 =	seq.s32 s9, $0x1;
	v3 =	vxor.u32 @!p3 $0x80000000, v3  }
0x39d: {  	s1 =	sadd.s32 @!p4 s1, s6;
	s6 =	smov.u32 s8;
	p4 =	por p5, p5;
	(xrf0) =	vmax.scan.msk.u32 @!p3 $0xffff, v3  }
0x39e: {  	s10 =	sld [smem:$0x785];
	s6 =	smov.u32 @p4 s1;
	p4 =	seq.s32 s11, $0x1  }
0x39f: {  	s1 =	spop @!p1 (v2sf);
	p1 =	por p4, p4;
	p4 =	seq.s32 s12, $0x1  }
0x3a0: {  	s19 =	sld [smem:$0x788];
	p3 =	por p3, p3;
	p4 =	por p4, p4  }
0x3a1: {  	s6 =	smov.u32 @p1 s8;
	p1 =	seq.s32 s13, $0x1;
	s1 =	sxor.u32 @!p4 $0x7FFFFFFF, s1  }
0x3a2: {  	p5 =	seq.s32 s10, $0x1;
	p1 =	por p1, p1;
	s1 =	sadd.s32 @!p4 s1, s5  }
0x3a3: {  	p1 =	por p1, p1;
	s5 =	smov.u32 s6;
	p4 =	seq.s32 s15, $0x1;
	v3, _, _ =	vpop @!p5 (xrf0)  }
0x3a4: {  	s5 =	smov.u32 @p1 s1;
	s1 =	spop @!p0 (v2sf);
	p1 =	seq.s32 s14, $0x1;
	(v2sf) =	vpush @!p3 v3, $0xF  }
0x3a5: {  	p0 =	por p1, p1;
	p1 =	por p4, p4;
	p4 =	por p6, p6  }
0x3a6: {  	p6 =	seq.s32 s19, $0x1;
	p0 =	por p0, p0;
	s1 =	sxor.u32 @!p4 $0x7FFFFFFF, s1  }
0x3a7: {  	p1 =	por p1, p1;
	s5 =	smov.u32 @p0 s6;
	s1 =	sadd.s32 @!p4 s1, s4  }
0x3a8: {  	p0 =	por p1, p1;
	p1 =	seq.s32 s16, $0x1;
	s4 =	smov.u32 s5  }
0x3a9: {  	s4 =	smov.u32 @p0 s1;
	s1 =	spop @!p1 (v2sf);
	p1 =	por p6, p6  }
0x3aa: {  	p2 =	por p2, p2;
	s28 =	sld [smem:$0x78A];
	s1 =	sxor.u32 @!p1 $0x7FFFFFFF, s1  }
0x3ab: {  	p4 =	por p2, p2;
	s1 =	sadd.s32 @!p1 s1, s3;
	s3 =	simm.s32 $0xAD40  }
0x3ac: {  	p2 =	seq.s32 s25, $0x1;
	p0 =	por p4, p4;
	[tilespmem:s3+$0xFFFFFFC0] =	vst v0  }
0x3ad: {  	s4 =	smov.u32 @p0 s5;
	p0 =	por p2, p2;
	s30 =	sld [smem:$0x78B]  }
0x3ae: {  	p4 =	seq.s32 s28, $0x1;
	p0 =	por p0, p0;
	s31 =	sld [smem:$0x78C]  }
0x3af: {  	p1 =	por p4, p4;
	s5 =	smov.u32 s4;
	p0 =	por p0, p0  }
0x3b0: {  	p1 =	por p1, p1;
	s5 =	smov.u32 @p0 s1  }
0x3b1: {  	p0 =	por p1, p1;
	p6 =	seq.s32 s30, $0x1;
	p4 =	seq.s32 s31, $0x1  }
0x3b2: {  	[tilespmem:s3+$0x30] =	vst v0;
	p1 =	por p3, p3;
	s5 =	smov.u32 @p0 s4;
	p0 =	por !p4, p6  }
0x3b3: {  	[tilespmem:s3+$0x20] =	vst v0;
	p2 =	por p6, p6;
	p0 =	por p0, p0;
	s1 =	spop @!p5 (v2sf)  }
0x3b4: {  	[tilespmem:s3+$0x10] =	vst v0;
	p6 =	por p2, p2;
	p0 =	por p0, p0;
	s1 =	sxor.u32 @!p1 $0x7FFFFFFF, s1  }
0x3b5: {  	[tilespmem:s3+$0x0] =	vst v0;
	p0 =	por p0, p0;
	s2 =	sadd.s32 @!p1 s1, s2;
	s1 =	smov.u32 s5  }
0x3b6: {  	[tilespmem:s3+$0xFFFFFFF0] =	vst v0;
	s1 =	smov.u32 @p0 s2;
	p0 =	por p6, p6  }
0x3b7: {  	[tilespmem:s3+$0xFFFFFFE0] =	vst v0;
	s4 =	simm.s32 $0x0;
	s1 =	smov.u32 @p0 s5  }
.LBB2_32:
0x3b8: {  	s4 =	sadd.s32 $0x8, s4;
	[tilespmem:s3+$0xFFFFFFD0] =	vst v0;
	s3 =	sadd.s32 $0x80, s3;
	s2 =	simm.s32 $0xAEC0  }
0x3b9: {  	[tilespmem:s3+$0xFFFFFFC0] =	vst v0;
	p0 =	slt.u32 s4, $0x10  }
0x3ba: {  	[tilespmem:s3+$0x30] =	vst v0  }
.Ltmp17:
0x3bb: {  	[tilespmem:s3+$0x20] =	vst v0;
	(pc) =	sbr.rel @p0 .LBB2_32-.Ltmp17, $4  }
0x3bc: {  	[tilespmem:s3+$0x10] =	vst v0  }
0x3bd: {  	[tilespmem:s3+$0x0] =	vst v0  }
0x3be: {  	[tilespmem:s3+$0xFFFFFFF0] =	vst v0  }
0x3bf: {  	[tilespmem:s3+$0xFFFFFFE0] =	vst v0  }
0x3c0: {  	[tilespmem:s3+$0xFFFFFFD0] =	vst v0  }
0x3c1: {  	[tilespmem:s2+$0xFFFFFFC0] =	vst v0  }
0x3c2: {  	[tilespmem:s2+$0x30] =	vst v0  }
0x3c3: {  	[tilespmem:s2+$0x20] =	vst v0  }
0x3c4: {  	[tilespmem:s2+$0x10] =	vst v0  }
0x3c5: {  	[tilespmem:s2+$0x0] =	vst v0  }
0x3c6: {  	[tilespmem:s2+$0xFFFFFFF0] =	vst v0  }
0x3c7: {  	s3 =	simm.s32 $0x0;
	[tilespmem:s2+$0xFFFFFFE0] =	vst v0  }
.LBB2_34:
0x3c8: {  	s3 =	sadd.s32 $0x8, s3;
	[tilespmem:s2+$0xFFFFFFD0] =	vst v0;
	s2 =	sadd.s32 $0x80, s2  }
0x3c9: {  	[tilespmem:s2+$0xFFFFFFC0] =	vst v0;
	p0 =	slt.u32 s3, $0x10  }
0x3ca: {  	[tilespmem:s2+$0x30] =	vst v0  }
.Ltmp18:
0x3cb: {  	[tilespmem:s2+$0x20] =	vst v0;
	(pc) =	sbr.rel @p0 .LBB2_34-.Ltmp18, $4  }
0x3cc: {  	[tilespmem:s2+$0x10] =	vst v0  }
0x3cd: {  	[tilespmem:s2+$0x0] =	vst v0  }
0x3ce: {  	[tilespmem:s2+$0xFFFFFFF0] =	vst v0  }
0x3cf: {  	[tilespmem:s2+$0xFFFFFFE0] =	vst v0  }
0x3d0: {  	[tilespmem:s2+$0xFFFFFFD0] =	vst v0;
	s19 =	simm.s32 $0x20  }
0x3d1: {  	v15 =	vld [tilespmem:s19+$0xFFFFFFE0]  }
0x3d2: {  	v7 =	vld [tilespmem:s19+$0xFFFFFFF0]  }
0x3d3: {  	s0 =	sshll.u32 s0, $0x14;
	s1 =	sshll.u32 s1, $0x8;
	v8 =	vld [tilespmem:s19+$0x0]  }
0x3d4: {  	s0 =	sadd.s32 s0, s1;
	v10 =	vld [tilespmem:s19+$0x10]  }
0x3d5: {  	v3 =	vmov s0  }
0x3d6: {  	vm0 =	vge.s32 v15, v3  }
0x3d7: {  	vm1 =	vge.s32 v7, v3;
	v4 =	vsel vm0, $0x1, v0  }
0x3d8: {  	vm2 =	vge.s32 v8, v3;
	v5 =	vsel vm1, $0x1, v0;
	(xrf0) =	vadd.scan.msk.s32 $0xffff, v4  }
0x3d9: {  	vm3 =	vge.s32 v10, v3;
	v4 =	vsel vm2, $0x1, v0;
	(xrf0) =	vadd.scan.msk.s32 $0xffff, v5  }
0x3da: {  	v5 =	vsel vm3, $0x1, v0;
	(xrf0) =	vadd.scan.msk.s32 $0xffff, v4  }
0x3db: {  	(xrf0) =	vadd.scan.msk.s32 $0xffff, v5;
	_ =	sdelay $0x2  }
0x3dc: {  	v11, _, _ =	vpop (xrf0)  }
0x3dd: {  	s25 =	simm.s32 $0x60;
	(v2sf) =	vpush v11, $0xF;
	v12, _, _ =	vpop (xrf0)  }
0x3de: {  	v9 =	vld [tilespmem:s25+$0xFFFFFFE0];
	(v2sf) =	vpush v12, $0xF;
	v13, _, _ =	vpop (xrf0)  }
0x3df: {  	(v2sf) =	vpush v13, $0xF;
	v14, _, _ =	vpop (xrf0)  }
0x3e0: {  	v4 =	vld [tilespmem:s25+$0xFFFFFFF0];
	(v2sf) =	vpush v14, $0xF  }
0x3e1: {  	v6 =	vld [tilespmem:s25+$0x0]  }
0x3e2: {  	v5 =	vld [tilespmem:s25+$0x10]  }
0x3e3: {  	vm8 =	vge.s32 v9, v3;
	v16 =	vsel vm0, $0xFFFFFFFF, v0  }
0x3e4: {  	v17 =	vsel vm1, $0xFFFFFFFF, v0;
	v18 =	vsel vm2, $0xFFFFFFFF, v0;
	vm4 =	vmmov vm2  }
0x3e5: {  	vm9 =	vmmov vm1;
	v20 =	vsel vm8, $0x1, v0;
	vm2 =	vge.s32 v4, v3  }
0x3e6: {  	vm1 =	vge.s32 v6, v3;
	(xrf0) =	vadd.scan.msk.s32 $0xffff, v20;
	v17 =	vadd.s32 v17, v12;
	v12 =	vsel vm2, $0x1, v0  }
0x3e7: {  	s1 =	simm.s32 $0x0;
	s6 =	rddreg [dreg:$0xa];
	vm10 =	vge.s32 v5, v3;
	v18 =	vadd.s32 v18, v13;
	v13 =	vsel vm1, $0x1, v0;
	(xrf0) =	vadd.scan.msk.s32 $0xffff, v12  }
0x3e8: {  	v26 =	vor.u32 s6, v2;
	v12 =	vadd.s32 s1, v16;
	v16 =	vsel vm10, $0x1, v0;
	(xrf0) =	vadd.scan.msk.s32 $0xffff, v13  }
0x3e9: {  	v19 =	vsel vm3, $0xFFFFFFFF, v0;
	vm0 =	vmmov vm0;
	v24 =	vsel vm8, $0xFFFFFFFF, v0;
	(xrf0) =	vadd.scan.msk.s32 $0xffff, v16  }
0x3ea: {  	vm6 =	vmmov vm4;
	vm3 =	vmmov vm3;
	v23 =	vadd.s32 v11, v12  }
0x3eb: {  	vm4 =	vmmov vm9;
	vm7 =	vmmov vm3;
	vm5 =	vlt.s32 v23, $0x180  }
0x3ec: {  	v20 =	vsel vm10, $0xFFFFFFFF, v0;
	v16 =	vsel vm1, $0xFFFFFFFF, v0;
	vm5 =	vmand vm0, vm5;
	v25, _, _ =	vpop (xrf0);
	s28 =	spop (v2sf)  }
0x3ed: {  	s2 =	simm.s32 $0xA0;
	v14 =	vadd.s32 v19, v14;
	v11 =	vsel vm2, $0xFFFFFFFF, v0;
	(v2sf) =	vpush v25, $0xF;
	v19, _, _ =	vpop (xrf0);
	s0 =	sadd.s32 $0x0, s28;
	s3 =	spop (v2sf)  }
0x3ee: {  	v12 =	vld [tilespmem:s2+$0xFFFFFFE0];
	v13 =	vadd.s32 v11, v19;
	v21, _, _ =	vpop (xrf0);
	(v2sf) =	vpush v19, $0xF;
	v17 =	vadd.s32 s0, v17;
	s0 =	sadd.s32 s0, s3;
	s30 =	spop (v2sf)  }
0x3ef: {  	v11 =	vld [tilespmem:s2+$0xFFFFFFF0];
	v19 =	vadd.s32 v16, v21;
	v16, _, _ =	vpop (xrf0);
	(v2sf) =	vpush v21, $0xF;
	v21 =	vadd.s32 s0, v18;
	s0 =	sadd.s32 s0, s30;
	s31 =	spop (v2sf)  }
0x3f0: {  	vm3 =	vmmov vm8;
	vm2 =	vmmov vm2;
	v20 =	vadd.s32 v20, v16;
	s4 =	sadd.s32 s0, s31  }
0x3f1: {  	(v2sf) =	vpush v16, $0xF;
	v22 =	vadd.s32 s0, v14;
	v14 =	vld [tilespmem:s2+$0x0];
	v16 =	vadd.s32 s4, v24  }
0x3f2: {  	vm1 =	vmmov vm1;
	[tilespmem:v23+s20+$0x0] =	vst.idx.msk vm5, v15;
	vm8 =	vlt.s32 v21, $0x180;
	v15 =	vadd.s32 v25, v16;
	v16 =	vld [tilespmem:s2+$0x10]  }
0x3f3: {  	vm0 =	vmmov vm10;
	vm6 =	vmand vm6, vm8;
	vm8 =	vlt.s32 v22, $0x180  }
0x3f4: {  	[tilespmem:v23+s21+$0x0] =	vst.idx.msk vm5, v26;
	vm5 =	vge.s32 v11, v3;
	vm8 =	vmand vm7, vm8;
	vm7 =	vge.s32 v12, v3  }
0x3f5: {  	s5 =	simm.s32 $0x8;
	s3 =	smov.u32 s6;
	vm9 =	vlt.s32 v17, $0x180;
	s0 =	smov.u32 s6;
	v18 =	vsel vm7, $0xFFFFFFFF, v0;
	v23 =	vsel vm7, $0x1, v0  }
.LBB2_36:
0x3f6: {  	s5 =	sadd.s32 $0x4, s5;
	v24 =	vsel vm5, $0xFFFFFFFF, v0;
	v25 =	vsel vm5, $0x1, v0;
	vm12 =	vge.s32 v14, v3;
	(xrf0) =	vadd.scan.msk.s32 $0xffff, v23  }
0x3f7: {  	p0 =	slt.u32 s5, $0x8C4;
	v23 =	vsel vm12, $0xFFFFFFFF, v0;
	v26 =	vsel vm12, $0x1, v0;
	vm13 =	vge.s32 v16, v3;
	(xrf0) =	vadd.scan.msk.s32 $0xffff, v25  }
0x3f8: {  	vm10 =	vlt.s32 v15, $0x180;
	v25 =	vsel vm13, $0xFFFFFFFF, v0;
	v27 =	vsel vm13, $0x1, v0;
	(xrf0) =	vadd.scan.msk.s32 $0xffff, v26  }
0x3f9: {  	vm9 =	vmand vm4, vm9;
	s6 =	sadd.s32 $0x30, s0;
	vm10 =	vmand vm3, vm10;
	(xrf0) =	vadd.scan.msk.s32 $0xffff, v27;
	[tilespmem:v21+s20+$0x0] =	vst.idx.msk vm6, v8;
	v8 =	vmovc v6  }
0x3fa: {  	s7 =	sadd.s32 $0x20, s0;
	vm11 =	vmmov vm1;
	v27 =	vor.u32 s6, v2;
	v6 =	vmovc v14;
	[tilespmem:v22+s20+$0x0] =	vst.idx.msk vm8, v10;
	v10 =	vmovc v5;
	v5 =	vmov v16  }
0x3fb: {  	vm1 =	vmmov vm12;
	v16 =	vor.u32 s7, v2;
	[tilespmem:v22+s21+$0x0] =	vst.idx.msk vm8, v27;
	vm8 =	vmmov vm0  }
0x3fc: {  	s0 =	sadd.s32 $0x40, s0;
	vm4 =	vmmov vm2;
	vm3 =	vmmov vm7;
	vm0 =	vmmov vm13;
	v26, _, _ =	vpop (xrf0);
	[tilespmem:v21+s21+$0x0] =	vst.idx.msk vm6, v16  }
0x3fd: {  	s2 =	sadd.s32 $0x40, s2;
	s3 =	sadd.s32 $0x10, s3;
	vm2 =	vmmov vm5;
	v27 =	vor.u32 s0, v2;
	(v2sf) =	vpush v26, $0xF;
	v14, _, _ =	vpop (xrf0);
	s6 =	spop (v2sf)  }
0x3fe: {  	v22 =	vor.u32 s3, v2;
	s3 =	smov.u32 s0;
	v28 =	vld [tilespmem:s2+$0xFFFFFFE0];
	v16 =	vadd.s32 v24, v14;
	(v2sf) =	vpush v14, $0xF;
	v14, _, _ =	vpop (xrf0);
	s4 =	sadd.s32 s4, s6;
	s6 =	spop (v2sf)  }
0x3ff: {  	v24 =	vld [tilespmem:s2+$0xFFFFFFF0];
	v23 =	vadd.s32 v23, v14;
	(v2sf) =	vpush v14, $0xF;
	v21, _, _ =	vpop (xrf0);
	v29 =	vadd.s32 s4, v13;
	s4 =	sadd.s32 s4, s6;
	s6 =	spop (v2sf);
	[tilespmem:v17+s20+$0x0] =	vst.idx.msk vm9, v7  }
.Ltmp19:
0x400: {  	v13 =	vmovc v16;
	v14 =	vld [tilespmem:s2+$0x0];
	v25 =	vadd.s32 v25, v21;
	(v2sf) =	vpush v21, $0xF;
	v21 =	vadd.s32 s4, v19;
	s4 =	sadd.s32 s4, s6;
	s6 =	spop (v2sf);
	[tilespmem:v17+s21+$0x0] =	vst.idx.msk vm9, v22;
	(pc) =	sbr.rel @p0 .LBB2_36-.Ltmp19, $4  }
0x401: {  	v7 =	vmovc v4;
	vm9 =	vlt.s32 v29, $0x180;
	v16 =	vld [tilespmem:s2+$0x10];
	[tilespmem:v15+s20+$0x0] =	vst.idx.msk vm10, v9;
	vm5 =	vlt.s32 v21, $0x180;
	v22 =	vadd.s32 s4, v20;
	s4 =	sadd.s32 s4, s6;
	v9 =	vmovc v12  }
0x402: {  	v4 =	vmovc v11;
	v19 =	vmovc v23;
	v18 =	vadd.s32 s4, v18;
	[tilespmem:v15+s21+$0x0] =	vst.idx.msk vm10, v27;
	vm6 =	vmand vm11, vm5;
	vm5 =	vlt.s32 v22, $0x180  }
0x403: {  	v17 =	vmovc v29;
	vm7 =	vge.s32 v28, v3;
	v15 =	vadd.s32 v26, v18;
	vm8 =	vmand vm8, vm5;
	v12 =	vmovc v28  }
0x404: {  	v20 =	vmovc v25;
	v18 =	vsel vm7, $0xFFFFFFFF, v0;
	v23 =	vsel vm7, $0x1, v0;
	vm5 =	vge.s32 v24, v3;
	v11 =	vmovc v24  }
0x405: {  	v24 =	vsel vm5, $0x1, v0;
	vm10 =	vge.s32 v14, v3;
	(xrf0) =	vadd.scan.msk.s32 $0xffff, v23  }
0x406: {  	v49 =	vsel vm10, $0x1, v0;
	(xrf0) =	vadd.scan.msk.s32 $0xffff, v24  }
0x407: {  	(xrf0) =	vadd.scan.msk.s32 $0xffff, v49;
	_ =	sdelay $0x3  }
0x408: {  	v50, _, _ =	vpop (xrf0)  }
0x409: {  	(v2sf) =	vpush v50, $0xF;
	v24, _, _ =	vpop (xrf0)  }
0x40a: {  	(v2sf) =	vpush v24, $0xF;
	v25, _, _ =	vpop (xrf0)  }
0x40b: {  	(v2sf) =	vpush v25, $0xF;
	_ =	sdelay $0x1  }
0x40c: {  	v26 =	vsel vm5, $0xFFFFFFFF, v0  }
0x40d: {  	s2 =	sadd.s32 $0x30, s0;
	vm12 =	vlt.s32 v15, $0x180;
	vm9 =	vmand vm4, vm9;
	vm13 =	vmmov vm0  }
0x40e: {  	s9 =	sadd.s32 $0x20, s0;
	vm7 =	vmmov vm7;
	vm11 =	vge.s32 v16, v3;
	v28 =	vor.u32 s2, v2;
	s5 =	spop (v2sf)  }
0x40f: {  	s3 =	sadd.s32 $0x10, s3;
	v29 =	vsel vm10, $0xFFFFFFFF, v0;
	vm4 =	vmand vm3, vm12;
	v27 =	vsel vm11, $0x1, v0;
	s8 =	spop (v2sf);
	s4 =	sadd.s32 s4, s5  }
0x410: {  	s12 =	sadd.s32 $0x40, s0;
	v30 =	vor.u32 s9, v2;
	vm12 =	vmmov vm1;
	vm1 =	vmmov vm10;
	(xrf0) =	vadd.scan.msk.s32 $0xffff, v27;
	s2 =	sadd.s32 s4, s8;
	s10 =	spop (v2sf)  }
0x411: {  	[tilespmem:v22+s20+$0x0] =	vst.idx.msk vm8, v10;
	v54 =	vor.u32 s3, v2;
	v57 =	vor.u32 s12, v2;
	v52 =	vadd.s32 s2, v19;
	s2 =	sadd.s32 s2, s10  }
0x412: {  	[tilespmem:v21+s20+$0x0] =	vst.idx.msk vm6, v8;
	v51 =	vsel vm11, $0xFFFFFFFF, v0;
	vm14 =	vlt.s32 v52, $0x180;
	v53 =	vadd.s32 s2, v20  }
0x413: {  	[tilespmem:v22+s21+$0x0] =	vst.idx.msk vm8, v28;
	v13 =	vadd.s32 s4, v13;
	vm0 =	vmand vm12, vm14;
	vm15 =	vlt.s32 v53, $0x180  }
0x414: {  	s15 =	sadd.s32 $0x30, s12;
	[tilespmem:v21+s21+$0x0] =	vst.idx.msk vm6, v30;
	s11 =	spop (v2sf);
	vm12 =	vmmov vm2;
	vm14 =	vlt.s32 v13, $0x180;
	vm13 =	vmand vm13, vm15  }
0x415: {  	vm3 =	vmmov vm11;
	v60 =	vor.u32 s15, v2;
	[tilespmem:v17+s20+$0x0] =	vst.idx.msk vm9, v7;
	s2 =	sadd.s32 s2, s11;
	vm6 =	vmand vm12, vm14  }
0x416: {  	vm1 =	vmmov vm1;
	vm11 =	vmmov vm3;
	[tilespmem:v17+s21+$0x0] =	vst.idx.msk vm9, v54;
	v55, _, _ =	vpop (xrf0);
	v56 =	vadd.s32 s2, v18  }
0x417: {  	[tilespmem:v15+s20+$0x0] =	vst.idx.msk vm4, v9;
	v63 =	vadd.s32 v26, v24;
	(v2sf) =	vpush v55, $0xF;
	v7 =	vadd.s32 v50, v56;
	s13 =	spop (v2sf)  }
0x418: {  	[tilespmem:v15+s21+$0x0] =	vst.idx.msk vm4, v57;
	v58 =	vadd.s32 v29, v25;
	v59 =	vadd.s32 v51, v55;
	vm15 =	vlt.s32 v7, $0x180;
	s2 =	sadd.s32 s2, s13;
	s14 =	spop (v2sf)  }
0x419: {  	vm14 =	vmmov vm5;
	vm9 =	vmand vm7, vm15;
	[tilespmem:v52+s20+$0x0] =	vst.idx.msk vm0, v6;
	s3 =	sadd.s32 s2, s14;
	s16 =	spop (v2sf);
	v6 =	vadd.s32 s2, v63  }
0x41a: {  	vm2 =	vmmov vm14;
	[tilespmem:v53+s20+$0x0] =	vst.idx.msk vm13, v5;
	v61 =	vadd.s32 s3, v58;
	s3 =	sadd.s32 s3, s16;
	vm15 =	vlt.s32 v6, $0x180  }
0x41b: {  	s19 =	sadd.s32 $0x20, s12;
	[tilespmem:v13+s20+$0x0] =	vst.idx.msk vm6, v4;
	vm10 =	vlt.s32 v61, $0x180;
	v62 =	vadd.s32 s3, v59;
	vm2 =	vmand vm2, vm15  }
0x41c: {  	s25 =	sadd.s32 $0x10, s12;
	v5 =	vor.u32 s19, v2;
	[tilespmem:v53+s21+$0x0] =	vst.idx.msk vm13, v60;
	vm1 =	vmand vm1, vm10;
	vm12 =	vlt.s32 v62, $0x180  }
0x41d: {  	[tilespmem:v52+s21+$0x0] =	vst.idx.msk vm0, v5;
	v5 =	vor.u32 s25, v2;
	vm13 =	vmand vm11, vm12  }
0x41e: {  	s0 =	sadd.s32 $0x40, s12;
	[tilespmem:v13+s21+$0x0] =	vst.idx.msk vm6, v5  }
0x41f: {  	v4 =	vor.u32 s0, v2;
	[tilespmem:v7+s20+$0x0] =	vst.idx.msk vm9, v12  }
0x420: {  	[tilespmem:v7+s21+$0x0] =	vst.idx.msk vm9, v4  }
0x421: {  	[tilespmem:v6+s20+$0x0] =	vst.idx.msk vm2, v11  }
0x422: {  	s30 =	sadd.s32 $0x20, s0;
	[tilespmem:v61+s20+$0x0] =	vst.idx.msk vm1, v14  }
0x423: {  	s28 =	sadd.s32 $0x30, s0;
	v5 =	vor.u32 s30, v2;
	[tilespmem:v62+s20+$0x0] =	vst.idx.msk vm13, v16  }
0x424: {  	s0 =	sadd.s32 $0x10, s0;
	v4 =	vor.u32 s28, v2;
	[tilespmem:v61+s21+$0x0] =	vst.idx.msk vm1, v5  }
0x425: {  	[tilespmem:v62+s21+$0x0] =	vst.idx.msk vm13, v4;
	v4 =	vor.u32 s0, v2  }
0x426: {  	s31 =	spop (v2sf);
	[tilespmem:v6+s21+$0x0] =	vst.idx.msk vm2, v4  }
0x427: {  	s0 =	sadd.s32 s3, s31;
	s2 =	rddreg [dreg:$0x12]  }
.LBB2_38:
0x428: {  	s3 =	sshra.s32 s1, $0x2  }
0x429: {  	v4 =	vld [tilespmem:s3+$0x8C80];
	_ =	sdelay $0x4  }
0x42a: {  	vm0 =	vge.s32 v4, v3  }
0x42b: {  	v5 =	vsel vm0, $0x1, v0  }
0x42c: {  	(xrf0) =	vadd.scan.msk.s32 $0xffff, v5;
	_ =	sdelay $0x5  }
0x42d: {  	v5, _, _ =	vpop (xrf0)  }
0x42e: {  	(v2sf) =	vpush v5, $0xF;
	_ =	sdelay $0x4  }
0x42f: {  	v6 =	vsel vm0, $0xFFFFFFFF, v0  }
0x430: {  	v6 =	vadd.s32 s0, v6  }
0x431: {  	v5 =	vadd.s32 v5, v6  }
0x432: {  	vm1 =	vlt.s32 v5, $0x180  }
0x433: {  	vm0 =	vmand vm0, vm1;
	_ =	sdelay $0x1  }
0x434: {  	p0 =	sne.s32 s1, $0x40  }
.Ltmp20:
0x435: {  	_ = 	snop;
	(pc) =	sbr.rel @p0 .LBB2_38-.Ltmp20, $3  }
0x436: {  	_ =	sdelay $0x1  }
0x437: {  	[tilespmem:v5+s20+$0x0] =	vst.idx.msk vm0, v4;
	v4 =	vor.u32 s2, v2;
	s31 =	spop (v2sf)  }
0x438: {  	s1 =	sadd.s32 $0x40, s1;
	s2 =	sadd.s32 $0x10, s2;
	[tilespmem:v5+s21+$0x0] =	vst.idx.msk vm0, v4;
	s0 =	sadd.s32 s0, s31  }
0x439: {  	s1 =	rddreg [dreg:$0xb]  }
0x43a: {  	[spmem:s1] =	stream.strided.scatter [tilespmem:s20], [sflag:$0x1], $0x180, s29, s24, $0x38;
	[tilespmem:$0xC600] =	vst v63  }
0x43b: {  	_ =	swait.ge [sflag:s26], $0x180  }
0x43c: {  	[sflag:s26] =	ssyncset.done $0x0  }
0x43d: {  	s30 =	rddreg [dreg:$0xc];
	[sflag:s26] =	ssyncadd.s32 $0xFFFFFE80  }
0x43e: {  	[spmem:s30] =	stream.strided.scatter [tilespmem:s21], [sflag:$0x1], $0x180, s29, s24, $0x38;
	[tilespmem:$0xC600] =	vst v63  }
0x43f: {  	_ =	swait.ge [sflag:s26], $0x180  }
0x440: {  	[sflag:s26] =	ssyncset.done $0x0  }
0x441: {  	[sflag:s26] =	ssyncadd.s32 $0xFFFFFE80  }
0x442: {  	[bflag:$0x0] =	sbarrier.arrive $0xFFFF  }
0x443: {  	s31 =	sld [smem:$0x7FD];
	_ =	sdelay $0x2  }
0x444: {  	p0 =	seq.s32 s31, $0x1  }
.Ltmp21:
0x445: {  	_ = 	snop;
	(pc) =	sbr.rel @p0 .LBB2_43-.Ltmp21, $2  }
0x446: {  	_ =	sdelay $0x2  }
0x447: {  	s5 =	rddreg [dreg:$0x13]  }
0x448: {  	s1 =	rddreg [dreg:$0xd];
	s2 =	simm.s32 $0xB000  }
0x449: {  	[tilespmem:s2], [sflag:$0x1] =	stream.strided.gather [spmem:s1], $0x180, s29, s24, $0x38;
	[tilespmem:$0xC600] =	vst v63  }
0x44a: {  	_ =	swait.ge [sflag:s26], $0x180  }
0x44b: {  	[sflag:s26] =	ssyncset.done $0x0  }
0x44c: {  	s12 =	simm.s32 $0xB180;
	s11 =	rddreg [dreg:$0xe];
	[sflag:s26] =	ssyncadd.s32 $0xFFFFFE80  }
0x44d: {  	[tilespmem:s12], [sflag:$0x1] =	stream.strided.gather [spmem:s11], $0x180, s29, s24, $0x38;
	[tilespmem:$0xC600] =	vst v63  }
0x44e: {  	_ =	swait.ge [sflag:s26], $0x180  }
0x44f: {  	[sflag:s26] =	ssyncset.done $0x0  }
0x450: {  	s13 =	simm.s32 $0xB020;
	[sflag:s26] =	ssyncadd.s32 $0xFFFFFE80  }
0x451: {  	v9 =	vld [tilespmem:s13+$0xFFFFFFE0]  }
0x452: {  	v12 =	vld [tilespmem:s13+$0xFFFFFFF0];
	_ =	sdelay $0x1  }
0x453: {  	v13 =	vld [tilespmem:s13+$0x0]  }
0x454: {  	v10 =	vld [tilespmem:s13+$0x10]  }
0x455: {  	vm3 =	vne.s32 v9, $0x0  }
0x456: {  	vm0 =	vne.s32 v12, $0x0;
	v3 =	vsel vm3, $0x1, v0  }
0x457: {  	v4 =	vsel vm0, $0x1, v0;
	(xrf0) =	vadd.scan.msk.s32 $0xffff, v3  }
0x458: {  	vm1 =	vne.s32 v13, $0x0;
	(xrf0) =	vadd.scan.msk.s32 $0xffff, v4  }
0x459: {  	vm2 =	vne.s32 v10, $0x0;
	v3 =	vsel vm1, $0x1, v0  }
0x45a: {  	(xrf0) =	vadd.scan.msk.s32 $0xffff, v3;
	v3 =	vsel vm2, $0x1, v0  }
0x45b: {  	(xrf0) =	vadd.scan.msk.s32 $0xffff, v3;
	_ =	sdelay $0x1  }
0x45c: {  	s14 =	simm.s32 $0xB060;
	v3, _, _ =	vpop (xrf0)  }
0x45d: {  	v14 =	vld [tilespmem:s14+$0xFFFFFFE0];
	(v2sf) =	vpush v3, $0xF;
	v15, _, _ =	vpop (xrf0)  }
0x45e: {  	v5 =	vld [tilespmem:s14+$0xFFFFFFF0];
	(v2sf) =	vpush v15, $0xF  }
0x45f: {  	v7 =	vld [tilespmem:s14+$0x0];
	v16, _, _ =	vpop (xrf0)  }
0x460: {  	v4 =	vld [tilespmem:s14+$0x10];
	(v2sf) =	vpush v16, $0xF;
	v6, _, _ =	vpop (xrf0)  }
0x461: {  	(v2sf) =	vpush v6, $0xF  }
0x462: {  	vm4 =	vne.s32 v14, $0x0  }
0x463: {  	vm5 =	vne.s32 v5, $0x0;
	v8 =	vsel vm4, $0x1, v0  }
0x464: {  	vm6 =	vne.s32 v7, $0x0;
	v11 =	vsel vm5, $0x1, v0;
	(xrf0) =	vadd.scan.msk.s32 $0xffff, v8  }
0x465: {  	v17 =	vsel vm6, $0x1, v0;
	vm8 =	vne.s32 v4, $0x0;
	(xrf0) =	vadd.scan.msk.s32 $0xffff, v11  }
0x466: {  	vm3 =	vmmov vm3;
	v11 =	vsel vm8, $0x1, v0;
	(xrf0) =	vadd.scan.msk.s32 $0xffff, v17  }
0x467: {  	s15 =	sadd.s32 $0x0, s0;
	vm0 =	vmmov vm0;
	vm7 =	vmmov vm1;
	v8 =	vsel vm3, $0xFFFFFFFF, v0;
	(xrf0) =	vadd.scan.msk.s32 $0xffff, v11  }
0x468: {  	s16 =	simm.s32 $0xB0A0;
	vm9 =	vmmov vm2;
	vm7 =	vmmov vm7;
	v8 =	vadd.s32 s15, v8  }
0x469: {  	v25 =	vsel vm7, $0xFFFFFFFF, v0;
	v23 =	vsel vm8, $0xFFFFFFFF, v0;
	v21 =	vadd.s32 v3, v8;
	v11 =	vld [tilespmem:s16+$0xFFFFFFE0]  }
0x46a: {  	v17 =	vsel vm2, $0xFFFFFFFF, v0;
	vm1 =	vlt.s32 v21, $0x180;
	v16 =	vadd.s32 v25, v16;
	v22, _, _ =	vpop (xrf0)  }
0x46b: {  	v3 =	vld [tilespmem:s16+$0xFFFFFFF0];
	vm2 =	vmand vm3, vm1;
	vm3 =	vmmov vm0;
	(v2sf) =	vpush v22, $0xF;
	v24, _, _ =	vpop (xrf0)  }
0x46c: {  	v8 =	vld [tilespmem:s16+$0x0];
	vm1 =	vmmov vm5;
	vm0 =	vmmov vm4;
	v20, _, _ =	vpop (xrf0);
	s19 =	spop (v2sf);
	(v2sf) =	vpush v24, $0xF  }
0x46d: {  	vm4 =	vmmov vm6;
	v17 =	vadd.s32 v17, v6;
	v18, _, _ =	vpop (xrf0);
	s2 =	sadd.s32 $0x0, s19;
	s3 =	spop (v2sf);
	(v2sf) =	vpush v20, $0xF  }
0x46e: {  	v6 =	vld [tilespmem:s16+$0x10];
	v19 =	vsel vm3, $0xFFFFFFFF, v0;
	vm10 =	vne.s32 v11, $0x0;
	s3 =	sadd.s32 s2, s3;
	(v2sf) =	vpush v18, $0xF  }
0x46f: {  	vm5 =	vmmov vm9;
	v15 =	vadd.s32 v19, v15;
	v19 =	vsel vm10, $0x1, v0;
	s25 =	spop (v2sf);
	s4 =	sadd.s32 s0, s3  }
0x470: {  	s28 =	simm.s32 $0xB1A0;
	vm6 =	vmmov vm8;
	vm8 =	vne.s32 v3, $0x0;
	(xrf0) =	vadd.scan.msk.s32 $0xffff, v19;
	s1 =	sadd.s32 s3, s25;
	s30 =	spop (v2sf);
	v26 =	vadd.s32 s4, v16  }
0x471: {  	v27 =	vld [tilespmem:s28+$0xFFFFFFE0];
	vm12 =	vne.s32 v8, $0x0;
	v25 =	vsel vm8, $0x1, v0;
	s2 =	sadd.s32 s0, s2;
	s3 =	sadd.s32 s1, s30;
	vm9 =	vlt.s32 v26, $0x180  }
0x472: {  	v19 =	vadd.s32 s2, v15;
	v16 =	vsel vm0, $0xFFFFFFFF, v0;
	s31 =	sadd.s32 s0, s1;
	s1 =	sadd.s32 s0, s3;
	vm11 =	vmand vm7, vm9  }
0x473: {  	(xrf0) =	vadd.scan.msk.s32 $0xffff, v25;
	v15 =	vsel vm12, $0x1, v0;
	vm9 =	vne.s32 v6, $0x0;
	v16 =	vadd.s32 s1, v16  }
0x474: {  	v29 =	vld [tilespmem:s28+$0x0];
	(xrf0) =	vadd.scan.msk.s32 $0xffff, v15;
	vm7 =	vlt.s32 v19, $0x180;
	v15 =	vsel vm9, $0x1, v0;
	v16 =	vadd.s32 v22, v16  }
0x475: {  	v28 =	vld [tilespmem:s28+$0xFFFFFFF0];
	[tilespmem:v21+s20+$0x0] =	vst.idx.msk vm2, v9;
	vm7 =	vmand vm3, vm7;
	(xrf0) =	vadd.scan.msk.s32 $0xffff, v15;
	vm14 =	vlt.s32 v16, $0x180  }
0x476: {  	vm6 =	vmmov vm6;
	v25 =	vld [tilespmem:s28+$0x10];
	[tilespmem:v21+s21+$0x0] =	vst.idx.msk vm2, v27;
	v27, _, _ =	vpop (xrf0);
	s2 =	simm.s32 $0xB0E0;
	v17 =	vadd.s32 s31, v17;
	vm0 =	vmand vm0, vm14  }
0x477: {  	vm2 =	vmmov vm10;
	(v2sf) =	vpush v27, $0xF;
	v9 =	vld [tilespmem:s2+$0xFFFFFFF0];
	vm13 =	vlt.s32 v17, $0x180;
	s1 =	simm.s32 $0xB1E0  }
0x478: {  	vm5 =	vmand vm5, vm13;
	vm3 =	vmmov vm1;
	vm1 =	vmmov vm8;
	v21 =	vld [tilespmem:s1+$0xFFFFFFE0];
	[tilespmem:v26+s20+$0x0] =	vst.idx.msk vm11, v13  }
0x479: {  	s8 =	smov.u32 s5;
	s5 =	simm.s32 $0xB120;
	s4 =	simm.s32 $0xC;
	vm8 =	vmmov vm4;
	v22, _, _ =	vpop (xrf0);
	vm4 =	vmmov vm12;
	v15 =	vsel vm9, $0xFFFFFFFF, v0;
	v13 =	vld [tilespmem:s2+$0xFFFFFFE0];
	[tilespmem:v26+s21+$0x0] =	vst.idx.msk vm11, v29  }
.LBB2_41:
0x47a: {  	v26 =	vld [tilespmem:s5+$0xFFFFFFF0];
	s4 =	sadd.s32 $0x4, s4;
	(v2sf) =	vpush v22, $0xF;
	v29, _, _ =	vpop (xrf0);
	v30 =	vsel vm3, $0xFFFFFFFF, v0;
	s6 =	spop (v2sf);
	vm10 =	vmmov vm9  }
0x47b: {  	v32 =	vsel vm8, $0xFFFFFFFF, v0;
	v23 =	vadd.s32 v23, v18;
	p0 =	slt.u32 s4, $0x14;
	v31 =	vld [tilespmem:s2+$0x0];
	(v2sf) =	vpush v29, $0xF;
	s3 =	sadd.s32 s3, s6;
	v18, _, _ =	vpop (xrf0);
	s6 =	spop (v2sf);
	[tilespmem:v19+s20+$0x0] =	vst.idx.msk vm7, v12  }
0x47c: {  	v30 =	vadd.s32 v30, v24;
	v33 =	vld [tilespmem:s2+$0x10];
	(v2sf) =	vpush v18, $0xF;
	[tilespmem:v16+s20+$0x0] =	vst.idx.msk vm0, v14;
	s2 =	sadd.s32 s0, s3;
	s3 =	sadd.s32 s3, s6;
	v14 =	vadd.s32 v32, v20;
	s6 =	spop (v2sf)  }
0x47d: {  	vm11 =	vne.s32 v9, $0x0;
	v24 =	vsel vm2, $0xFFFFFFFF, v0;
	v12 =	vmovc v5;
	v5 =	vmovc v3;
	s7 =	sadd.s32 s0, s3;
	s3 =	sadd.s32 s3, s6;
	s6 =	spop (v2sf);
	[tilespmem:v19+s21+$0x0] =	vst.idx.msk vm7, v28;
	v19 =	vadd.s32 s2, v30  }
0x47e: {  	vm12 =	vne.s32 v13, $0x0;
	v3 =	vmovc v9;
	v20 =	vmovc v29;
	v28 =	vsel vm11, $0x1, v0;
	s2 =	smov.u32 s5;
	v30 =	vadd.s32 s7, v14;
	s7 =	sadd.s32 s0, s3;
	s3 =	sadd.s32 s3, s6;
	[tilespmem:v17+s20+$0x0] =	vst.idx.msk vm5, v10  }
0x47f: {  	v14 =	vsel vm12, $0x1, v0;
	v10 =	vmovc v4;
	s6 =	sadd.s32 s0, s3;
	vm7 =	vlt.s32 v30, $0x180;
	[tilespmem:v17+s21+$0x0] =	vst.idx.msk vm5, v25;
	v17 =	vadd.s32 s7, v23;
	v9 =	vmovc v26  }
0x480: {  	v4 =	vmovc v6;
	vm13 =	vne.s32 v31, $0x0;
	(xrf0) =	vadd.scan.msk.s32 $0xffff, v14;
	vm14 =	vmand vm8, vm7;
	vm5 =	vlt.s32 v17, $0x180  }
0x481: {  	v25 =	vadd.s32 s6, v24;
	v32 =	vsel vm13, $0x1, v0;
	vm9 =	vne.s32 v33, $0x0;
	(xrf0) =	vadd.scan.msk.s32 $0xffff, v28;
	v6 =	vmovc v33  }
0x482: {  	v23 =	vmovc v15;
	vm7 =	vlt.s32 v19, $0x180;
	v26 =	vadd.s32 v27, v25;
	v28 =	vsel vm9, $0x1, v0;
	(xrf0) =	vadd.scan.msk.s32 $0xffff, v32;
	v29 =	vld [tilespmem:s1+$0x0]  }
.Ltmp22:
0x483: {  	vm7 =	vmand vm3, vm7;
	vm5 =	vmand vm6, vm5;
	v14 =	vmovc v11;
	vm8 =	vlt.s32 v26, $0x180;
	(xrf0) =	vadd.scan.msk.s32 $0xffff, v28;
	(pc) =	sbr.rel @p0 .LBB2_41-.Ltmp22, $4  }
0x484: {  	v24 =	vmovc v22;
	v11 =	vmovc v13;
	v15 =	vsel vm9, $0xFFFFFFFF, v0;
	[tilespmem:v16+s21+$0x0] =	vst.idx.msk vm0, v21;
	vm0 =	vmand vm2, vm8;
	v25 =	vld [tilespmem:s1+$0x10];
	v16 =	vmov v26  }
0x485: {  	vm3 =	vmmov vm1;
	vm1 =	vmmov vm11;
	vm2 =	vmmov vm12;
	v28 =	vld [tilespmem:s1+$0xFFFFFFF0];
	s1 =	sadd.s32 $0x40, s1  }
0x486: {  	vm8 =	vmmov vm4;
	v27, _, _ =	vpop (xrf0);
	v21 =	vld [tilespmem:s1+$0xFFFFFFE0];
	[tilespmem:v30+s20+$0x0] =	vst.idx.msk vm14, v7;
	v7 =	vmov v8;
	v8 =	vmov v31  }
0x487: {  	s5 =	sadd.s32 $0x40, s5;
	vm6 =	vmmov vm10;
	vm4 =	vmmov vm13;
	v13 =	vld [tilespmem:s2+$0xFFFFFFE0];
	(v2sf) =	vpush v27, $0xF;
	v22, _, _ =	vpop (xrf0);
	[tilespmem:v30+s21+$0x0] =	vst.idx.msk vm14, v29  }
.Ltmp23:
0x488: {  	_ = 	snop;
	(pc) =	sbr.rel .LBB2_42-.Ltmp23, $1  }
0x489: {  	_ =	sdelay $0x3  }
.LBB2_8:
0x48a: {  	p0 =	por $0x0, $0x0  }
0x48b: {  	s0 =	simm.s32 @!p0 $0x0  }
0x48c: {  	s0 =	simm.s32 @p0 $0x1;
	p0 =	por $0x0, $0x0  }
0x48d: {  	[smem:$0x7F9] =	sst s0;
	s0 =	simm.s32 @!p0 $0x0  }
0x48e: {  	s0 =	simm.s32 @p0 $0x1;
	p0 =	por $0x0, $0x0  }
0x48f: {  	[smem:$0x7FA] =	sst s0;
	s0 =	simm.s32 @!p0 $0x0  }
0x490: {  	s0 =	simm.s32 @p0 $0x1  }
0x491: {  	_ = 	snop  }
0x492: {  	p0 =	por $0x0, $0x0  }
0x493: {  	s1 =	simm.s32 @!p0 $0x0  }
0x494: {  	s1 =	simm.s32 @p0 $0x1  }
0x495: {  	_ = 	snop  }
0x496: {  	_ = 	snop  }
0x497: {  	_ = 	snop  }
0x498: {  	_ = 	snop  }
0x499: {  	_ = 	snop  }
0x49a: {  	_ = 	snop  }
0x49b: {  	_ = 	snop  }
0x49c: {  	_ = 	snop  }
0x49d: {  	_ = 	snop  }
0x49e: {  	_ = 	snop  }
0x49f: {  	_ = 	snop  }
0x4a0: {  	_ = 	snop  }
0x4a1: {  	_ = 	snop  }
0x4a2: {  	_ = 	snop  }
0x4a3: {  	_ = 	snop  }
0x4a4: {  	_ = 	snop  }
0x4a5: {  	_ = 	snop  }
0x4a6: {  	_ = 	snop  }
0x4a7: {  	_ = 	snop  }
0x4a8: {  	_ = 	snop  }
0x4a9: {  	_ = 	snop  }
0x4aa: {  	_ = 	snop  }
0x4ab: {  	_ = 	snop  }
0x4ac: {  	_ = 	snop  }
0x4ad: {  	_ = 	snop  }
.Ltmp24:
0x4ae: {  	s2 =	simm.s32 $0x0;
	(pc) =	sbr.rel .LBB2_23-.Ltmp24, $4  }
0x4af: {  	s15 =	simm.s32 $0x0;
	[dreg:$0x14] =	wrdreg s2  }
0x4b0: {  	s28 =	simm.s32 $0x0;
	s12 =	simm.s32 $0x0;
	s14 =	simm.s32 $0x80000FFF  }
0x4b1: {  	p3 =	por $0x0, $0x0;
	s13 =	simm.s32 $0x0;
	[smem:$0x7FB] =	sst s0  }
0x4b2: {  	s17 =	simm.s32 $0x0;
	s0 =	simm.s32 $0x0;
	[smem:$0x7FC] =	sst s1  }
.LBB2_10:
0x4b3: {  	p0 =	por $0x0, $0x0  }
0x4b4: {  	s0 =	simm.s32 @!p0 $0x0  }
0x4b5: {  	s0 =	simm.s32 @p0 $0x1;
	p0 =	por $0x0, $0x0  }
0x4b6: {  	[smem:$0x7F9] =	sst s0;
	s0 =	simm.s32 @!p0 $0x0  }
0x4b7: {  	s0 =	simm.s32 @p0 $0x1  }
0x4b8: {  	_ = 	snop  }
0x4b9: {  	p0 =	por $0x0, $0x0  }
0x4ba: {  	s1 =	simm.s32 @!p0 $0x0  }
0x4bb: {  	s1 =	simm.s32 @p0 $0x1  }
0x4bc: {  	_ = 	snop  }
0x4bd: {  	_ = 	snop  }
0x4be: {  	_ = 	snop  }
0x4bf: {  	_ = 	snop  }
0x4c0: {  	_ = 	snop  }
0x4c1: {  	_ = 	snop  }
0x4c2: {  	_ = 	snop  }
0x4c3: {  	_ = 	snop  }
0x4c4: {  	_ = 	snop  }
0x4c5: {  	_ = 	snop  }
0x4c6: {  	_ = 	snop  }
0x4c7: {  	_ = 	snop  }
0x4c8: {  	_ = 	snop  }
0x4c9: {  	_ = 	snop  }
0x4ca: {  	_ = 	snop  }
0x4cb: {  	_ = 	snop  }
0x4cc: {  	_ = 	snop  }
0x4cd: {  	_ = 	snop  }
0x4ce: {  	_ = 	snop  }
0x4cf: {  	_ = 	snop  }
0x4d0: {  	_ = 	snop  }
0x4d1: {  	_ = 	snop  }
0x4d2: {  	_ = 	snop  }
0x4d3: {  	_ = 	snop  }
0x4d4: {  	_ = 	snop  }
.Ltmp25:
0x4d5: {  	s2 =	simm.s32 $0x0;
	(pc) =	sbr.rel .LBB2_23-.Ltmp25, $4  }
0x4d6: {  	s15 =	simm.s32 $0x0;
	s28 =	simm.s32 $0x0;
	[dreg:$0x14] =	wrdreg s2  }
0x4d7: {  	s12 =	simm.s32 $0x0;
	s30 =	simm.s32 $0x80000FFF;
	s14 =	simm.s32 $0x80000FEF  }
0x4d8: {  	p3 =	por $0x0, $0x0;
	s13 =	simm.s32 $0x0;
	[smem:$0x7FA] =	sst s0  }
0x4d9: {  	v21 =	vmov v7;
	v7 =	vmov v4;
	s17 =	simm.s32 $0x0;
	s0 =	simm.s32 $0x0;
	[smem:$0x7FC] =	sst s1  }
.LBB2_12:
0x4da: {  	s1 =	simm.s32 @!p5 $0x0  }
0x4db: {  	p0 =	por $0x0, $0x0;
	s1 =	simm.s32 @p5 $0x1  }
0x4dc: {  	[smem:$0x7F6] =	sst s1;
	s1 =	simm.s32 @!p0 $0x0  }
0x4dd: {  	s1 =	simm.s32 @p0 $0x1  }
0x4de: {  	_ = 	snop  }
0x4df: {  	_ = 	snop  }
0x4e0: {  	_ = 	snop  }
0x4e1: {  	_ = 	snop  }
0x4e2: {  	_ = 	snop  }
0x4e3: {  	_ = 	snop  }
0x4e4: {  	_ = 	snop  }
0x4e5: {  	_ = 	snop  }
0x4e6: {  	_ = 	snop  }
0x4e7: {  	_ = 	snop  }
0x4e8: {  	_ = 	snop  }
0x4e9: {  	_ = 	snop  }
0x4ea: {  	_ = 	snop  }
0x4eb: {  	_ = 	snop  }
0x4ec: {  	_ = 	snop  }
0x4ed: {  	_ = 	snop  }
0x4ee: {  	_ = 	snop  }
0x4ef: {  	_ = 	snop  }
0x4f0: {  	_ = 	snop  }
0x4f1: {  	_ = 	snop  }
0x4f2: {  	_ = 	snop  }
0x4f3: {  	_ = 	snop  }
0x4f4: {  	_ = 	snop  }
0x4f5: {  	_ = 	snop  }
0x4f6: {  	_ = 	snop  }
0x4f7: {  	s2 =	simm.s32 $0x0  }
0x4f8: {  	s15 =	simm.s32 $0x0;
	s31 =	simm.s32 $0x0;
	[dreg:$0x14] =	wrdreg s2  }
0x4f9: {  	s16 =	simm.s32 $0x80000FFF;
	s28 =	smov.u32 s11;
	s30 =	simm.s32 $0x80000FEF  }
.Ltmp26:
0x4fa: {  	s12 =	simm.s32 $0x0;
	s14 =	simm.s32 $0x80000FDF;
	(pc) =	sbr.rel .LBB2_23-.Ltmp26, $4  }
0x4fb: {  	[smem:$0x7F9] =	sst s1;
	s1 =	simm.s32 @!p3 $0x0;
	p0 =	por $0x0, $0x0  }
0x4fc: {  	s13 =	simm.s32 $0x0;
	s1 =	simm.s32 @p3 $0x1;
	s2 =	simm.s32 @!p0 $0x0  }
0x4fd: {  	s17 =	simm.s32 $0x0;
	[smem:$0x7F7] =	sst s1;
	s2 =	simm.s32 @p0 $0x1  }
0x4fe: {  	v13 =	vmov v5;
	v21 =	vmov v4;
	v7 =	vmov v9;
	p2 =	por $0x0, $0x0;
	p3 =	por $0x0, $0x0;
	[smem:$0x7FC] =	sst s2  }
.LBB2_14:
0x4ff: {  	s0 =	simm.s32 @!p6 $0x0  }
0x500: {  	s8 =	sld [smem:$0x7F5];
	s0 =	simm.s32 @p6 $0x1  }
0x501: {  	[smem:$0x7F1] =	sst s0;
	s0 =	simm.s32 @!p3 $0x0  }
0x502: {  	p0 =	por $0x0, $0x0;
	s0 =	simm.s32 @p3 $0x1  }
0x503: {  	[smem:$0x7F8] =	sst s0;
	s0 =	simm.s32 @!p0 $0x0  }
0x504: {  	s0 =	simm.s32 @p0 $0x1;
	p0 =	seq.s32 s8, $0x1  }
0x505: {  	[smem:$0x7F9] =	sst s0;
	s0 =	simm.s32 @!p0 $0x0  }
0x506: {  	s0 =	simm.s32 @p0 $0x1  }
0x507: {  	_ = 	snop  }
0x508: {  	_ = 	snop  }
0x509: {  	_ = 	snop  }
0x50a: {  	_ = 	snop  }
0x50b: {  	_ = 	snop  }
0x50c: {  	_ = 	snop  }
0x50d: {  	_ = 	snop  }
0x50e: {  	_ = 	snop  }
0x50f: {  	_ = 	snop  }
0x510: {  	_ = 	snop  }
0x511: {  	_ = 	snop  }
0x512: {  	_ = 	snop  }
0x513: {  	_ = 	snop  }
0x514: {  	_ = 	snop  }
0x515: {  	_ = 	snop  }
0x516: {  	_ = 	snop  }
0x517: {  	_ = 	snop  }
0x518: {  	_ = 	snop  }
0x519: {  	_ = 	snop  }
0x51a: {  	_ = 	snop  }
0x51b: {  	s15 =	simm.s32 $0x0  }
0x51c: {  	s12 =	simm.s32 $0x0;
	s7 =	simm.s32 $0x80000FFF;
	s16 =	simm.s32 $0x80000FEF  }
0x51d: {  	s28 =	smov.u32 s2;
	s31 =	smov.u32 s11;
	s30 =	simm.s32 $0x80000FDF  }
0x51e: {  	s14 =	simm.s32 $0x80000FCF;
	s1 =	simm.s32 $0x0;
	s9 =	simm.s32 $0x0  }
0x51f: {  	s13 =	simm.s32 $0x0;
	s17 =	simm.s32 $0x0;
	s10 =	sld [smem:$0x7F3]  }
.Ltmp27:
0x520: {  	[dreg:$0x14] =	wrdreg s9;
	p6 =	por p4, p4;
	(pc) =	sbr.rel .LBB2_23-.Ltmp27, $4  }
0x521: {  	[smem:$0x7F2] =	sst s0;
	s0 =	simm.s32 @!p2 $0x0;
	p0 =	por $0x0, $0x0  }
0x522: {  	p1 =	seq.s32 s10, $0x1;
	s0 =	simm.s32 @p2 $0x1;
	s2 =	simm.s32 @!p0 $0x0  }
0x523: {  	p3 =	por $0x1, $0x1;
	[smem:$0x7F7] =	sst s0;
	s2 =	simm.s32 @p0 $0x1  }
0x524: {  	v17 =	vmovc v5;
	v13 =	vmov v3;
	v16 =	vmov v8;
	v21 =	vmov v9;
	p2 =	por $0x0, $0x0;
	s0 =	smov.u32 s4;
	[smem:$0x7FC] =	sst s2  }
.LBB2_16:
0x525: {  	s1 =	simm.s32 $0x80000FFF;
	p0 =	por $0x0, $0x0;
	s3 =	sld [smem:$0x7EF]  }
0x526: {  	[dreg:$0x17] =	wrdreg s1;
	s1 =	simm.s32 @!p0 $0x0  }
0x527: {  	s31 =	smov.u32 s2;
	s2 =	sld [smem:$0x7EC];
	s1 =	simm.s32 @p0 $0x1  }
0x528: {  	[smem:$0x7F9] =	sst s1;
	s1 =	simm.s32 @!p5 $0x0  }
0x529: {  	s6 =	sld [smem:$0x7EA];
	p1 =	seq.s32 s3, $0x1;
	s1 =	simm.s32 @p5 $0x1  }
0x52a: {  	[smem:$0x7F7] =	sst s1;
	s1 =	simm.s32 @!p1 $0x0  }
0x52b: {  	s1 =	simm.s32 @p1 $0x1  }
0x52c: {  	s10 =	sld [smem:$0x7EB]  }
0x52d: {  	p3 =	seq.s32 s2, $0x1;
	p1 =	seq.s32 s6, $0x1  }
0x52e: {  	[smem:$0x7F2] =	sst s1;
	s1 =	simm.s32 @!p1 $0x0  }
0x52f: {  	s1 =	simm.s32 @p1 $0x1;
	p1 =	seq.s32 s10, $0x1  }
0x530: {  	s6 =	sld [smem:$0x7EE];
	s2 =	simm.s32 @!p1 $0x0  }
0x531: {  	s10 =	sld [smem:$0x7ED];
	s2 =	simm.s32 @p1 $0x1  }
0x532: {  	[smem:$0x7F1] =	sst s2;
	s2 =	simm.s32 @!p4 $0x0  }
0x533: {  	p1 =	seq.s32 s6, $0x1;
	s2 =	simm.s32 @p4 $0x1  }
0x534: {  	[smem:$0x7E8] =	sst s2;
	s2 =	simm.s32 @!p1 $0x0  }
0x535: {  	p0 =	seq.s32 s10, $0x1;
	s2 =	simm.s32 @p1 $0x1  }
0x536: {  	[smem:$0x7E9] =	sst s2;
	s2 =	simm.s32 @!p0 $0x0  }
0x537: {  	s2 =	simm.s32 @p0 $0x1  }
0x538: {  	_ = 	snop  }
0x539: {  	_ = 	snop  }
0x53a: {  	_ = 	snop  }
0x53b: {  	_ = 	snop  }
0x53c: {  	_ = 	snop  }
0x53d: {  	_ = 	snop  }
0x53e: {  	_ = 	snop  }
0x53f: {  	_ = 	snop  }
0x540: {  	s15 =	simm.s32 $0x0  }
0x541: {  	s5 =	simm.s32 $0x80000FFF;
	s12 =	simm.s32 $0x0;
	s7 =	simm.s32 $0x80000FEF  }
0x542: {  	s19 =	sld [smem:$0x7F5];
	s28 =	smov.u32 s8;
	s16 =	simm.s32 $0x80000FDF  }
0x543: {  	s30 =	simm.s32 $0x80000FCF;
	s4 =	simm.s32 $0x0;
	s8 =	simm.s32 $0x0  }
.Ltmp28:
0x544: {  	s13 =	simm.s32 $0x0;
	s17 =	simm.s32 $0x0;
	(pc) =	sbr.rel .LBB2_23-.Ltmp28, $4  }
0x545: {  	p2 =	por $0x1, $0x1;
	[dreg:$0x14] =	wrdreg s8;
	p0 =	por $0x0, $0x0  }
0x546: {  	p5 =	seq.s32 s19, $0x1;
	[smem:$0x7F4] =	sst s2;
	s2 =	simm.s32 @!p0 $0x0  }
0x547: {  	v13 =	vmov v11;
	v21 =	vmov v7;
	v18 =	vmov v12;
	[smem:$0x7E7] =	sst s1;
	s1 =	smov.u32 s11;
	s2 =	simm.s32 @p0 $0x1  }
0x548: {  	v19 =	vmovc v5;
	v17 =	vmovc v3;
	v20 =	vmov v8;
	v16 =	vmov v4;
	v7 =	vmov v23;
	p1 =	por p3, p3;
	p3 =	por $0x1, $0x1;
	[smem:$0x7FC] =	sst s2  }
.LBB2_18:
0x549: {  	s1 =	sld [smem:$0x7E1]  }
0x54a: {  	s3 =	sld [smem:$0x7EF]  }
0x54b: {  	s0 =	simm.s32 @!p5 $0x0;
	s4 =	sld [smem:$0x7D9]  }
0x54c: {  	s5 =	simm.s32 $0x80000FEF;
	s6 =	sld [smem:$0x7DE];
	s0 =	simm.s32 @p5 $0x1  }
0x54d: {  	s15 =	simm.s32 $0x0;
	[smem:$0x7F2] =	sst s0;
	s0 =	simm.s32 @!p4 $0x0  }
0x54e: {  	s10 =	sld [smem:$0x7DA];
	s0 =	simm.s32 @p4 $0x1;
	p0 =	seq.s32 s4, $0x1  }
0x54f: {  	s7 =	simm.s32 $0x80000FDF;
	[smem:$0x7F7] =	sst s0;
	s0 =	simm.s32 @!p0 $0x0  }
0x550: {  	s26 =	sld [smem:$0x7DF];
	s0 =	simm.s32 @p0 $0x1;
	p0 =	seq.s32 s6, $0x1  }
0x551: {  	s16 =	simm.s32 $0x80000FCF;
	[smem:$0x7D6] =	sst s0;
	s0 =	simm.s32 @!p0 $0x0  }
0x552: {  	p1 =	seq.s32 s1, $0x1;
	s0 =	simm.s32 @p0 $0x1;
	p0 =	seq.s32 s10, $0x1  }
0x553: {  	s1 =	smov.u32 s2;
	s6 =	sld [smem:$0x7E4];
	s2 =	simm.s32 @!p0 $0x0  }
0x554: {  	s10 =	sld [smem:$0x7DB];
	s2 =	simm.s32 @p0 $0x1;
	p0 =	seq.s32 s26, $0x1  }
0x555: {  	s28 =	smov.u32 s31;
	[smem:$0x7F1] =	sst s2;
	s2 =	simm.s32 @!p0 $0x0  }
0x556: {  	s26 =	sld [smem:$0x7E2];
	s2 =	simm.s32 @p0 $0x1;
	p0 =	seq.s32 s6, $0x1  }
0x557: {  	s31 =	smov.u32 s8;
	[smem:$0x7E8] =	sst s2;
	s2 =	simm.s32 @!p0 $0x0  }
0x558: {  	s6 =	sld [smem:$0x7E3];
	s2 =	simm.s32 @p0 $0x1;
	p0 =	seq.s32 s10, $0x1  }
0x559: {  	s12 =	smov.u32 s17;
	[smem:$0x7E9] =	sst s2;
	s2 =	simm.s32 @!p0 $0x0  }
0x55a: {  	s10 =	sld [smem:$0x7DC];
	s2 =	simm.s32 @p0 $0x1;
	p0 =	seq.s32 s26, $0x1  }
0x55b: {  	s30 =	simm.s32 $0x80000FBF;
	[smem:$0x7F8] =	sst s2;
	s2 =	simm.s32 @!p0 $0x0  }
0x55c: {  	s26 =	sld [smem:$0x7DD];
	s2 =	simm.s32 @p0 $0x1;
	p0 =	seq.s32 s6, $0x1  }
0x55d: {  	s14 =	simm.s32 $0x80000FAF;
	[smem:$0x7D7] =	sst s2;
	s2 =	simm.s32 @!p0 $0x0  }
0x55e: {  	p6 =	por p3, p3;
	s2 =	simm.s32 @p0 $0x1;
	p0 =	seq.s32 s10, $0x1  }
0x55f: {  	p3 =	por $0x1, $0x1;
	[smem:$0x7D8] =	sst s2;
	s2 =	simm.s32 @!p0 $0x0  }
0x560: {  	p2 =	por $0x1, $0x1;
	s2 =	simm.s32 @p0 $0x1;
	p0 =	seq.s32 s26, $0x1  }
.Ltmp29:
0x561: {  	[smem:$0x7F4] =	sst s2;
	s2 =	simm.s32 @!p0 $0x0;
	(pc) =	sbr.rel .LBB2_23-.Ltmp29, $4  }
0x562: {  	p5 =	seq.s32 s3, $0x1;
	s2 =	simm.s32 @p0 $0x1;
	p0 =	por $0x0, $0x0  }
0x563: {  	s3 =	simm.s32 $0x0;
	[smem:$0x7F6] =	sst s2;
	s2 =	simm.s32 @!p0 $0x0  }
0x564: {  	v18 =	vmovc v15;
	v6 =	vmov v9;
	v19 =	vmov v3;
	v17 =	vmov v11;
	s4 =	smov.u32 s11;
	[smem:$0x7E7] =	sst s0;
	s2 =	simm.s32 @p0 $0x1  }
0x565: {  	v13 =	vlaneseq.u32 @!p4;
	v20 =	vmovc v4;
	v16 =	vmovc v14;
	v21 =	vmov v23;
	v7 =	vmov v22;
	s0 =	smov.u32 s13;
	s26 =	simm.s32 $0x1;
	[smem:$0x7FC] =	sst s2  }
.LBB2_20:
0x566: {  	s6 =	sld [smem:$0x7E5]  }
0x567: {  	s1 =	simm.s32 @!p6 $0x0;
	s5 =	simm.s32 $0x80000FDF;
	s31 =	rddreg [dreg:$0x14]  }
0x568: {  	s7 =	simm.s32 $0x80000FCF;
	s15 =	simm.s32 $0x0;
	s4 =	rddreg [dreg:$0x15]  }
0x569: {  	s16 =	simm.s32 $0x80000FBF;
	s14 =	simm.s32 $0x80000F9F;
	s22 =	rddreg [dreg:$0x8]  }
0x56a: {  	s11 =	smov.u32 s9;
	s3 =	smov.u32 s9;
	s23 =	rddreg [dreg:$0x9]  }
0x56b: {  	s24 =	simm.s32 $0x80;
	s29 =	simm.s32 $0x400;
	s26 =	simm.s32 $0x1  }
0x56c: {  	p2 =	por $0x1, $0x1;
	s1 =	simm.s32 @p6 $0x1;
	p0 =	seq.s32 s6, $0x1  }
0x56d: {  	s9 =	simm.s32 $0x80000FEF;
	[smem:$0x7E8] =	sst s1;
	s1 =	simm.s32 @!p0 $0x0  }
.Ltmp30:
0x56e: {  	s10 =	sld [smem:$0x7F3];
	s1 =	simm.s32 @p0 $0x1;
	(pc) =	sbr.rel .LBB2_23-.Ltmp30, $4  }
0x56f: {  	v17 =	vlaneseq.u32 @!p0;
	p0 =	por $0x1, $0x1;
	[smem:$0x7F2] =	sst s1;
	s1 =	simm.s32 @!p3 $0x0  }
0x570: {  	p6 =	por p4, p4;
	s2 =	simm.s32 @!p0 $0x0;
	s1 =	simm.s32 @p3 $0x1  }
0x571: {  	p1 =	seq.s32 s10, $0x1;
	s2 =	simm.s32 @p0 $0x1;
	[smem:$0x7F5] =	sst s1  }
0x572: {  	v19 =	vlaneseq.u32 @!p5;
	v20 =	vmov v14;
	v21 =	vmov v22;
	p3 =	por $0x1, $0x1;
	s1 =	smov.u32 s8;
	[smem:$0x7FC] =	sst s2  }
.LBB2_44:
0x573: {  	_ =	sfence.sel $0x180000  }
0x574: {  	[bflag:$0x0] =	sbarrier.arrive $0xFFFF  }
0x575: {  	_ =	strace $0x90000047  }
0x576: {  	s0 =	stileid.u32;
	[bflag:$0x2] =	sbarrier.arrive $0xFFFF  }
0x577: {  	p0 =	sne.s32 s0, $0x0;
	s0 =	rddreg [dreg:$0x6]  }
0x578: {  	s0 =	sadd.s32 @!p0 $0x100000, s0  }
0x579: {  	[sflag:s0] =	ssyncadd.tile.s32 @!p0 $0x1;
	_ =	shalt  }
.Lfunc_end2:
_tile_overlayer_lowered:
.L_overlay_start_2:
0x57a: {  	(tag) =	ssettag $0x2  }
0x57b: {  	s0 =	rddreg [dreg:$0x0];
	s2 =	stileid.u32  }
0x57c: {  	s1 =	rddreg [dreg:$0x1];
	p0 =	sne.s32 s2, $0x0  }
0x57d: {  	s3 =	rddreg [dreg:$0x2];
	[bflag:$0x3] =	sbarrier.arrive $0xFFFF;
	s2 =	simm.s32 @!p0 $0x1C01  }
0x57e: {  	[timem:s3], [sflag:s2] =	dma.local @!p0 [hbm:s0], s1  }
0x57f: {  	s0 =	simm.s32 @!p0 $0x1  }
0x580: {  	_ =	swait.ge @!p0 [sflag:s0], s1  }
0x581: {  	s1 =	ssub.s32 @!p0 $0x0, s1;
	[sflag:s0] =	ssyncset.done @!p0 $0x0  }
0x582: {  	[sflag:s0] =	ssyncadd.s32 @!p0 s1  }
0x583: {  	[bflag:$0x3] =	sbarrier.arrive $0xFFFF  }
0x584: {  	_ =	shalt  }

</sc_bundles>
